<compile_context>
chip_gen: v7x
topology: tpu7x:2x2x1
jax: 0.10.2.dev20260603
libtpu: 0.0.44.dev20260713+nightly
codegen_flags: <defaults>
</compile_context>

<pallas_src>
import functools
import math

import jax
import jax.numpy as jnp
from jax import lax
from jax.experimental import pallas as pl
from jax.experimental.pallas import tpu as pltpu
from jax.experimental.pallas import tpu_sc as plsc

N = 10000
E = 320000
D = 128
H = 4
DH = D // H
FF = 256

NC = 2
NS = 16
NW = NC * NS
EPT = E // NW
CHUNK = 40
NCHUNK = EPT // CHUNK
NP = 10240
ROWS_PT = NP // NS
W = D + 16

_INV_SQRT_DH = 1.0 / math.sqrt(DH)


def _qkv_body(x_ref, s_ref, b_ref, wq_ref, wkv_ref, q_ref, kv_ref):
    x = x_ref[...]
    m = jnp.mean(x, axis=-1, keepdims=True)
    v = jnp.var(x, axis=-1, keepdims=True)
    h = (x - m) / jnp.sqrt(v + 1e-6) * s_ref[...] + b_ref[...]
    q_ref[...] = jnp.dot(h, wq_ref[...], preferred_element_type=jnp.float32)
    kv_ref[...] = jnp.dot(h, wkv_ref[...], preferred_element_type=jnp.float32)


def _qkv_call(x, s, b, wq, wkv):
    blk = 1000
    return pl.pallas_call(
        _qkv_body,
        grid=(N // blk,),
        in_specs=[
            pl.BlockSpec((blk, D), lambda i: (i, 0)),
            pl.BlockSpec((1, D), lambda i: (0, 0)),
            pl.BlockSpec((1, D), lambda i: (0, 0)),
            pl.BlockSpec((D, D), lambda i: (0, 0)),
            pl.BlockSpec((D, 2 * D), lambda i: (0, 0)),
        ],
        out_specs=[
            pl.BlockSpec((blk, D), lambda i: (i, 0)),
            pl.BlockSpec((blk, 2 * D), lambda i: (i, 0)),
        ],
        out_shape=[
            jax.ShapeDtypeStruct((N, D), jnp.float32),
            jax.ShapeDtypeStruct((N, 2 * D), jnp.float32),
        ],
    )(x, s, b, wq, wkv)


_MESH = plsc.VectorSubcoreMesh(core_axis_name="c", subcore_axis_name="s")


@functools.partial(
    pl.kernel,
    out_type=jax.ShapeDtypeStruct((NC, NP, W), jnp.float32),
    mesh=_MESH,
    scratch_types=[
        pltpu.VMEM((2, CHUNK), jnp.int32),
        pltpu.VMEM((2, CHUNK), jnp.int32),
        pltpu.VMEM((CHUNK, D), jnp.float32),
        pltpu.VMEM((CHUNK, D), jnp.float32),
        pltpu.VMEM((CHUNK, 2 * D), jnp.float32),
        pltpu.VMEM((CHUNK, 2 * D), jnp.float32),
        pltpu.VMEM((CHUNK, W), jnp.float32),
        pltpu.VMEM_SHARED((NP, W), jnp.float32),
        pltpu.SemaphoreType.DMA,
        pltpu.SemaphoreType.DMA,
        pltpu.SemaphoreType.DMA,
        pltpu.SemaphoreType.DMA,
        pltpu.SemaphoreType.DMA,
        pltpu.SemaphoreType.DMA,
    ],
    compiler_params=pltpu.CompilerParams(use_tc_tiling_on_sc=False),
)
def _edge_kernel(q_hbm, kv_hbm, src_hbm, dst_hbm, zn_hbm, num_out,
                 idx0, idx1, qr0, qr1, kvr0, kvr1, vout, num_sh,
                 sq0, sq1, sk0, sk1, si, ssc):
    c = lax.axis_index("c")
    s = lax.axis_index("s")
    wid = s * NC + c
    r0 = s * ROWS_PT
    base = wid * EPT

    pltpu.sync_copy(zn_hbm.at[pl.ds(r0, ROWS_PT)], num_sh.at[pl.ds(r0, ROWS_PT)])
    plsc.subcore_barrier()

    li = lax.iota(jnp.int32, 16)
    x1, x2, x4, x8 = li ^ 1, li ^ 2, li ^ 4, li ^ 8
    lh = li & 3
    m0, m1, m2 = lh == 0, lh == 1, lh == 2
    mh = li < 4
    hsplat = [jnp.full((16,), h, jnp.int32) for h in range(H)]

    def _shuf(v, idx):
        return lax.gather(
            v, idx[:, None],
            lax.GatherDimensionNumbers(offset_dims=(),
                                       collapsed_slice_dims=(0,),
                                       start_index_map=(0,)),
            slice_sizes=(1,),
            mode=lax.GatherScatterMode.PROMISE_IN_BOUNDS)

    idxb = (idx0, idx1)
    qrb = (qr0, qr1)
    kvrb = (kvr0, kvr1)
    sqb = (sq0, sq1)
    skb = (sk0, sk1)

    def _idx_copies(off, p):
        return (
            (src_hbm.at[pl.ds(off, CHUNK)], idxb[p].at[0]),
            (dst_hbm.at[pl.ds(off, CHUNK)], idxb[p].at[1]),
        )

    def _gathers(p):
        return (
            (q_hbm.at[idxb[p].at[1]], qrb[p], sqb[p]),
            (kv_hbm.at[idxb[p].at[0]], kvrb[p], skb[p]),
        )

    def _scatter(p):
        return (vout, num_sh.at[idxb[p].at[1]])

    def _compute(p):
        q_rows = qrb[p]
        kv_rows = kvrb[p]

        def edge_body(e, carry):
            prods = [q_rows[e, pl.ds(16 * j, 16)] * kv_rows[e, pl.ds(16 * j, 16)]
                     for j in range(8)]
            grp = []
            for h in range(H):
                t = prods[2 * h] + prods[2 * h + 1]
                t = t + _shuf(t, x1)
                t = t + _shuf(t, x2)
                grp.append(t)
            g = jnp.where(m0, grp[0],
                          jnp.where(m1, grp[1], jnp.where(m2, grp[2], grp[3])))
            g = g + _shuf(g, x4)
            g = g + _shuf(g, x8)
            ev = jnp.exp(g * _INV_SQRT_DH)
            ehb = [_shuf(ev, hsplat[h]) for h in range(H)]
            for j in range(8):
                vj = kv_rows[e, pl.ds(D + 16 * j, 16)]
                vout[e, pl.ds(16 * j, 16)] = vj * ehb[j // 2]
            vout[e, pl.ds(D, 16)] = jnp.where(mh, ev, 0.0)
            return carry

        lax.fori_loop(0, CHUNK, edge_body, 0, unroll=4)

    for sc_, dc_ in _idx_copies(base, 0):
        pltpu.sync_copy(sc_, dc_)
    for sc_, dc_, sm_ in _gathers(0):
        pltpu.async_copy(sc_, dc_, sm_)

    def pipe_body(t, carry):
        for b in (0, 1):
            p, nb = b, 1 - b
            j = 2 * t + b
            offn = base + jnp.minimum(j + 1, NCHUNK - 1) * CHUNK

            def _wait_prev():
                wsrc, wdst = _scatter(nb)
                pltpu.make_async_copy(wsrc, wdst, ssc).wait()
            if b == 0:
                pl.when(t > 0)(_wait_prev)
            else:
                _wait_prev()
            for sc_, dc_ in _idx_copies(offn, nb):
                pltpu.async_copy(sc_, dc_, si)
            for sc_, dc_, sm_ in _gathers(p):
                pltpu.make_async_copy(sc_, dc_, sm_).wait()
            for sc_, dc_ in _idx_copies(offn, nb):
                pltpu.make_async_copy(sc_, dc_, si).wait()
            for sc_, dc_, sm_ in _gathers(nb):
                pltpu.async_copy(sc_, dc_, sm_)
            _compute(p)
            ssrc, sdst = _scatter(p)
            pltpu.async_copy(ssrc, sdst, ssc, add=True)
        return carry

    lax.fori_loop(0, NCHUNK // 2, pipe_body, 0)

    wsrc, wdst = _scatter(1)
    pltpu.make_async_copy(wsrc, wdst, ssc).wait()
    for sc_, dc_, sm_ in _gathers(0):
        pltpu.make_async_copy(sc_, dc_, sm_).wait()
    plsc.subcore_barrier()

    pltpu.sync_copy(num_sh.at[pl.ds(r0, ROWS_PT)],
                    num_out.at[c, pl.ds(r0, ROWS_PT)])


def _out_body(x_ref, num_ref, r_ref, wo_ref, s_ref, b_ref,
              w1_ref, b1_ref, w2_ref, b2_ref, o_ref):
    acc = num_ref[0] + num_ref[1]
    num = acc[:, :D]
    den = acc[:, D:]
    denb = jnp.dot(den, r_ref[...], preferred_element_type=jnp.float32)
    agg = num / (denb + 1e-9)
    n1 = jnp.dot(agg, wo_ref[...], preferred_element_type=jnp.float32)
    n2 = x_ref[...] + n1
    m = jnp.mean(n2, axis=-1, keepdims=True)
    v = jnp.var(n2, axis=-1, keepdims=True)
    h2 = (n2 - m) / jnp.sqrt(v + 1e-6) * s_ref[...] + b_ref[...]
    t = jax.nn.gelu(jnp.dot(h2, w1_ref[...], preferred_element_type=jnp.float32)
                    + b1_ref[...])
    n3 = jnp.dot(t, w2_ref[...], preferred_element_type=jnp.float32) + b2_ref[...]
    o_ref[...] = n2 + n3


def _out_call(x, num2, r, wo, s, b, w1, b1, w2, b2):
    blk = 1000
    return pl.pallas_call(
        _out_body,
        grid=(N // blk,),
        in_specs=[
            pl.BlockSpec((blk, D), lambda i: (i, 0)),
            pl.BlockSpec((NC, blk, W), lambda i: (0, i, 0)),
            pl.BlockSpec((16, D), lambda i: (0, 0)),
            pl.BlockSpec((D, D), lambda i: (0, 0)),
            pl.BlockSpec((1, D), lambda i: (0, 0)),
            pl.BlockSpec((1, D), lambda i: (0, 0)),
            pl.BlockSpec((D, FF), lambda i: (0, 0)),
            pl.BlockSpec((1, FF), lambda i: (0, 0)),
            pl.BlockSpec((FF, D), lambda i: (0, 0)),
            pl.BlockSpec((1, D), lambda i: (0, 0)),
        ],
        out_specs=pl.BlockSpec((blk, D), lambda i: (i, 0)),
        out_shape=jax.ShapeDtypeStruct((N, D), jnp.float32),
    )(x, num2, r, wo, s, b, w1, b1, w2, b2)


def kernel(x, edge_index, ln1_s, ln1_b, ln2_s, ln2_b,
           Wq, Wk, Wv, Wo, W1, b1, W2, b2):
    wkv = jnp.concatenate([Wk, Wv], axis=1)
    q, kv = _qkv_call(x, ln1_s.reshape(1, D), ln1_b.reshape(1, D), Wq, wkv)
    src = edge_index[0]
    dst = edge_index[1]
    zn = jnp.zeros((NP, W), jnp.float32)
    num2 = _edge_kernel(q, kv, src, dst, zn)
    r = (jnp.arange(16)[:, None] == (jnp.arange(D)[None, :] // DH)
         ).astype(jnp.float32)
    return _out_call(x, num2, r, Wo, ln2_s.reshape(1, D),
                     ln2_b.reshape(1, D), W1, b1.reshape(1, FF), W2,
                     b2.reshape(1, D))

# --- scband reference (transcript-rebuilt; emitter-appended) ---
"""Pipeline reference for scband-graph-attention-block-16028817949093 (READ-ONLY COPY).

The authoritative reference and input builder live on the scoring server;
editing this copy changes nothing except your own understanding.
"""

import jax, jax.numpy as jnp
import numpy as np

N = 10000
E = 320000
D = 128
H = 4
DH = D // H
FF = 256


def layer_norm(x, s, b):
    m = jnp.mean(x, axis=-1, keepdims=True)
    v = jnp.var(x, axis=-1, keepdims=True)
    return (x - m) / jnp.sqrt(v + 1e-6) * s + b


def setup_inputs(seed: int = 0) -> dict:
    key = jax.random.key(seed)
    ks = jax.random.split(key, 16)
    x = jax.random.normal(ks[0], (N, D), dtype=jnp.float32)
    edge_index = jax.random.randint(ks[1], (2, E), 0, N, dtype=jnp.int32)
    sc = 1.0 / np.sqrt(D)
    Wq = jax.random.normal(ks[2], (D, D), jnp.float32) * sc
    Wk = jax.random.normal(ks[3], (D, D), jnp.float32) * sc
    Wv = jax.random.normal(ks[4], (D, D), jnp.float32) * sc
    Wo = jax.random.normal(ks[5], (D, D), jnp.float32) * sc
    W1 = jax.random.normal(ks[6], (D, FF), jnp.float32) * sc
    b1 = jnp.zeros((FF,), jnp.float32)
    W2 = jax.random.normal(ks[7], (FF, D), jnp.float32) / np.sqrt(FF)
    b2 = jnp.zeros((D,), jnp.float32)
    ln1_s = jnp.ones((D,), jnp.float32)
    ln1_b = jnp.zeros((D,), jnp.float32)
    ln2_s = jnp.ones((D,), jnp.float32)
    ln2_b = jnp.zeros((D,), jnp.float32)
    return {"x": x, "edge_index": edge_index, "ln1_s": ln1_s, "ln1_b": ln1_b,
            "ln2_s": ln2_s, "ln2_b": ln2_b, "Wq": Wq, "Wk": Wk, "Wv": Wv,
            "Wo": Wo, "W1": W1, "b1": b1, "W2": W2, "b2": b2}


def reference(x, edge_index, ln1_s, ln1_b, ln2_s, ln2_b, Wq, Wk, Wv, Wo, W1, b1, W2, b2):
    src = edge_index[0]
    dst = edge_index[1]
    n0 = x
    # pre-norm
    h = layer_norm(n0, ln1_s, ln1_b)
    # multi-head graph attention (dot-product over edges, segment softmax per dst)
    q = (h @ Wq).reshape(N, H, DH)
    k = (h @ Wk).reshape(N, H, DH)
    v = (h @ Wv).reshape(N, H, DH)
    qe = q[dst]                      # [E, H, DH] gather
    ke = k[src]
    ve = v[src]
    logits = jnp.sum(qe * ke, axis=-1) / np.sqrt(DH)   # [E, H]
    mx = jax.ops.segment_max(logits, dst, num_segments=N)
    mx = jnp.where(jnp.isfinite(mx), mx, 0.0)
    ex = jnp.exp(logits - mx[dst])
    den = jax.ops.segment_sum(ex, dst, num_segments=N)
    attn = ex / (den[dst] + 1e-9)                      # [E, H]
    agg = jax.ops.segment_sum(attn[..., None] * ve, dst, num_segments=N)  # [N, H, DH]
    n1 = agg.reshape(N, D) @ Wo
    # residual (dropout p=0 -> identity)
    n2 = n0 + n1
    # FFN branch with its own layernorm
    h2 = layer_norm(n2, ln2_s, ln2_b)
    n3 = jax.nn.gelu(h2 @ W1 + b1) @ W2 + b2
    return n2 + n3

if __name__ == "__main__":
    import jax
    _d = setup_inputs()
    print(jax.jit(kernel)(*tuple(_d.values())))

</pallas_src>

<mosaic_0001>
#map = affine_map<(d0, d1) -> (0, 0)>
#map1 = affine_map<(d0, d1) -> (0)>
#map2 = affine_map<(d0, d1) -> (0, 0, 0)>
module attributes {stable_mosaic.version = 14 : i64} {
  func.func @_edge_kernel(%arg0: i32, %arg1: i32, %arg2: memref<10000x128xf32, #tpu.memory_space<hbm>>, %arg3: memref<10000x256xf32, #tpu.memory_space<hbm>>, %arg4: memref<320000xi32, #tpu.memory_space<hbm>>, %arg5: memref<320000xi32, #tpu.memory_space<hbm>>, %arg6: memref<10240x144xf32, #tpu.memory_space<hbm>>, %arg7: memref<2x10240x144xf32, #tpu.memory_space<hbm>>, %arg8: memref<2x40xi32, #tpu.memory_space<vmem>>, %arg9: memref<2x40xi32, #tpu.memory_space<vmem>>, %arg10: memref<40x128xf32, #tpu.memory_space<vmem>>, %arg11: memref<40x128xf32, #tpu.memory_space<vmem>>, %arg12: memref<40x256xf32, #tpu.memory_space<vmem>>, %arg13: memref<40x256xf32, #tpu.memory_space<vmem>>, %arg14: memref<40x144xf32, #tpu.memory_space<vmem>>, %arg15: memref<10240x144xf32, #tpu.memory_space<vmem_shared>>, %arg16: memref<!tpu.dma_semaphore, #tpu.memory_space<semaphore_mem>>, %arg17: memref<!tpu.dma_semaphore, #tpu.memory_space<semaphore_mem>>, %arg18: memref<!tpu.dma_semaphore, #tpu.memory_space<semaphore_mem>>, %arg19: memref<!tpu.dma_semaphore, #tpu.memory_space<semaphore_mem>>, %arg20: memref<!tpu.dma_semaphore, #tpu.memory_space<semaphore_mem>>, %arg21: memref<!tpu.dma_semaphore, #tpu.memory_space<semaphore_mem>>) attributes {dimension_semantics = [#tpu.dimension_semantics<core_parallel>, #tpu.dimension_semantics<subcore_parallel>], iteration_bounds = array<i64: 2, 16>, scalar_prefetch = 0 : i64, scratch_operands = 14 : i64, tpu.core_type = #tpu.core_type<sc_vector_subcore>, window_params = [{transform_indices = #map}, {transform_indices = #map}, {transform_indices = #map1}, {transform_indices = #map1}, {transform_indices = #map}, {transform_indices = #map2}]} {
    %mul3A = arith.constant 2 : i32
    %mul3A_0 = arith.muli %arg1, %mul3A : i32
    %add3A = arith.addi %mul3A_0, %arg0 : i32
    %mul3A_1 = arith.constant 640 : i32
    %mul3A_2 = arith.muli %arg1, %mul3A_1 : i32
    %mul3A_3 = arith.constant 10000 : i32
    %mul3A_4 = arith.muli %add3A, %mul3A_3 : i32
    "tpu.region"() ({
      %run_scoped3A_75 = tpu.sem_alloc : memref<!tpu.dma_semaphore, #tpu.memory_space<semaphore_mem>>
      %dma_start3A_76 = arith.constant 0 : i32
      %dma_start3A_77 = tpu.memref_slice %arg15[%mul3A_2, %dma_start3A_76] : memref<10240x144xf32, #tpu.memory_space<vmem_shared>> -> memref<640x144xf32, #tpu.memory_space<vmem_shared>>
      %dma_start3A_78 = arith.constant 0 : i32
      %dma_start3A_79 = tpu.memref_slice %arg6[%mul3A_2, %dma_start3A_78] : memref<10240x144xf32, #tpu.memory_space<hbm>> -> memref<640x144xf32, #tpu.memory_space<hbm>>
      tpu.enqueue_dma source(%dma_start3A_79 : memref<640x144xf32, #tpu.memory_space<hbm>>) target(%dma_start3A_77 : memref<640x144xf32, #tpu.memory_space<vmem_shared>>) target_semaphore(%run_scoped3A_75 : memref<!tpu.dma_semaphore, #tpu.memory_space<semaphore_mem>>)
      %dma_wait3A_80 = arith.constant 0 : i32
      %dma_wait3A_81 = tpu.memref_slice %arg15[%mul3A_2, %dma_wait3A_80] : memref<10240x144xf32, #tpu.memory_space<vmem_shared>> -> memref<640x144xf32, #tpu.memory_space<vmem_shared>>
      %dma_wait3A_82 = arith.constant 0 : i32
      %dma_wait3A_83 = tpu.memref_slice %arg6[%mul3A_2, %dma_wait3A_82] : memref<10240x144xf32, #tpu.memory_space<hbm>> -> memref<640x144xf32, #tpu.memory_space<hbm>>
      tpu.wait_dma2 semaphore(%run_scoped3A_75 : memref<!tpu.dma_semaphore, #tpu.memory_space<semaphore_mem>>) src(%dma_wait3A_83 : memref<640x144xf32, #tpu.memory_space<hbm>>) dst(%dma_wait3A_81 : memref<640x144xf32, #tpu.memory_space<vmem_shared>>)
      tpu.yield
    }) : () -> ()
    %barrier3A = arith.constant 0 : index
    tpu.barrier barrier_id(%barrier3A)
    %iota3A = tpu.iota {dimensions = array<i32: 0>} : vector<16xi32>
    %xor3A = arith.constant 1 : i32
    %xor3A_5 = vector.broadcast %xor3A : i32 to vector<16xi32>
    %xor3A_6 = arith.xori %iota3A, %xor3A_5 : vector<16xi32>
    %xor3A_7 = arith.constant 2 : i32
    %xor3A_8 = vector.broadcast %xor3A_7 : i32 to vector<16xi32>
    %xor3A_9 = arith.xori %iota3A, %xor3A_8 : vector<16xi32>
    %xor3A_10 = arith.constant 4 : i32
    %xor3A_11 = vector.broadcast %xor3A_10 : i32 to vector<16xi32>
    %xor3A_12 = arith.xori %iota3A, %xor3A_11 : vector<16xi32>
    %xor3A_13 = arith.constant 8 : i32
    %xor3A_14 = vector.broadcast %xor3A_13 : i32 to vector<16xi32>
    %xor3A_15 = arith.xori %iota3A, %xor3A_14 : vector<16xi32>
    %and3A = arith.constant 3 : i32
    %and3A_16 = vector.broadcast %and3A : i32 to vector<16xi32>
    %and3A_17 = arith.andi %iota3A, %and3A_16 : vector<16xi32>
    %eq3A = arith.constant 0 : i32
    %eq3A_18 = vector.broadcast %eq3A : i32 to vector<16xi32>
    %eq3A_19 = arith.cmpi eq, %and3A_17, %eq3A_18 : vector<16xi32>
    %eq3A_20 = arith.constant 1 : i32
    %eq3A_21 = vector.broadcast %eq3A_20 : i32 to vector<16xi32>
    %eq3A_22 = arith.cmpi eq, %and3A_17, %eq3A_21 : vector<16xi32>
    %eq3A_23 = arith.constant 2 : i32
    %eq3A_24 = vector.broadcast %eq3A_23 : i32 to vector<16xi32>
    %eq3A_25 = arith.cmpi eq, %and3A_17, %eq3A_24 : vector<16xi32>
    %lt3A = arith.constant 4 : i32
    %lt3A_26 = vector.broadcast %lt3A : i32 to vector<16xi32>
    %lt3A_27 = arith.cmpi slt, %iota3A, %lt3A_26 : vector<16xi32>
    %broadcast_in_dim3A = arith.constant 0 : i32
    %broadcast_in_dim3A_28 = vector.broadcast %broadcast_in_dim3A : i32 to vector<16xi32>
    %broadcast_in_dim3A_29 = arith.constant 1 : i32
    %broadcast_in_dim3A_30 = vector.broadcast %broadcast_in_dim3A_29 : i32 to vector<16xi32>
    %broadcast_in_dim3A_31 = arith.constant 2 : i32
    %broadcast_in_dim3A_32 = vector.broadcast %broadcast_in_dim3A_31 : i32 to vector<16xi32>
    %broadcast_in_dim3A_33 = arith.constant 3 : i32
    %broadcast_in_dim3A_34 = vector.broadcast %broadcast_in_dim3A_33 : i32 to vector<16xi32>
    %run_scoped3A = arith.constant 0 : i32
    "tpu.region"() ({
      %run_scoped3A_75 = tpu.sem_alloc : memref<!tpu.dma_semaphore, #tpu.memory_space<semaphore_mem>>
      %dma_start3A_76 = arith.constant 0 : i32
      %dma_start3A_77 = tpu.memref_slice %arg8[%run_scoped3A, %dma_start3A_76] : memref<2x40xi32, #tpu.memory_space<vmem>> -> memref<1x40xi32, #tpu.memory_space<vmem>>
      %dma_start3A_78 = tpu.memref_squeeze %dma_start3A_77 : memref<1x40xi32, #tpu.memory_space<vmem>> -> memref<40xi32, #tpu.memory_space<vmem>>
      %dma_start3A_79 = tpu.memref_slice %arg4[%mul3A_4] : memref<320000xi32, #tpu.memory_space<hbm>> -> memref<40xi32, #tpu.memory_space<hbm>>
      %dma_start3A_80 = arith.constant 0 : i32
      %dma_start3A_81 = tpu.memref_slice %arg8[%run_scoped3A, %dma_start3A_80] : memref<2x40xi32, #tpu.memory_space<vmem>> -> memref<1x40xi32, #tpu.memory_space<vmem>>
      %dma_start3A_82 = tpu.memref_squeeze %dma_start3A_81 : memref<1x40xi32, #tpu.memory_space<vmem>> -> memref<40xi32, #tpu.memory_space<vmem>>
      %dma_start3A_83 = tpu.memref_slice %arg4[%mul3A_4] : memref<320000xi32, #tpu.memory_space<hbm>> -> memref<40xi32, #tpu.memory_space<hbm>>
      tpu.enqueue_dma source(%dma_start3A_83 : memref<40xi32, #tpu.memory_space<hbm>>) target(%dma_start3A_82 : memref<40xi32, #tpu.memory_space<vmem>>) target_semaphore(%run_scoped3A_75 : memref<!tpu.dma_semaphore, #tpu.memory_space<semaphore_mem>>)
      %dma_wait3A_84 = arith.constant 0 : i32
      %dma_wait3A_85 = tpu.memref_slice %arg8[%run_scoped3A, %dma_wait3A_84] : memref<2x40xi32, #tpu.memory_space<vmem>> -> memref<1x40xi32, #tpu.memory_space<vmem>>
      %dma_wait3A_86 = tpu.memref_squeeze %dma_wait3A_85 : memref<1x40xi32, #tpu.memory_space<vmem>> -> memref<40xi32, #tpu.memory_space<vmem>>
      %dma_wait3A_87 = tpu.memref_slice %arg4[%mul3A_4] : memref<320000xi32, #tpu.memory_space<hbm>> -> memref<40xi32, #tpu.memory_space<hbm>>
      %dma_wait3A_88 = arith.constant 0 : i32
      %dma_wait3A_89 = tpu.memref_slice %arg8[%run_scoped3A, %dma_wait3A_88] : memref<2x40xi32, #tpu.memory_space<vmem>> -> memref<1x40xi32, #tpu.memory_space<vmem>>
      %dma_wait3A_90 = tpu.memref_squeeze %dma_wait3A_89 : memref<1x40xi32, #tpu.memory_space<vmem>> -> memref<40xi32, #tpu.memory_space<vmem>>
      %dma_wait3A_91 = tpu.memref_slice %arg4[%mul3A_4] : memref<320000xi32, #tpu.memory_space<hbm>> -> memref<40xi32, #tpu.memory_space<hbm>>
      tpu.wait_dma2 semaphore(%run_scoped3A_75 : memref<!tpu.dma_semaphore, #tpu.memory_space<semaphore_mem>>) src(%dma_wait3A_91 : memref<40xi32, #tpu.memory_space<hbm>>) dst(%dma_wait3A_90 : memref<40xi32, #tpu.memory_space<vmem>>)
      tpu.yield
    }) : () -> ()
    %run_scoped3A_35 = arith.constant 1 : i32
    "tpu.region"() ({
      %run_scoped3A_75 = tpu.sem_alloc : memref<!tpu.dma_semaphore, #tpu.memory_space<semaphore_mem>>
      %dma_start3A_76 = arith.constant 0 : i32
      %dma_start3A_77 = tpu.memref_slice %arg8[%run_scoped3A_35, %dma_start3A_76] : memref<2x40xi32, #tpu.memory_space<vmem>> -> memref<1x40xi32, #tpu.memory_space<vmem>>
      %dma_start3A_78 = tpu.memref_squeeze %dma_start3A_77 : memref<1x40xi32, #tpu.memory_space<vmem>> -> memref<40xi32, #tpu.memory_space<vmem>>
      %dma_start3A_79 = tpu.memref_slice %arg5[%mul3A_4] : memref<320000xi32, #tpu.memory_space<hbm>> -> memref<40xi32, #tpu.memory_space<hbm>>
      %dma_start3A_80 = arith.constant 0 : i32
      %dma_start3A_81 = tpu.memref_slice %arg8[%run_scoped3A_35, %dma_start3A_80] : memref<2x40xi32, #tpu.memory_space<vmem>> -> memref<1x40xi32, #tpu.memory_space<vmem>>
      %dma_start3A_82 = tpu.memref_squeeze %dma_start3A_81 : memref<1x40xi32, #tpu.memory_space<vmem>> -> memref<40xi32, #tpu.memory_space<vmem>>
      %dma_start3A_83 = tpu.memref_slice %arg5[%mul3A_4] : memref<320000xi32, #tpu.memory_space<hbm>> -> memref<40xi32, #tpu.memory_space<hbm>>
      tpu.enqueue_dma source(%dma_start3A_83 : memref<40xi32, #tpu.memory_space<hbm>>) target(%dma_start3A_82 : memref<40xi32, #tpu.memory_space<vmem>>) target_semaphore(%run_scoped3A_75 : memref<!tpu.dma_semaphore, #tpu.memory_space<semaphore_mem>>)
      %dma_wait3A_84 = arith.constant 0 : i32
      %dma_wait3A_85 = tpu.memref_slice %arg8[%run_scoped3A_35, %dma_wait3A_84] : memref<2x40xi32, #tpu.memory_space<vmem>> -> memref<1x40xi32, #tpu.memory_space<vmem>>
      %dma_wait3A_86 = tpu.memref_squeeze %dma_wait3A_85 : memref<1x40xi32, #tpu.memory_space<vmem>> -> memref<40xi32, #tpu.memory_space<vmem>>
      %dma_wait3A_87 = tpu.memref_slice %arg5[%mul3A_4] : memref<320000xi32, #tpu.memory_space<hbm>> -> memref<40xi32, #tpu.memory_space<hbm>>
      %dma_wait3A_88 = arith.constant 0 : i32
      %dma_wait3A_89 = tpu.memref_slice %arg8[%run_scoped3A_35, %dma_wait3A_88] : memref<2x40xi32, #tpu.memory_space<vmem>> -> memref<1x40xi32, #tpu.memory_space<vmem>>
      %dma_wait3A_90 = tpu.memref_squeeze %dma_wait3A_89 : memref<1x40xi32, #tpu.memory_space<vmem>> -> memref<40xi32, #tpu.memory_space<vmem>>
      %dma_wait3A_91 = tpu.memref_slice %arg5[%mul3A_4] : memref<320000xi32, #tpu.memory_space<hbm>> -> memref<40xi32, #tpu.memory_space<hbm>>
      tpu.wait_dma2 semaphore(%run_scoped3A_75 : memref<!tpu.dma_semaphore, #tpu.memory_space<semaphore_mem>>) src(%dma_wait3A_91 : memref<40xi32, #tpu.memory_space<hbm>>) dst(%dma_wait3A_90 : memref<40xi32, #tpu.memory_space<vmem>>)
      tpu.yield
    }) : () -> ()
    %dma_start3A = arith.constant 1 : i32
    %dma_start3A_36 = arith.constant 0 : i32
    %dma_start3A_37 = tpu.memref_slice %arg8[%dma_start3A, %dma_start3A_36] : memref<2x40xi32, #tpu.memory_space<vmem>> -> memref<1x40xi32, #tpu.memory_space<vmem>>
    %dma_start3A_38 = tpu.memref_squeeze %dma_start3A_37 : memref<1x40xi32, #tpu.memory_space<vmem>> -> memref<40xi32, #tpu.memory_space<vmem>>
    %dma_start3A_39 = arith.constant 0 : i32
    %dma_start3A_40 = arith.constant 0 : i32
    %dma_start3A_41 = tpu.memref_slice %arg2[%dma_start3A_39, %dma_start3A_40] : memref<10000x128xf32, #tpu.memory_space<hbm>> -> memref<10000x128xf32, #tpu.memory_space<hbm>>
    tpu.enqueue_indirect_dma source(%dma_start3A_41 : memref<10000x128xf32, #tpu.memory_space<hbm>>) target(%arg10 : memref<40x128xf32, #tpu.memory_space<vmem>>) offsets(%dma_start3A_38 : memref<40xi32, #tpu.memory_space<vmem>>) semaphore(%arg16 : memref<!tpu.dma_semaphore, #tpu.memory_space<semaphore_mem>>)
    %dma_start3A_42 = arith.constant 0 : i32
    %dma_start3A_43 = arith.constant 0 : i32
    %dma_start3A_44 = tpu.memref_slice %arg8[%dma_start3A_42, %dma_start3A_43] : memref<2x40xi32, #tpu.memory_space<vmem>> -> memref<1x40xi32, #tpu.memory_space<vmem>>
    %dma_start3A_45 = tpu.memref_squeeze %dma_start3A_44 : memref<1x40xi32, #tpu.memory_space<vmem>> -> memref<40xi32, #tpu.memory_space<vmem>>
    %dma_start3A_46 = arith.constant 0 : i32
    %dma_start3A_47 = arith.constant 0 : i32
    %dma_start3A_48 = tpu.memref_slice %arg3[%dma_start3A_46, %dma_start3A_47] : memref<10000x256xf32, #tpu.memory_space<hbm>> -> memref<10000x256xf32, #tpu.memory_space<hbm>>
    tpu.enqueue_indirect_dma source(%dma_start3A_48 : memref<10000x256xf32, #tpu.memory_space<hbm>>) target(%arg12 : memref<40x256xf32, #tpu.memory_space<vmem>>) offsets(%dma_start3A_45 : memref<40xi32, #tpu.memory_space<vmem>>) semaphore(%arg18 : memref<!tpu.dma_semaphore, #tpu.memory_space<semaphore_mem>>)
    %scan3A = arith.constant 0 : i32
    %scan3A_49 = arith.constant 0 : i32
    %scan3A_50 = arith.constant 125 : i32
    %scan3A_51 = arith.addi %scan3A_49, %scan3A_50 : i32
    %scan3A_52 = arith.constant 1 : i32
    scf.for %scan3A_75 = %scan3A_49 to %scan3A_51 step %scan3A_52  : i32 {
      %mul3A_76 = arith.constant 2 : i32
      %mul3A_77 = arith.muli %mul3A_76, %scan3A_75 : i32
      %add3A_78 = arith.constant 0 : i32
      %add3A_79 = arith.addi %mul3A_77, %add3A_78 : i32
      %add3A_80 = arith.constant 1 : i32
      %add3A_81 = arith.addi %add3A_79, %add3A_80 : i32
      %min3A = arith.constant 249 : i32
      %min3A_82 = arith.minsi %add3A_81, %min3A : i32
      %mul3A_83 = arith.constant 40 : i32
      %mul3A_84 = arith.muli %min3A_82, %mul3A_83 : i32
      %add3A_85 = arith.addi %mul3A_4, %mul3A_84 : i32
      %gt3A = arith.constant 0 : i32
      %gt3A_86 = arith.cmpi sgt, %scan3A_75, %gt3A : i32
      %convert_element_type3A = arith.extui %gt3A_86 : i1 to i32
      %cond3A = arith.constant 0 : i32
      %cond3A_87 = arith.cmpi ne, %convert_element_type3A, %cond3A : i32
      scf.if %cond3A_87 {
        %dma_wait3A_260 = arith.constant 1 : i32
        %dma_wait3A_261 = arith.constant 0 : i32
        %dma_wait3A_262 = tpu.memref_slice %arg9[%dma_wait3A_260, %dma_wait3A_261] : memref<2x40xi32, #tpu.memory_space<vmem>> -> memref<1x40xi32, #tpu.memory_space<vmem>>
        %dma_wait3A_263 = tpu.memref_squeeze %dma_wait3A_262 : memref<1x40xi32, #tpu.memory_space<vmem>> -> memref<40xi32, #tpu.memory_space<vmem>>
        %dma_wait3A_264 = arith.constant 0 : i32
        %dma_wait3A_265 = arith.constant 0 : i32
        %dma_wait3A_266 = tpu.memref_slice %arg15[%dma_wait3A_264, %dma_wait3A_265] : memref<10240x144xf32, #tpu.memory_space<vmem_shared>> -> memref<10240x144xf32, #tpu.memory_space<vmem_shared>>
        tpu.wait_indirect_dma semaphore(%arg21 : memref<!tpu.dma_semaphore, #tpu.memory_space<semaphore_mem>>) src(%arg14 : memref<40x144xf32, #tpu.memory_space<vmem>>) dst(%dma_wait3A_266 : memref<10240x144xf32, #tpu.memory_space<vmem_shared>>)
      } else {
      }
      %dma_start3A_88 = arith.constant 0 : i32
      %dma_start3A_89 = arith.constant 0 : i32
      %dma_start3A_90 = tpu.memref_slice %arg9[%dma_start3A_88, %dma_start3A_89] : memref<2x40xi32, #tpu.memory_space<vmem>> -> memref<1x40xi32, #tpu.memory_space<vmem>>
      %dma_start3A_91 = tpu.memref_squeeze %dma_start3A_90 : memref<1x40xi32, #tpu.memory_space<vmem>> -> memref<40xi32, #tpu.memory_space<vmem>>
      %dma_start3A_92 = tpu.memref_slice %arg4[%add3A_85] : memref<320000xi32, #tpu.memory_space<hbm>> -> memref<40xi32, #tpu.memory_space<hbm>>
      %dma_start3A_93 = arith.constant 0 : i32
      %dma_start3A_94 = tpu.memref_slice %arg9[%dma_start3A_88, %dma_start3A_93] : memref<2x40xi32, #tpu.memory_space<vmem>> -> memref<1x40xi32, #tpu.memory_space<vmem>>
      %dma_start3A_95 = tpu.memref_squeeze %dma_start3A_94 : memref<1x40xi32, #tpu.memory_space<vmem>> -> memref<40xi32, #tpu.memory_space<vmem>>
      %dma_start3A_96 = tpu.memref_slice %arg4[%add3A_85] : memref<320000xi32, #tpu.memory_space<hbm>> -> memref<40xi32, #tpu.memory_space<hbm>>
      tpu.enqueue_dma source(%dma_start3A_96 : memref<40xi32, #tpu.memory_space<hbm>>) target(%dma_start3A_95 : memref<40xi32, #tpu.memory_space<vmem>>) target_semaphore(%arg20 : memref<!tpu.dma_semaphore, #tpu.memory_space<semaphore_mem>>)
      %dma_start3A_97 = arith.constant 1 : i32
      %dma_start3A_98 = arith.constant 0 : i32
      %dma_start3A_99 = tpu.memref_slice %arg9[%dma_start3A_97, %dma_start3A_98] : memref<2x40xi32, #tpu.memory_space<vmem>> -> memref<1x40xi32, #tpu.memory_space<vmem>>
      %dma_start3A_100 = tpu.memref_squeeze %dma_start3A_99 : memref<1x40xi32, #tpu.memory_space<vmem>> -> memref<40xi32, #tpu.memory_space<vmem>>
      %dma_start3A_101 = tpu.memref_slice %arg5[%add3A_85] : memref<320000xi32, #tpu.memory_space<hbm>> -> memref<40xi32, #tpu.memory_space<hbm>>
      %dma_start3A_102 = arith.constant 0 : i32
      %dma_start3A_103 = tpu.memref_slice %arg9[%dma_start3A_97, %dma_start3A_102] : memref<2x40xi32, #tpu.memory_space<vmem>> -> memref<1x40xi32, #tpu.memory_space<vmem>>
      %dma_start3A_104 = tpu.memref_squeeze %dma_start3A_103 : memref<1x40xi32, #tpu.memory_space<vmem>> -> memref<40xi32, #tpu.memory_space<vmem>>
      %dma_start3A_105 = tpu.memref_slice %arg5[%add3A_85] : memref<320000xi32, #tpu.memory_space<hbm>> -> memref<40xi32, #tpu.memory_space<hbm>>
      tpu.enqueue_dma source(%dma_start3A_105 : memref<40xi32, #tpu.memory_space<hbm>>) target(%dma_start3A_104 : memref<40xi32, #tpu.memory_space<vmem>>) target_semaphore(%arg20 : memref<!tpu.dma_semaphore, #tpu.memory_space<semaphore_mem>>)
      %dma_wait3A_106 = arith.constant 1 : i32
      %dma_wait3A_107 = arith.constant 0 : i32
      %dma_wait3A_108 = tpu.memref_slice %arg8[%dma_wait3A_106, %dma_wait3A_107] : memref<2x40xi32, #tpu.memory_space<vmem>> -> memref<1x40xi32, #tpu.memory_space<vmem>>
      %dma_wait3A_109 = tpu.memref_squeeze %dma_wait3A_108 : memref<1x40xi32, #tpu.memory_space<vmem>> -> memref<40xi32, #tpu.memory_space<vmem>>
      %dma_wait3A_110 = arith.constant 0 : i32
      %dma_wait3A_111 = arith.constant 0 : i32
      %dma_wait3A_112 = tpu.memref_slice %arg2[%dma_wait3A_110, %dma_wait3A_111] : memref<10000x128xf32, #tpu.memory_space<hbm>> -> memref<10000x128xf32, #tpu.memory_space<hbm>>
      tpu.wait_indirect_dma semaphore(%arg16 : memref<!tpu.dma_semaphore, #tpu.memory_space<semaphore_mem>>) src(%dma_wait3A_112 : memref<10000x128xf32, #tpu.memory_space<hbm>>) dst(%arg10 : memref<40x128xf32, #tpu.memory_space<vmem>>)
      %dma_wait3A_113 = arith.constant 0 : i32
      %dma_wait3A_114 = arith.constant 0 : i32
      %dma_wait3A_115 = tpu.memref_slice %arg8[%dma_wait3A_113, %dma_wait3A_114] : memref<2x40xi32, #tpu.memory_space<vmem>> -> memref<1x40xi32, #tpu.memory_space<vmem>>
      %dma_wait3A_116 = tpu.memref_squeeze %dma_wait3A_115 : memref<1x40xi32, #tpu.memory_space<vmem>> -> memref<40xi32, #tpu.memory_space<vmem>>
      %dma_wait3A_117 = arith.constant 0 : i32
      %dma_wait3A_118 = arith.constant 0 : i32
      %dma_wait3A_119 = tpu.memref_slice %arg3[%dma_wait3A_117, %dma_wait3A_118] : memref<10000x256xf32, #tpu.memory_space<hbm>> -> memref<10000x256xf32, #tpu.memory_space<hbm>>
      tpu.wait_indirect_dma semaphore(%arg18 : memref<!tpu.dma_semaphore, #tpu.memory_space<semaphore_mem>>) src(%dma_wait3A_119 : memref<10000x256xf32, #tpu.memory_space<hbm>>) dst(%arg12 : memref<40x256xf32, #tpu.memory_space<vmem>>)
      %dma_wait3A_120 = arith.constant 0 : i32
      %dma_wait3A_121 = arith.constant 0 : i32
      %dma_wait3A_122 = tpu.memref_slice %arg9[%dma_wait3A_120, %dma_wait3A_121] : memref<2x40xi32, #tpu.memory_space<vmem>> -> memref<1x40xi32, #tpu.memory_space<vmem>>
      %dma_wait3A_123 = tpu.memref_squeeze %dma_wait3A_122 : memref<1x40xi32, #tpu.memory_space<vmem>> -> memref<40xi32, #tpu.memory_space<vmem>>
      %dma_wait3A_124 = tpu.memref_slice %arg4[%add3A_85] : memref<320000xi32, #tpu.memory_space<hbm>> -> memref<40xi32, #tpu.memory_space<hbm>>
      %dma_wait3A_125 = arith.constant 0 : i32
      %dma_wait3A_126 = tpu.memref_slice %arg9[%dma_wait3A_120, %dma_wait3A_125] : memref<2x40xi32, #tpu.memory_space<vmem>> -> memref<1x40xi32, #tpu.memory_space<vmem>>
      %dma_wait3A_127 = tpu.memref_squeeze %dma_wait3A_126 : memref<1x40xi32, #tpu.memory_space<vmem>> -> memref<40xi32, #tpu.memory_space<vmem>>
      %dma_wait3A_128 = tpu.memref_slice %arg4[%add3A_85] : memref<320000xi32, #tpu.memory_space<hbm>> -> memref<40xi32, #tpu.memory_space<hbm>>
      tpu.wait_dma2 semaphore(%arg20 : memref<!tpu.dma_semaphore, #tpu.memory_space<semaphore_mem>>) src(%dma_wait3A_128 : memref<40xi32, #tpu.memory_space<hbm>>) dst(%dma_wait3A_127 : memref<40xi32, #tpu.memory_space<vmem>>)
      %dma_wait3A_129 = arith.constant 1 : i32
      %dma_wait3A_130 = arith.constant 0 : i32
      %dma_wait3A_131 = tpu.memref_slice %arg9[%dma_wait3A_129, %dma_wait3A_130] : memref<2x40xi32, #tpu.memory_space<vmem>> -> memref<1x40xi32, #tpu.memory_space<vmem>>
      %dma_wait3A_132 = tpu.memref_squeeze %dma_wait3A_131 : memref<1x40xi32, #tpu.memory_space<vmem>> -> memref<40xi32, #tpu.memory_space<vmem>>
      %dma_wait3A_133 = tpu.memref_slice %arg5[%add3A_85] : memref<320000xi32, #tpu.memory_space<hbm>> -> memref<40xi32, #tpu.memory_space<hbm>>
      %dma_wait3A_134 = arith.constant 0 : i32
      %dma_wait3A_135 = tpu.memref_slice %arg9[%dma_wait3A_129, %dma_wait3A_134] : memref<2x40xi32, #tpu.memory_space<vmem>> -> memref<1x40xi32, #tpu.memory_space<vmem>>
      %dma_wait3A_136 = tpu.memref_squeeze %dma_wait3A_135 : memref<1x40xi32, #tpu.memory_space<vmem>> -> memref<40xi32, #tpu.memory_space<vmem>>
      %dma_wait3A_137 = tpu.memref_slice %arg5[%add3A_85] : memref<320000xi32, #tpu.memory_space<hbm>> -> memref<40xi32, #tpu.memory_space<hbm>>
      tpu.wait_dma2 semaphore(%arg20 : memref<!tpu.dma_semaphore, #tpu.memory_space<semaphore_mem>>) src(%dma_wait3A_137 : memref<40xi32, #tpu.memory_space<hbm>>) dst(%dma_wait3A_136 : memref<40xi32, #tpu.memory_space<vmem>>)
      %dma_start3A_138 = arith.constant 1 : i32
      %dma_start3A_139 = arith.constant 0 : i32
      %dma_start3A_140 = tpu.memref_slice %arg9[%dma_start3A_138, %dma_start3A_139] : memref<2x40xi32, #tpu.memory_space<vmem>> -> memref<1x40xi32, #tpu.memory_space<vmem>>
      %dma_start3A_141 = tpu.memref_squeeze %dma_start3A_140 : memref<1x40xi32, #tpu.memory_space<vmem>> -> memref<40xi32, #tpu.memory_space<vmem>>
      %dma_start3A_142 = arith.constant 0 : i32
      %dma_start3A_143 = arith.constant 0 : i32
      %dma_start3A_144 = tpu.memref_slice %arg2[%dma_start3A_142, %dma_start3A_143] : memref<10000x128xf32, #tpu.memory_space<hbm>> -> memref<10000x128xf32, #tpu.memory_space<hbm>>
      tpu.enqueue_indirect_dma source(%dma_start3A_144 : memref<10000x128xf32, #tpu.memory_space<hbm>>) target(%arg11 : memref<40x128xf32, #tpu.memory_space<vmem>>) offsets(%dma_start3A_141 : memref<40xi32, #tpu.memory_space<vmem>>) semaphore(%arg17 : memref<!tpu.dma_semaphore, #tpu.memory_space<semaphore_mem>>)
      %dma_start3A_145 = arith.constant 0 : i32
      %dma_start3A_146 = arith.constant 0 : i32
      %dma_start3A_147 = tpu.memref_slice %arg9[%dma_start3A_145, %dma_start3A_146] : memref<2x40xi32, #tpu.memory_space<vmem>> -> memref<1x40xi32, #tpu.memory_space<vmem>>
      %dma_start3A_148 = tpu.memref_squeeze %dma_start3A_147 : memref<1x40xi32, #tpu.memory_space<vmem>> -> memref<40xi32, #tpu.memory_space<vmem>>
      %dma_start3A_149 = arith.constant 0 : i32
      %dma_start3A_150 = arith.constant 0 : i32
      %dma_start3A_151 = tpu.memref_slice %arg3[%dma_start3A_149, %dma_start3A_150] : memref<10000x256xf32, #tpu.memory_space<hbm>> -> memref<10000x256xf32, #tpu.memory_space<hbm>>
      tpu.enqueue_indirect_dma source(%dma_start3A_151 : memref<10000x256xf32, #tpu.memory_space<hbm>>) target(%arg13 : memref<40x256xf32, #tpu.memory_space<vmem>>) offsets(%dma_start3A_148 : memref<40xi32, #tpu.memory_space<vmem>>) semaphore(%arg19 : memref<!tpu.dma_semaphore, #tpu.memory_space<semaphore_mem>>)
      %scan3A_152 = arith.constant 0 : i32
      %scan3A_153 = arith.constant 0 : i32
      %scan3A_154 = arith.constant 40 : i32
      %scan3A_155 = arith.addi %scan3A_153, %scan3A_154 : i32
      %scan3A_156 = arith.constant 4 : i32
      scf.for %scan3A_260 = %scan3A_153 to %scan3A_155 step %scan3A_156  : i32 {
        %get3A = arith.index_cast %scan3A_260 : i32 to index
        %get3A_261 = arith.constant 0 : index
        %get3A_262 = tpu.vector_load %arg10[%get3A, %get3A_261] {strides = array<i32>} : memref<40x128xf32, #tpu.memory_space<vmem>>, vector<1x16xf32>,
        %get3A_263 = vector.shape_cast %get3A_262 : vector<1x16xf32> to vector<16xf32>
        %get3A_264 = arith.index_cast %scan3A_260 : i32 to index
        %get3A_265 = arith.constant 0 : index
        %get3A_266 = tpu.vector_load %arg12[%get3A_264, %get3A_265] {strides = array<i32>} : memref<40x256xf32, #tpu.memory_space<vmem>>, vector<1x16xf32>,
        %get3A_267 = vector.shape_cast %get3A_266 : vector<1x16xf32> to vector<16xf32>
        %mul3A_268 = arith.mulf %get3A_263, %get3A_267 : vector<16xf32>
        %get3A_269 = arith.index_cast %scan3A_260 : i32 to index
        %get3A_270 = arith.constant 16 : index
        %get3A_271 = tpu.vector_load %arg10[%get3A_269, %get3A_270] {strides = array<i32>} : memref<40x128xf32, #tpu.memory_space<vmem>>, vector<1x16xf32>,
        %get3A_272 = vector.shape_cast %get3A_271 : vector<1x16xf32> to vector<16xf32>
        %get3A_273 = arith.index_cast %scan3A_260 : i32 to index
        %get3A_274 = arith.constant 16 : index
        %get3A_275 = tpu.vector_load %arg12[%get3A_273, %get3A_274] {strides = array<i32>} : memref<40x256xf32, #tpu.memory_space<vmem>>, vector<1x16xf32>,
        %get3A_276 = vector.shape_cast %get3A_275 : vector<1x16xf32> to vector<16xf32>
        %mul3A_277 = arith.mulf %get3A_272, %get3A_276 : vector<16xf32>
        %get3A_278 = arith.index_cast %scan3A_260 : i32 to index
        %get3A_279 = arith.constant 32 : index
        %get3A_280 = tpu.vector_load %arg10[%get3A_278, %get3A_279] {strides = array<i32>} : memref<40x128xf32, #tpu.memory_space<vmem>>, vector<1x16xf32>,
        %get3A_281 = vector.shape_cast %get3A_280 : vector<1x16xf32> to vector<16xf32>
        %get3A_282 = arith.index_cast %scan3A_260 : i32 to index
        %get3A_283 = arith.constant 32 : index
        %get3A_284 = tpu.vector_load %arg12[%get3A_282, %get3A_283] {strides = array<i32>} : memref<40x256xf32, #tpu.memory_space<vmem>>, vector<1x16xf32>,
        %get3A_285 = vector.shape_cast %get3A_284 : vector<1x16xf32> to vector<16xf32>
        %mul3A_286 = arith.mulf %get3A_281, %get3A_285 : vector<16xf32>
        %get3A_287 = arith.index_cast %scan3A_260 : i32 to index
        %get3A_288 = arith.constant 48 : index
        %get3A_289 = tpu.vector_load %arg10[%get3A_287, %get3A_288] {strides = array<i32>} : memref<40x128xf32, #tpu.memory_space<vmem>>, vector<1x16xf32>,
        %get3A_290 = vector.shape_cast %get3A_289 : vector<1x16xf32> to vector<16xf32>
        %get3A_291 = arith.index_cast %scan3A_260 : i32 to index
        %get3A_292 = arith.constant 48 : index
        %get3A_293 = tpu.vector_load %arg12[%get3A_291, %get3A_292] {strides = array<i32>} : memref<40x256xf32, #tpu.memory_space<vmem>>, vector<1x16xf32>,
        %get3A_294 = vector.shape_cast %get3A_293 : vector<1x16xf32> to vector<16xf32>
        %mul3A_295 = arith.mulf %get3A_290, %get3A_294 : vector<16xf32>
        %get3A_296 = arith.index_cast %scan3A_260 : i32 to index
        %get3A_297 = arith.constant 64 : index
        %get3A_298 = tpu.vector_load %arg10[%get3A_296, %get3A_297] {strides = array<i32>} : memref<40x128xf32, #tpu.memory_space<vmem>>, vector<1x16xf32>,
        %get3A_299 = vector.shape_cast %get3A_298 : vector<1x16xf32> to vector<16xf32>
        %get3A_300 = arith.index_cast %scan3A_260 : i32 to index
        %get3A_301 = arith.constant 64 : index
        %get3A_302 = tpu.vector_load %arg12[%get3A_300, %get3A_301] {strides = array<i32>} : memref<40x256xf32, #tpu.memory_space<vmem>>, vector<1x16xf32>,
        %get3A_303 = vector.shape_cast %get3A_302 : vector<1x16xf32> to vector<16xf32>
        %mul3A_304 = arith.mulf %get3A_299, %get3A_303 : vector<16xf32>
        %get3A_305 = arith.index_cast %scan3A_260 : i32 to index
        %get3A_306 = arith.constant 80 : index
        %get3A_307 = tpu.vector_load %arg10[%get3A_305, %get3A_306] {strides = array<i32>} : memref<40x128xf32, #tpu.memory_space<vmem>>, vector<1x16xf32>,
        %get3A_308 = vector.shape_cast %get3A_307 : vector<1x16xf32> to vector<16xf32>
        %get3A_309 = arith.index_cast %scan3A_260 : i32 to index
        %get3A_310 = arith.constant 80 : index
        %get3A_311 = tpu.vector_load %arg12[%get3A_309, %get3A_310] {strides = array<i32>} : memref<40x256xf32, #tpu.memory_space<vmem>>, vector<1x16xf32>,
        %get3A_312 = vector.shape_cast %get3A_311 : vector<1x16xf32> to vector<16xf32>
        %mul3A_313 = arith.mulf %get3A_308, %get3A_312 : vector<16xf32>
        %get3A_314 = arith.index_cast %scan3A_260 : i32 to index
        %get3A_315 = arith.constant 96 : index
        %get3A_316 = tpu.vector_load %arg10[%get3A_314, %get3A_315] {strides = array<i32>} : memref<40x128xf32, #tpu.memory_space<vmem>>, vector<1x16xf32>,
        %get3A_317 = vector.shape_cast %get3A_316 : vector<1x16xf32> to vector<16xf32>
        %get3A_318 = arith.index_cast %scan3A_260 : i32 to index
        %get3A_319 = arith.constant 96 : index
        %get3A_320 = tpu.vector_load %arg12[%get3A_318, %get3A_319] {strides = array<i32>} : memref<40x256xf32, #tpu.memory_space<vmem>>, vector<1x16xf32>,
        %get3A_321 = vector.shape_cast %get3A_320 : vector<1x16xf32> to vector<16xf32>
        %mul3A_322 = arith.mulf %get3A_317, %get3A_321 : vector<16xf32>
        %get3A_323 = arith.index_cast %scan3A_260 : i32 to index
        %get3A_324 = arith.constant 112 : index
        %get3A_325 = tpu.vector_load %arg10[%get3A_323, %get3A_324] {strides = array<i32>} : memref<40x128xf32, #tpu.memory_space<vmem>>, vector<1x16xf32>,
        %get3A_326 = vector.shape_cast %get3A_325 : vector<1x16xf32> to vector<16xf32>
        %get3A_327 = arith.index_cast %scan3A_260 : i32 to index
        %get3A_328 = arith.constant 112 : index
        %get3A_329 = tpu.vector_load %arg12[%get3A_327, %get3A_328] {strides = array<i32>} : memref<40x256xf32, #tpu.memory_space<vmem>>, vector<1x16xf32>,
        %get3A_330 = vector.shape_cast %get3A_329 : vector<1x16xf32> to vector<16xf32>
        %mul3A_331 = arith.mulf %get3A_326, %get3A_330 : vector<16xf32>
        %add3A_332 = arith.addf %mul3A_268, %mul3A_277 : vector<16xf32>
        %broadcast_in_dim3A_333 = vector.shape_cast %xor3A_6 : vector<16xi32> to vector<16x1xi32>
        %gather3A = vector.shape_cast %broadcast_in_dim3A_333 : vector<16x1xi32> to vector<16xi32>
        %gather3A_334 = tpu.dynamic_gather %add3A_332[%gather3A] in [0] : vector<16xf32>, vector<16xi32> -> vector<16xf32>
        %add3A_335 = arith.addf %add3A_332, %gather3A_334 : vector<16xf32>
        %broadcast_in_dim3A_336 = vector.shape_cast %xor3A_9 : vector<16xi32> to vector<16x1xi32>
        %gather3A_337 = vector.shape_cast %broadcast_in_dim3A_336 : vector<16x1xi32> to vector<16xi32>
        %gather3A_338 = tpu.dynamic_gather %add3A_335[%gather3A_337] in [0] : vector<16xf32>, vector<16xi32> -> vector<16xf32>
        %add3A_339 = arith.addf %add3A_335, %gather3A_338 : vector<16xf32>
        %add3A_340 = arith.addf %mul3A_286, %mul3A_295 : vector<16xf32>
        %broadcast_in_dim3A_341 = vector.shape_cast %xor3A_6 : vector<16xi32> to vector<16x1xi32>
        %gather3A_342 = vector.shape_cast %broadcast_in_dim3A_341 : vector<16x1xi32> to vector<16xi32>
        %gather3A_343 = tpu.dynamic_gather %add3A_340[%gather3A_342] in [0] : vector<16xf32>, vector<16xi32> -> vector<16xf32>
        %add3A_344 = arith.addf %add3A_340, %gather3A_343 : vector<16xf32>
        %broadcast_in_dim3A_345 = vector.shape_cast %xor3A_9 : vector<16xi32> to vector<16x1xi32>
        %gather3A_346 = vector.shape_cast %broadcast_in_dim3A_345 : vector<16x1xi32> to vector<16xi32>
        %gather3A_347 = tpu.dynamic_gather %add3A_344[%gather3A_346] in [0] : vector<16xf32>, vector<16xi32> -> vector<16xf32>
        %add3A_348 = arith.addf %add3A_344, %gather3A_347 : vector<16xf32>
        %add3A_349 = arith.addf %mul3A_304, %mul3A_313 : vector<16xf32>
        %broadcast_in_dim3A_350 = vector.shape_cast %xor3A_6 : vector<16xi32> to vector<16x1xi32>
        %gather3A_351 = vector.shape_cast %broadcast_in_dim3A_350 : vector<16x1xi32> to vector<16xi32>
        %gather3A_352 = tpu.dynamic_gather %add3A_349[%gather3A_351] in [0] : vector<16xf32>, vector<16xi32> -> vector<16xf32>
        %add3A_353 = arith.addf %add3A_349, %gather3A_352 : vector<16xf32>
        %broadcast_in_dim3A_354 = vector.shape_cast %xor3A_9 : vector<16xi32> to vector<16x1xi32>
        %gather3A_355 = vector.shape_cast %broadcast_in_dim3A_354 : vector<16x1xi32> to vector<16xi32>
        %gather3A_356 = tpu.dynamic_gather %add3A_353[%gather3A_355] in [0] : vector<16xf32>, vector<16xi32> -> vector<16xf32>
        %add3A_357 = arith.addf %add3A_353, %gather3A_356 : vector<16xf32>
        %add3A_358 = arith.addf %mul3A_322, %mul3A_331 : vector<16xf32>
        %broadcast_in_dim3A_359 = vector.shape_cast %xor3A_6 : vector<16xi32> to vector<16x1xi32>
        %gather3A_360 = vector.shape_cast %broadcast_in_dim3A_359 : vector<16x1xi32> to vector<16xi32>
        %gather3A_361 = tpu.dynamic_gather %add3A_358[%gather3A_360] in [0] : vector<16xf32>, vector<16xi32> -> vector<16xf32>
        %add3A_362 = arith.addf %add3A_358, %gather3A_361 : vector<16xf32>
        %broadcast_in_dim3A_363 = vector.shape_cast %xor3A_9 : vector<16xi32> to vector<16x1xi32>
        %gather3A_364 = vector.shape_cast %broadcast_in_dim3A_363 : vector<16x1xi32> to vector<16xi32>
        %gather3A_365 = tpu.dynamic_gather %add3A_362[%gather3A_364] in [0] : vector<16xf32>, vector<16xi32> -> vector<16xf32>
        %add3A_366 = arith.addf %add3A_362, %gather3A_365 : vector<16xf32>
        %select_n3A = arith.select %eq3A_25, %add3A_357, %add3A_366 : vector<16xi1>, vector<16xf32>
        %select_n3A_367 = arith.select %eq3A_22, %add3A_348, %select_n3A : vector<16xi1>, vector<16xf32>
        %select_n3A_368 = arith.select %eq3A_19, %add3A_339, %select_n3A_367 : vector<16xi1>, vector<16xf32>
        %broadcast_in_dim3A_369 = vector.shape_cast %xor3A_12 : vector<16xi32> to vector<16x1xi32>
        %gather3A_370 = vector.shape_cast %broadcast_in_dim3A_369 : vector<16x1xi32> to vector<16xi32>
        %gather3A_371 = tpu.dynamic_gather %select_n3A_368[%gather3A_370] in [0] : vector<16xf32>, vector<16xi32> -> vector<16xf32>
        %add3A_372 = arith.addf %select_n3A_368, %gather3A_371 : vector<16xf32>
        %broadcast_in_dim3A_373 = vector.shape_cast %xor3A_15 : vector<16xi32> to vector<16x1xi32>
        %gather3A_374 = vector.shape_cast %broadcast_in_dim3A_373 : vector<16x1xi32> to vector<16xi32>
        %gather3A_375 = tpu.dynamic_gather %add3A_372[%gather3A_374] in [0] : vector<16xf32>, vector<16xi32> -> vector<16xf32>
        %add3A_376 = arith.addf %add3A_372, %gather3A_375 : vector<16xf32>
        %mul3A_377 = arith.constant 0.176776692 : f32
        %mul3A_378 = vector.broadcast %mul3A_377 : f32 to vector<16xf32>
        %mul3A_379 = arith.mulf %add3A_376, %mul3A_378 : vector<16xf32>
        %exp3A = math.exp %mul3A_379 : vector<16xf32>
        %broadcast_in_dim3A_380 = vector.shape_cast %broadcast_in_dim3A_28 : vector<16xi32> to vector<16x1xi32>
        %gather3A_381 = vector.shape_cast %broadcast_in_dim3A_380 : vector<16x1xi32> to vector<16xi32>
        %gather3A_382 = tpu.dynamic_gather %exp3A[%gather3A_381] in [0] : vector<16xf32>, vector<16xi32> -> vector<16xf32>
        %broadcast_in_dim3A_383 = vector.shape_cast %broadcast_in_dim3A_30 : vector<16xi32> to vector<16x1xi32>
        %gather3A_384 = vector.shape_cast %broadcast_in_dim3A_383 : vector<16x1xi32> to vector<16xi32>
        %gather3A_385 = tpu.dynamic_gather %exp3A[%gather3A_384] in [0] : vector<16xf32>, vector<16xi32> -> vector<16xf32>
        %broadcast_in_dim3A_386 = vector.shape_cast %broadcast_in_dim3A_32 : vector<16xi32> to vector<16x1xi32>
        %gather3A_387 = vector.shape_cast %broadcast_in_dim3A_386 : vector<16x1xi32> to vector<16xi32>
        %gather3A_388 = tpu.dynamic_gather %exp3A[%gather3A_387] in [0] : vector<16xf32>, vector<16xi32> -> vector<16xf32>
        %broadcast_in_dim3A_389 = vector.shape_cast %broadcast_in_dim3A_34 : vector<16xi32> to vector<16x1xi32>
        %gather3A_390 = vector.shape_cast %broadcast_in_dim3A_389 : vector<16x1xi32> to vector<16xi32>
        %gather3A_391 = tpu.dynamic_gather %exp3A[%gather3A_390] in [0] : vector<16xf32>, vector<16xi32> -> vector<16xf32>
        %get3A_392 = arith.index_cast %scan3A_260 : i32 to index
        %get3A_393 = arith.constant 128 : index
        %get3A_394 = tpu.vector_load %arg12[%get3A_392, %get3A_393] {strides = array<i32>} : memref<40x256xf32, #tpu.memory_space<vmem>>, vector<1x16xf32>,
        %get3A_395 = vector.shape_cast %get3A_394 : vector<1x16xf32> to vector<16xf32>
        %mul3A_396 = arith.mulf %get3A_395, %gather3A_382 : vector<16xf32>
        %swap3A = arith.index_cast %scan3A_260 : i32 to index
        %swap3A_397 = arith.constant 0 : index
        %swap3A_398 = tpu.vector_load %arg14[%swap3A, %swap3A_397] {strides = array<i32>} : memref<40x144xf32, #tpu.memory_space<vmem>>, vector<1x16xf32>,
        %swap3A_399 = vector.shape_cast %swap3A_398 : vector<1x16xf32> to vector<16xf32>
        %swap3A_400 = vector.shape_cast %mul3A_396 : vector<16xf32> to vector<1x16xf32>
        tpu.vector_store %arg14[%swap3A, %swap3A_397], %swap3A_400 {strides = array<i32>} : memref<40x144xf32, #tpu.memory_space<vmem>>, vector<1x16xf32>,
        %get3A_401 = arith.index_cast %scan3A_260 : i32 to index
        %get3A_402 = arith.constant 144 : index
        %get3A_403 = tpu.vector_load %arg12[%get3A_401, %get3A_402] {strides = array<i32>} : memref<40x256xf32, #tpu.memory_space<vmem>>, vector<1x16xf32>,
        %get3A_404 = vector.shape_cast %get3A_403 : vector<1x16xf32> to vector<16xf32>
        %mul3A_405 = arith.mulf %get3A_404, %gather3A_382 : vector<16xf32>
        %swap3A_406 = arith.index_cast %scan3A_260 : i32 to index
        %swap3A_407 = arith.constant 16 : index
        %swap3A_408 = tpu.vector_load %arg14[%swap3A_406, %swap3A_407] {strides = array<i32>} : memref<40x144xf32, #tpu.memory_space<vmem>>, vector<1x16xf32>,
        %swap3A_409 = vector.shape_cast %swap3A_408 : vector<1x16xf32> to vector<16xf32>
        %swap3A_410 = vector.shape_cast %mul3A_405 : vector<16xf32> to vector<1x16xf32>
        tpu.vector_store %arg14[%swap3A_406, %swap3A_407], %swap3A_410 {strides = array<i32>} : memref<40x144xf32, #tpu.memory_space<vmem>>, vector<1x16xf32>,
        %get3A_411 = arith.index_cast %scan3A_260 : i32 to index
        %get3A_412 = arith.constant 160 : index
        %get3A_413 = tpu.vector_load %arg12[%get3A_411, %get3A_412] {strides = array<i32>} : memref<40x256xf32, #tpu.memory_space<vmem>>, vector<1x16xf32>,
        %get3A_414 = vector.shape_cast %get3A_413 : vector<1x16xf32> to vector<16xf32>
        %mul3A_415 = arith.mulf %get3A_414, %gather3A_385 : vector<16xf32>
        %swap3A_416 = arith.index_cast %scan3A_260 : i32 to index
        %swap3A_417 = arith.constant 32 : index
        %swap3A_418 = tpu.vector_load %arg14[%swap3A_416, %swap3A_417] {strides = array<i32>} : memref<40x144xf32, #tpu.memory_space<vmem>>, vector<1x16xf32>,
        %swap3A_419 = vector.shape_cast %swap3A_418 : vector<1x16xf32> to vector<16xf32>
        %swap3A_420 = vector.shape_cast %mul3A_415 : vector<16xf32> to vector<1x16xf32>
        tpu.vector_store %arg14[%swap3A_416, %swap3A_417], %swap3A_420 {strides = array<i32>} : memref<40x144xf32, #tpu.memory_space<vmem>>, vector<1x16xf32>,
        %get3A_421 = arith.index_cast %scan3A_260 : i32 to index
        %get3A_422 = arith.constant 176 : index
        %get3A_423 = tpu.vector_load %arg12[%get3A_421, %get3A_422] {strides = array<i32>} : memref<40x256xf32, #tpu.memory_space<vmem>>, vector<1x16xf32>,
        %get3A_424 = vector.shape_cast %get3A_423 : vector<1x16xf32> to vector<16xf32>
        %mul3A_425 = arith.mulf %get3A_424, %gather3A_385 : vector<16xf32>
        %swap3A_426 = arith.index_cast %scan3A_260 : i32 to index
        %swap3A_427 = arith.constant 48 : index
        %swap3A_428 = tpu.vector_load %arg14[%swap3A_426, %swap3A_427] {strides = array<i32>} : memref<40x144xf32, #tpu.memory_space<vmem>>, vector<1x16xf32>,
        %swap3A_429 = vector.shape_cast %swap3A_428 : vector<1x16xf32> to vector<16xf32>
        %swap3A_430 = vector.shape_cast %mul3A_425 : vector<16xf32> to vector<1x16xf32>
        tpu.vector_store %arg14[%swap3A_426, %swap3A_427], %swap3A_430 {strides = array<i32>} : memref<40x144xf32, #tpu.memory_space<vmem>>, vector<1x16xf32>,
        %get3A_431 = arith.index_cast %scan3A_260 : i32 to index
        %get3A_432 = arith.constant 192 : index
        %get3A_433 = tpu.vector_load %arg12[%get3A_431, %get3A_432] {strides = array<i32>} : memref<40x256xf32, #tpu.memory_space<vmem>>, vector<1x16xf32>,
        %get3A_434 = vector.shape_cast %get3A_433 : vector<1x16xf32> to vector<16xf32>
        %mul3A_435 = arith.mulf %get3A_434, %gather3A_388 : vector<16xf32>
        %swap3A_436 = arith.index_cast %scan3A_260 : i32 to index
        %swap3A_437 = arith.constant 64 : index
        %swap3A_438 = tpu.vector_load %arg14[%swap3A_436, %swap3A_437] {strides = array<i32>} : memref<40x144xf32, #tpu.memory_space<vmem>>, vector<1x16xf32>,
        %swap3A_439 = vector.shape_cast %swap3A_438 : vector<1x16xf32> to vector<16xf32>
        %swap3A_440 = vector.shape_cast %mul3A_435 : vector<16xf32> to vector<1x16xf32>
        tpu.vector_store %arg14[%swap3A_436, %swap3A_437], %swap3A_440 {strides = array<i32>} : memref<40x144xf32, #tpu.memory_space<vmem>>, vector<1x16xf32>,
        %get3A_441 = arith.index_cast %scan3A_260 : i32 to index
        %get3A_442 = arith.constant 208 : index
        %get3A_443 = tpu.vector_load %arg12[%get3A_441, %get3A_442] {strides = array<i32>} : memref<40x256xf32, #tpu.memory_space<vmem>>, vector<1x16xf32>,
        %get3A_444 = vector.shape_cast %get3A_443 : vector<1x16xf32> to vector<16xf32>
        %mul3A_445 = arith.mulf %get3A_444, %gather3A_388 : vector<16xf32>
        %swap3A_446 = arith.index_cast %scan3A_260 : i32 to index
        %swap3A_447 = arith.constant 80 : index
        %swap3A_448 = tpu.vector_load %arg14[%swap3A_446, %swap3A_447] {strides = array<i32>} : memref<40x144xf32, #tpu.memory_space<vmem>>, vector<1x16xf32>,
        %swap3A_449 = vector.shape_cast %swap3A_448 : vector<1x16xf32> to vector<16xf32>
        %swap3A_450 = vector.shape_cast %mul3A_445 : vector<16xf32> to vector<1x16xf32>
        tpu.vector_store %arg14[%swap3A_446, %swap3A_447], %swap3A_450 {strides = array<i32>} : memref<40x144xf32, #tpu.memory_space<vmem>>, vector<1x16xf32>,
        %get3A_451 = arith.index_cast %scan3A_260 : i32 to index
        %get3A_452 = arith.constant 224 : index
        %get3A_453 = tpu.vector_load %arg12[%get3A_451, %get3A_452] {strides = array<i32>} : memref<40x256xf32, #tpu.memory_space<vmem>>, vector<1x16xf32>,
        %get3A_454 = vector.shape_cast %get3A_453 : vector<1x16xf32> to vector<16xf32>
        %mul3A_455 = arith.mulf %get3A_454, %gather3A_391 : vector<16xf32>
        %swap3A_456 = arith.index_cast %scan3A_260 : i32 to index
        %swap3A_457 = arith.constant 96 : index
        %swap3A_458 = tpu.vector_load %arg14[%swap3A_456, %swap3A_457] {strides = array<i32>} : memref<40x144xf32, #tpu.memory_space<vmem>>, vector<1x16xf32>,
        %swap3A_459 = vector.shape_cast %swap3A_458 : vector<1x16xf32> to vector<16xf32>
        %swap3A_460 = vector.shape_cast %mul3A_455 : vector<16xf32> to vector<1x16xf32>
        tpu.vector_store %arg14[%swap3A_456, %swap3A_457], %swap3A_460 {strides = array<i32>} : memref<40x144xf32, #tpu.memory_space<vmem>>, vector<1x16xf32>,
        %get3A_461 = arith.index_cast %scan3A_260 : i32 to index
        %get3A_462 = arith.constant 240 : index
        %get3A_463 = tpu.vector_load %arg12[%get3A_461, %get3A_462] {strides = array<i32>} : memref<40x256xf32, #tpu.memory_space<vmem>>, vector<1x16xf32>,
        %get3A_464 = vector.shape_cast %get3A_463 : vector<1x16xf32> to vector<16xf32>
        %mul3A_465 = arith.mulf %get3A_464, %gather3A_391 : vector<16xf32>
        %swap3A_466 = arith.index_cast %scan3A_260 : i32 to index
        %swap3A_467 = arith.constant 112 : index
        %swap3A_468 = tpu.vector_load %arg14[%swap3A_466, %swap3A_467] {strides = array<i32>} : memref<40x144xf32, #tpu.memory_space<vmem>>, vector<1x16xf32>,
        %swap3A_469 = vector.shape_cast %swap3A_468 : vector<1x16xf32> to vector<16xf32>
        %swap3A_470 = vector.shape_cast %mul3A_465 : vector<16xf32> to vector<1x16xf32>
        tpu.vector_store %arg14[%swap3A_466, %swap3A_467], %swap3A_470 {strides = array<i32>} : memref<40x144xf32, #tpu.memory_space<vmem>>, vector<1x16xf32>,
        %jit3A = arith.constant 0.000000e+00 : f32
        %broadcast_in_dim3A_471 = vector.broadcast %jit3A : f32 to vector<16xf32>
        %select_n3A_472 = arith.select %lt3A_27, %exp3A, %broadcast_in_dim3A_471 : vector<16xi1>, vector<16xf32>
        %swap3A_473 = arith.index_cast %scan3A_260 : i32 to index
        %swap3A_474 = arith.constant 128 : index
        %swap3A_475 = tpu.vector_load %arg14[%swap3A_473, %swap3A_474] {strides = array<i32>} : memref<40x144xf32, #tpu.memory_space<vmem>>, vector<1x16xf32>,
        %swap3A_476 = vector.shape_cast %swap3A_475 : vector<1x16xf32> to vector<16xf32>
        %swap3A_477 = vector.shape_cast %select_n3A_472 : vector<16xf32> to vector<1x16xf32>
        tpu.vector_store %arg14[%swap3A_473, %swap3A_474], %swap3A_477 {strides = array<i32>} : memref<40x144xf32, #tpu.memory_space<vmem>>, vector<1x16xf32>,
        %scan3A_478 = arith.constant 1 : i32
        %scan3A_479 = arith.addi %scan3A_260, %scan3A_478 : i32
        %get3A_480 = arith.index_cast %scan3A_479 : i32 to index
        %get3A_481 = arith.constant 0 : index
        %get3A_482 = tpu.vector_load %arg10[%get3A_480, %get3A_481] {strides = array<i32>} : memref<40x128xf32, #tpu.memory_space<vmem>>, vector<1x16xf32>,
        %get3A_483 = vector.shape_cast %get3A_482 : vector<1x16xf32> to vector<16xf32>
        %get3A_484 = arith.index_cast %scan3A_479 : i32 to index
        %get3A_485 = arith.constant 0 : index
        %get3A_486 = tpu.vector_load %arg12[%get3A_484, %get3A_485] {strides = array<i32>} : memref<40x256xf32, #tpu.memory_space<vmem>>, vector<1x16xf32>,
        %get3A_487 = vector.shape_cast %get3A_486 : vector<1x16xf32> to vector<16xf32>
        %mul3A_488 = arith.mulf %get3A_483, %get3A_487 : vector<16xf32>
        %get3A_489 = arith.index_cast %scan3A_479 : i32 to index
        %get3A_490 = arith.constant 16 : index
        %get3A_491 = tpu.vector_load %arg10[%get3A_489, %get3A_490] {strides = array<i32>} : memref<40x128xf32, #tpu.memory_space<vmem>>, vector<1x16xf32>,
        %get3A_492 = vector.shape_cast %get3A_491 : vector<1x16xf32> to vector<16xf32>
        %get3A_493 = arith.index_cast %scan3A_479 : i32 to index
        %get3A_494 = arith.constant 16 : index
        %get3A_495 = tpu.vector_load %arg12[%get3A_493, %get3A_494] {strides = array<i32>} : memref<40x256xf32, #tpu.memory_space<vmem>>, vector<1x16xf32>,
        %get3A_496 = vector.shape_cast %get3A_495 : vector<1x16xf32> to vector<16xf32>
        %mul3A_497 = arith.mulf %get3A_492, %get3A_496 : vector<16xf32>
        %get3A_498 = arith.index_cast %scan3A_479 : i32 to index
        %get3A_499 = arith.constant 32 : index
        %get3A_500 = tpu.vector_load %arg10[%get3A_498, %get3A_499] {strides = array<i32>} : memref<40x128xf32, #tpu.memory_space<vmem>>, vector<1x16xf32>,
        %get3A_501 = vector.shape_cast %get3A_500 : vector<1x16xf32> to vector<16xf32>
        %get3A_502 = arith.index_cast %scan3A_479 : i32 to index
        %get3A_503 = arith.constant 32 : index
        %get3A_504 = tpu.vector_load %arg12[%get3A_502, %get3A_503] {strides = array<i32>} : memref<40x256xf32, #tpu.memory_space<vmem>>, vector<1x16xf32>,
        %get3A_505 = vector.shape_cast %get3A_504 : vector<1x16xf32> to vector<16xf32>
        %mul3A_506 = arith.mulf %get3A_501, %get3A_505 : vector<16xf32>
        %get3A_507 = arith.index_cast %scan3A_479 : i32 to index
        %get3A_508 = arith.constant 48 : index
        %get3A_509 = tpu.vector_load %arg10[%get3A_507, %get3A_508] {strides = array<i32>} : memref<40x128xf32, #tpu.memory_space<vmem>>, vector<1x16xf32>,
        %get3A_510 = vector.shape_cast %get3A_509 : vector<1x16xf32> to vector<16xf32>
        %get3A_511 = arith.index_cast %scan3A_479 : i32 to index
        %get3A_512 = arith.constant 48 : index
        %get3A_513 = tpu.vector_load %arg12[%get3A_511, %get3A_512] {strides = array<i32>} : memref<40x256xf32, #tpu.memory_space<vmem>>, vector<1x16xf32>,
        %get3A_514 = vector.shape_cast %get3A_513 : vector<1x16xf32> to vector<16xf32>
        %mul3A_515 = arith.mulf %get3A_510, %get3A_514 : vector<16xf32>
        %get3A_516 = arith.index_cast %scan3A_479 : i32 to index
        %get3A_517 = arith.constant 64 : index
        %get3A_518 = tpu.vector_load %arg10[%get3A_516, %get3A_517] {strides = array<i32>} : memref<40x128xf32, #tpu.memory_space<vmem>>, vector<1x16xf32>,
        %get3A_519 = vector.shape_cast %get3A_518 : vector<1x16xf32> to vector<16xf32>
        %get3A_520 = arith.index_cast %scan3A_479 : i32 to index
        %get3A_521 = arith.constant 64 : index
        %get3A_522 = tpu.vector_load %arg12[%get3A_520, %get3A_521] {strides = array<i32>} : memref<40x256xf32, #tpu.memory_space<vmem>>, vector<1x16xf32>,
        %get3A_523 = vector.shape_cast %get3A_522 : vector<1x16xf32> to vector<16xf32>
        %mul3A_524 = arith.mulf %get3A_519, %get3A_523 : vector<16xf32>
        %get3A_525 = arith.index_cast %scan3A_479 : i32 to index
        %get3A_526 = arith.constant 80 : index
        %get3A_527 = tpu.vector_load %arg10[%get3A_525, %get3A_526] {strides = array<i32>} : memref<40x128xf32, #tpu.memory_space<vmem>>, vector<1x16xf32>,
        %get3A_528 = vector.shape_cast %get3A_527 : vector<1x16xf32> to vector<16xf32>
        %get3A_529 = arith.index_cast %scan3A_479 : i32 to index
        %get3A_530 = arith.constant 80 : index
        %get3A_531 = tpu.vector_load %arg12[%get3A_529, %get3A_530] {strides = array<i32>} : memref<40x256xf32, #tpu.memory_space<vmem>>, vector<1x16xf32>,
        %get3A_532 = vector.shape_cast %get3A_531 : vector<1x16xf32> to vector<16xf32>
        %mul3A_533 = arith.mulf %get3A_528, %get3A_532 : vector<16xf32>
        %get3A_534 = arith.index_cast %scan3A_479 : i32 to index
        %get3A_535 = arith.constant 96 : index
        %get3A_536 = tpu.vector_load %arg10[%get3A_534, %get3A_535] {strides = array<i32>} : memref<40x128xf32, #tpu.memory_space<vmem>>, vector<1x16xf32>,
        %get3A_537 = vector.shape_cast %get3A_536 : vector<1x16xf32> to vector<16xf32>
        %get3A_538 = arith.index_cast %scan3A_479 : i32 to index
        %get3A_539 = arith.constant 96 : index
        %get3A_540 = tpu.vector_load %arg12[%get3A_538, %get3A_539] {strides = array<i32>} : memref<40x256xf32, #tpu.memory_space<vmem>>, vector<1x16xf32>,
        %get3A_541 = vector.shape_cast %get3A_540 : vector<1x16xf32> to vector<16xf32>
        %mul3A_542 = arith.mulf %get3A_537, %get3A_541 : vector<16xf32>
        %get3A_543 = arith.index_cast %scan3A_479 : i32 to index
        %get3A_544 = arith.constant 112 : index
        %get3A_545 = tpu.vector_load %arg10[%get3A_543, %get3A_544] {strides = array<i32>} : memref<40x128xf32, #tpu.memory_space<vmem>>, vector<1x16xf32>,
        %get3A_546 = vector.shape_cast %get3A_545 : vector<1x16xf32> to vector<16xf32>
        %get3A_547 = arith.index_cast %scan3A_479 : i32 to index
        %get3A_548 = arith.constant 112 : index
        %get3A_549 = tpu.vector_load %arg12[%get3A_547, %get3A_548] {strides = array<i32>} : memref<40x256xf32, #tpu.memory_space<vmem>>, vector<1x16xf32>,
        %get3A_550 = vector.shape_cast %get3A_549 : vector<1x16xf32> to vector<16xf32>
        %mul3A_551 = arith.mulf %get3A_546, %get3A_550 : vector<16xf32>
        %add3A_552 = arith.addf %mul3A_488, %mul3A_497 : vector<16xf32>
        %broadcast_in_dim3A_553 = vector.shape_cast %xor3A_6 : vector<16xi32> to vector<16x1xi32>
        %gather3A_554 = vector.shape_cast %broadcast_in_dim3A_553 : vector<16x1xi32> to vector<16xi32>
        %gather3A_555 = tpu.dynamic_gather %add3A_552[%gather3A_554] in [0] : vector<16xf32>, vector<16xi32> -> vector<16xf32>
        %add3A_556 = arith.addf %add3A_552, %gather3A_555 : vector<16xf32>
        %broadcast_in_dim3A_557 = vector.shape_cast %xor3A_9 : vector<16xi32> to vector<16x1xi32>
        %gather3A_558 = vector.shape_cast %broadcast_in_dim3A_557 : vector<16x1xi32> to vector<16xi32>
        %gather3A_559 = tpu.dynamic_gather %add3A_556[%gather3A_558] in [0] : vector<16xf32>, vector<16xi32> -> vector<16xf32>
        %add3A_560 = arith.addf %add3A_556, %gather3A_559 : vector<16xf32>
        %add3A_561 = arith.addf %mul3A_506, %mul3A_515 : vector<16xf32>
        %broadcast_in_dim3A_562 = vector.shape_cast %xor3A_6 : vector<16xi32> to vector<16x1xi32>
        %gather3A_563 = vector.shape_cast %broadcast_in_dim3A_562 : vector<16x1xi32> to vector<16xi32>
        %gather3A_564 = tpu.dynamic_gather %add3A_561[%gather3A_563] in [0] : vector<16xf32>, vector<16xi32> -> vector<16xf32>
        %add3A_565 = arith.addf %add3A_561, %gather3A_564 : vector<16xf32>
        %broadcast_in_dim3A_566 = vector.shape_cast %xor3A_9 : vector<16xi32> to vector<16x1xi32>
        %gather3A_567 = vector.shape_cast %broadcast_in_dim3A_566 : vector<16x1xi32> to vector<16xi32>
        %gather3A_568 = tpu.dynamic_gather %add3A_565[%gather3A_567] in [0] : vector<16xf32>, vector<16xi32> -> vector<16xf32>
        %add3A_569 = arith.addf %add3A_565, %gather3A_568 : vector<16xf32>
        %add3A_570 = arith.addf %mul3A_524, %mul3A_533 : vector<16xf32>
        %broadcast_in_dim3A_571 = vector.shape_cast %xor3A_6 : vector<16xi32> to vector<16x1xi32>
        %gather3A_572 = vector.shape_cast %broadcast_in_dim3A_571 : vector<16x1xi32> to vector<16xi32>
        %gather3A_573 = tpu.dynamic_gather %add3A_570[%gather3A_572] in [0] : vector<16xf32>, vector<16xi32> -> vector<16xf32>
        %add3A_574 = arith.addf %add3A_570, %gather3A_573 : vector<16xf32>
        %broadcast_in_dim3A_575 = vector.shape_cast %xor3A_9 : vector<16xi32> to vector<16x1xi32>
        %gather3A_576 = vector.shape_cast %broadcast_in_dim3A_575 : vector<16x1xi32> to vector<16xi32>
        %gather3A_577 = tpu.dynamic_gather %add3A_574[%gather3A_576] in [0] : vector<16xf32>, vector<16xi32> -> vector<16xf32>
        %add3A_578 = arith.addf %add3A_574, %gather3A_577 : vector<16xf32>
        %add3A_579 = arith.addf %mul3A_542, %mul3A_551 : vector<16xf32>
        %broadcast_in_dim3A_580 = vector.shape_cast %xor3A_6 : vector<16xi32> to vector<16x1xi32>
        %gather3A_581 = vector.shape_cast %broadcast_in_dim3A_580 : vector<16x1xi32> to vector<16xi32>
        %gather3A_582 = tpu.dynamic_gather %add3A_579[%gather3A_581] in [0] : vector<16xf32>, vector<16xi32> -> vector<16xf32>
        %add3A_583 = arith.addf %add3A_579, %gather3A_582 : vector<16xf32>
        %broadcast_in_dim3A_584 = vector.shape_cast %xor3A_9 : vector<16xi32> to vector<16x1xi32>
        %gather3A_585 = vector.shape_cast %broadcast_in_dim3A_584 : vector<16x1xi32> to vector<16xi32>
        %gather3A_586 = tpu.dynamic_gather %add3A_583[%gather3A_585] in [0] : vector<16xf32>, vector<16xi32> -> vector<16xf32>
        %add3A_587 = arith.addf %add3A_583, %gather3A_586 : vector<16xf32>
        %select_n3A_588 = arith.select %eq3A_25, %add3A_578, %add3A_587 : vector<16xi1>, vector<16xf32>
        %select_n3A_589 = arith.select %eq3A_22, %add3A_569, %select_n3A_588 : vector<16xi1>, vector<16xf32>
        %select_n3A_590 = arith.select %eq3A_19, %add3A_560, %select_n3A_589 : vector<16xi1>, vector<16xf32>
        %broadcast_in_dim3A_591 = vector.shape_cast %xor3A_12 : vector<16xi32> to vector<16x1xi32>
        %gather3A_592 = vector.shape_cast %broadcast_in_dim3A_591 : vector<16x1xi32> to vector<16xi32>
        %gather3A_593 = tpu.dynamic_gather %select_n3A_590[%gather3A_592] in [0] : vector<16xf32>, vector<16xi32> -> vector<16xf32>
        %add3A_594 = arith.addf %select_n3A_590, %gather3A_593 : vector<16xf32>
        %broadcast_in_dim3A_595 = vector.shape_cast %xor3A_15 : vector<16xi32> to vector<16x1xi32>
        %gather3A_596 = vector.shape_cast %broadcast_in_dim3A_595 : vector<16x1xi32> to vector<16xi32>
        %gather3A_597 = tpu.dynamic_gather %add3A_594[%gather3A_596] in [0] : vector<16xf32>, vector<16xi32> -> vector<16xf32>
        %add3A_598 = arith.addf %add3A_594, %gather3A_597 : vector<16xf32>
        %mul3A_599 = arith.constant 0.176776692 : f32
        %mul3A_600 = vector.broadcast %mul3A_599 : f32 to vector<16xf32>
        %mul3A_601 = arith.mulf %add3A_598, %mul3A_600 : vector<16xf32>
        %exp3A_602 = math.exp %mul3A_601 : vector<16xf32>
        %broadcast_in_dim3A_603 = vector.shape_cast %broadcast_in_dim3A_28 : vector<16xi32> to vector<16x1xi32>
        %gather3A_604 = vector.shape_cast %broadcast_in_dim3A_603 : vector<16x1xi32> to vector<16xi32>
        %gather3A_605 = tpu.dynamic_gather %exp3A_602[%gather3A_604] in [0] : vector<16xf32>, vector<16xi32> -> vector<16xf32>
        %broadcast_in_dim3A_606 = vector.shape_cast %broadcast_in_dim3A_30 : vector<16xi32> to vector<16x1xi32>
        %gather3A_607 = vector.shape_cast %broadcast_in_dim3A_606 : vector<16x1xi32> to vector<16xi32>
        %gather3A_608 = tpu.dynamic_gather %exp3A_602[%gather3A_607] in [0] : vector<16xf32>, vector<16xi32> -> vector<16xf32>
        %broadcast_in_dim3A_609 = vector.shape_cast %broadcast_in_dim3A_32 : vector<16xi32> to vector<16x1xi32>
        %gather3A_610 = vector.shape_cast %broadcast_in_dim3A_609 : vector<16x1xi32> to vector<16xi32>
        %gather3A_611 = tpu.dynamic_gather %exp3A_602[%gather3A_610] in [0] : vector<16xf32>, vector<16xi32> -> vector<16xf32>
        %broadcast_in_dim3A_612 = vector.shape_cast %broadcast_in_dim3A_34 : vector<16xi32> to vector<16x1xi32>
        %gather3A_613 = vector.shape_cast %broadcast_in_dim3A_612 : vector<16x1xi32> to vector<16xi32>
        %gather3A_614 = tpu.dynamic_gather %exp3A_602[%gather3A_613] in [0] : vector<16xf32>, vector<16xi32> -> vector<16xf32>
        %get3A_615 = arith.index_cast %scan3A_479 : i32 to index
        %get3A_616 = arith.constant 128 : index
        %get3A_617 = tpu.vector_load %arg12[%get3A_615, %get3A_616] {strides = array<i32>} : memref<40x256xf32, #tpu.memory_space<vmem>>, vector<1x16xf32>,
        %get3A_618 = vector.shape_cast %get3A_617 : vector<1x16xf32> to vector<16xf32>
        %mul3A_619 = arith.mulf %get3A_618, %gather3A_605 : vector<16xf32>
        %swap3A_620 = arith.index_cast %scan3A_479 : i32 to index
        %swap3A_621 = arith.constant 0 : index
        %swap3A_622 = tpu.vector_load %arg14[%swap3A_620, %swap3A_621] {strides = array<i32>} : memref<40x144xf32, #tpu.memory_space<vmem>>, vector<1x16xf32>,
        %swap3A_623 = vector.shape_cast %swap3A_622 : vector<1x16xf32> to vector<16xf32>
        %swap3A_624 = vector.shape_cast %mul3A_619 : vector<16xf32> to vector<1x16xf32>
        tpu.vector_store %arg14[%swap3A_620, %swap3A_621], %swap3A_624 {strides = array<i32>} : memref<40x144xf32, #tpu.memory_space<vmem>>, vector<1x16xf32>,
        %get3A_625 = arith.index_cast %scan3A_479 : i32 to index
        %get3A_626 = arith.constant 144 : index
        %get3A_627 = tpu.vector_load %arg12[%get3A_625, %get3A_626] {strides = array<i32>} : memref<40x256xf32, #tpu.memory_space<vmem>>, vector<1x16xf32>,
        %get3A_628 = vector.shape_cast %get3A_627 : vector<1x16xf32> to vector<16xf32>
        %mul3A_629 = arith.mulf %get3A_628, %gather3A_605 : vector<16xf32>
        %swap3A_630 = arith.index_cast %scan3A_479 : i32 to index
        %swap3A_631 = arith.constant 16 : index
        %swap3A_632 = tpu.vector_load %arg14[%swap3A_630, %swap3A_631] {strides = array<i32>} : memref<40x144xf32, #tpu.memory_space<vmem>>, vector<1x16xf32>,
        %swap3A_633 = vector.shape_cast %swap3A_632 : vector<1x16xf32> to vector<16xf32>
        %swap3A_634 = vector.shape_cast %mul3A_629 : vector<16xf32> to vector<1x16xf32>
        tpu.vector_store %arg14[%swap3A_630, %swap3A_631], %swap3A_634 {strides = array<i32>} : memref<40x144xf32, #tpu.memory_space<vmem>>, vector<1x16xf32>,
        %get3A_635 = arith.index_cast %scan3A_479 : i32 to index
        %get3A_636 = arith.constant 160 : index
        %get3A_637 = tpu.vector_load %arg12[%get3A_635, %get3A_636] {strides = array<i32>} : memref<40x256xf32, #tpu.memory_space<vmem>>, vector<1x16xf32>,
        %get3A_638 = vector.shape_cast %get3A_637 : vector<1x16xf32> to vector<16xf32>
        %mul3A_639 = arith.mulf %get3A_638, %gather3A_608 : vector<16xf32>
        %swap3A_640 = arith.index_cast %scan3A_479 : i32 to index
        %swap3A_641 = arith.constant 32 : index
        %swap3A_642 = tpu.vector_load %arg14[%swap3A_640, %swap3A_641] {strides = array<i32>} : memref<40x144xf32, #tpu.memory_space<vmem>>, vector<1x16xf32>,
        %swap3A_643 = vector.shape_cast %swap3A_642 : vector<1x16xf32> to vector<16xf32>
        %swap3A_644 = vector.shape_cast %mul3A_639 : vector<16xf32> to vector<1x16xf32>
        tpu.vector_store %arg14[%swap3A_640, %swap3A_641], %swap3A_644 {strides = array<i32>} : memref<40x144xf32, #tpu.memory_space<vmem>>, vector<1x16xf32>,
        %get3A_645 = arith.index_cast %scan3A_479 : i32 to index
        %get3A_646 = arith.constant 176 : index
        %get3A_647 = tpu.vector_load %arg12[%get3A_645, %get3A_646] {strides = array<i32>} : memref<40x256xf32, #tpu.memory_space<vmem>>, vector<1x16xf32>,
        %get3A_648 = vector.shape_cast %get3A_647 : vector<1x16xf32> to vector<16xf32>
        %mul3A_649 = arith.mulf %get3A_648, %gather3A_608 : vector<16xf32>
        %swap3A_650 = arith.index_cast %scan3A_479 : i32 to index
        %swap3A_651 = arith.constant 48 : index
        %swap3A_652 = tpu.vector_load %arg14[%swap3A_650, %swap3A_651] {strides = array<i32>} : memref<40x144xf32, #tpu.memory_space<vmem>>, vector<1x16xf32>,
        %swap3A_653 = vector.shape_cast %swap3A_652 : vector<1x16xf32> to vector<16xf32>
        %swap3A_654 = vector.shape_cast %mul3A_649 : vector<16xf32> to vector<1x16xf32>
        tpu.vector_store %arg14[%swap3A_650, %swap3A_651], %swap3A_654 {strides = array<i32>} : memref<40x144xf32, #tpu.memory_space<vmem>>, vector<1x16xf32>,
        %get3A_655 = arith.index_cast %scan3A_479 : i32 to index
        %get3A_656 = arith.constant 192 : index
        %get3A_657 = tpu.vector_load %arg12[%get3A_655, %get3A_656] {strides = array<i32>} : memref<40x256xf32, #tpu.memory_space<vmem>>, vector<1x16xf32>,
        %get3A_658 = vector.shape_cast %get3A_657 : vector<1x16xf32> to vector<16xf32>
        %mul3A_659 = arith.mulf %get3A_658, %gather3A_611 : vector<16xf32>
        %swap3A_660 = arith.index_cast %scan3A_479 : i32 to index
        %swap3A_661 = arith.constant 64 : index
        %swap3A_662 = tpu.vector_load %arg14[%swap3A_660, %swap3A_661] {strides = array<i32>} : memref<40x144xf32, #tpu.memory_space<vmem>>, vector<1x16xf32>,
        %swap3A_663 = vector.shape_cast %swap3A_662 : vector<1x16xf32> to vector<16xf32>
        %swap3A_664 = vector.shape_cast %mul3A_659 : vector<16xf32> to vector<1x16xf32>
        tpu.vector_store %arg14[%swap3A_660, %swap3A_661], %swap3A_664 {strides = array<i32>} : memref<40x144xf32, #tpu.memory_space<vmem>>, vector<1x16xf32>,
        %get3A_665 = arith.index_cast %scan3A_479 : i32 to index
        %get3A_666 = arith.constant 208 : index
        %get3A_667 = tpu.vector_load %arg12[%get3A_665, %get3A_666] {strides = array<i32>} : memref<40x256xf32, #tpu.memory_space<vmem>>, vector<1x16xf32>,
        %get3A_668 = vector.shape_cast %get3A_667 : vector<1x16xf32> to vector<16xf32>
        %mul3A_669 = arith.mulf %get3A_668, %gather3A_611 : vector<16xf32>
        %swap3A_670 = arith.index_cast %scan3A_479 : i32 to index
        %swap3A_671 = arith.constant 80 : index
        %swap3A_672 = tpu.vector_load %arg14[%swap3A_670, %swap3A_671] {strides = array<i32>} : memref<40x144xf32, #tpu.memory_space<vmem>>, vector<1x16xf32>,
        %swap3A_673 = vector.shape_cast %swap3A_672 : vector<1x16xf32> to vector<16xf32>
        %swap3A_674 = vector.shape_cast %mul3A_669 : vector<16xf32> to vector<1x16xf32>
        tpu.vector_store %arg14[%swap3A_670, %swap3A_671], %swap3A_674 {strides = array<i32>} : memref<40x144xf32, #tpu.memory_space<vmem>>, vector<1x16xf32>,
        %get3A_675 = arith.index_cast %scan3A_479 : i32 to index
        %get3A_676 = arith.constant 224 : index
        %get3A_677 = tpu.vector_load %arg12[%get3A_675, %get3A_676] {strides = array<i32>} : memref<40x256xf32, #tpu.memory_space<vmem>>, vector<1x16xf32>,
        %get3A_678 = vector.shape_cast %get3A_677 : vector<1x16xf32> to vector<16xf32>
        %mul3A_679 = arith.mulf %get3A_678, %gather3A_614 : vector<16xf32>
        %swap3A_680 = arith.index_cast %scan3A_479 : i32 to index
        %swap3A_681 = arith.constant 96 : index
        %swap3A_682 = tpu.vector_load %arg14[%swap3A_680, %swap3A_681] {strides = array<i32>} : memref<40x144xf32, #tpu.memory_space<vmem>>, vector<1x16xf32>,
        %swap3A_683 = vector.shape_cast %swap3A_682 : vector<1x16xf32> to vector<16xf32>
        %swap3A_684 = vector.shape_cast %mul3A_679 : vector<16xf32> to vector<1x16xf32>
        tpu.vector_store %arg14[%swap3A_680, %swap3A_681], %swap3A_684 {strides = array<i32>} : memref<40x144xf32, #tpu.memory_space<vmem>>, vector<1x16xf32>,
        %get3A_685 = arith.index_cast %scan3A_479 : i32 to index
        %get3A_686 = arith.constant 240 : index
        %get3A_687 = tpu.vector_load %arg12[%get3A_685, %get3A_686] {strides = array<i32>} : memref<40x256xf32, #tpu.memory_space<vmem>>, vector<1x16xf32>,
        %get3A_688 = vector.shape_cast %get3A_687 : vector<1x16xf32> to vector<16xf32>
        %mul3A_689 = arith.mulf %get3A_688, %gather3A_614 : vector<16xf32>
        %swap3A_690 = arith.index_cast %scan3A_479 : i32 to index
        %swap3A_691 = arith.constant 112 : index
        %swap3A_692 = tpu.vector_load %arg14[%swap3A_690, %swap3A_691] {strides = array<i32>} : memref<40x144xf32, #tpu.memory_space<vmem>>, vector<1x16xf32>,
        %swap3A_693 = vector.shape_cast %swap3A_692 : vector<1x16xf32> to vector<16xf32>
        %swap3A_694 = vector.shape_cast %mul3A_689 : vector<16xf32> to vector<1x16xf32>
        tpu.vector_store %arg14[%swap3A_690, %swap3A_691], %swap3A_694 {strides = array<i32>} : memref<40x144xf32, #tpu.memory_space<vmem>>, vector<1x16xf32>,
        %jit3A_695 = arith.constant 0.000000e+00 : f32
        %broadcast_in_dim3A_696 = vector.broadcast %jit3A_695 : f32 to vector<16xf32>
        %select_n3A_697 = arith.select %lt3A_27, %exp3A_602, %broadcast_in_dim3A_696 : vector<16xi1>, vector<16xf32>
        %swap3A_698 = arith.index_cast %scan3A_479 : i32 to index
        %swap3A_699 = arith.constant 128 : index
        %swap3A_700 = tpu.vector_load %arg14[%swap3A_698, %swap3A_699] {strides = array<i32>} : memref<40x144xf32, #tpu.memory_space<vmem>>, vector<1x16xf32>,
        %swap3A_701 = vector.shape_cast %swap3A_700 : vector<1x16xf32> to vector<16xf32>
        %swap3A_702 = vector.shape_cast %select_n3A_697 : vector<16xf32> to vector<1x16xf32>
        tpu.vector_store %arg14[%swap3A_698, %swap3A_699], %swap3A_702 {strides = array<i32>} : memref<40x144xf32, #tpu.memory_space<vmem>>, vector<1x16xf32>,
        %scan3A_703 = arith.constant 2 : i32
        %scan3A_704 = arith.addi %scan3A_260, %scan3A_703 : i32
        %get3A_705 = arith.index_cast %scan3A_704 : i32 to index
        %get3A_706 = arith.constant 0 : index
        %get3A_707 = tpu.vector_load %arg10[%get3A_705, %get3A_706] {strides = array<i32>} : memref<40x128xf32, #tpu.memory_space<vmem>>, vector<1x16xf32>,
        %get3A_708 = vector.shape_cast %get3A_707 : vector<1x16xf32> to vector<16xf32>
        %get3A_709 = arith.index_cast %scan3A_704 : i32 to index
        %get3A_710 = arith.constant 0 : index
        %get3A_711 = tpu.vector_load %arg12[%get3A_709, %get3A_710] {strides = array<i32>} : memref<40x256xf32, #tpu.memory_space<vmem>>, vector<1x16xf32>,
        %get3A_712 = vector.shape_cast %get3A_711 : vector<1x16xf32> to vector<16xf32>
        %mul3A_713 = arith.mulf %get3A_708, %get3A_712 : vector<16xf32>
        %get3A_714 = arith.index_cast %scan3A_704 : i32 to index
        %get3A_715 = arith.constant 16 : index
        %get3A_716 = tpu.vector_load %arg10[%get3A_714, %get3A_715] {strides = array<i32>} : memref<40x128xf32, #tpu.memory_space<vmem>>, vector<1x16xf32>,
        %get3A_717 = vector.shape_cast %get3A_716 : vector<1x16xf32> to vector<16xf32>
        %get3A_718 = arith.index_cast %scan3A_704 : i32 to index
        %get3A_719 = arith.constant 16 : index
        %get3A_720 = tpu.vector_load %arg12[%get3A_718, %get3A_719] {strides = array<i32>} : memref<40x256xf32, #tpu.memory_space<vmem>>, vector<1x16xf32>,
        %get3A_721 = vector.shape_cast %get3A_720 : vector<1x16xf32> to vector<16xf32>
        %mul3A_722 = arith.mulf %get3A_717, %get3A_721 : vector<16xf32>
        %get3A_723 = arith.index_cast %scan3A_704 : i32 to index
        %get3A_724 = arith.constant 32 : index
        %get3A_725 = tpu.vector_load %arg10[%get3A_723, %get3A_724] {strides = array<i32>} : memref<40x128xf32, #tpu.memory_space<vmem>>, vector<1x16xf32>,
        %get3A_726 = vector.shape_cast %get3A_725 : vector<1x16xf32> to vector<16xf32>
        %get3A_727 = arith.index_cast %scan3A_704 : i32 to index
        %get3A_728 = arith.constant 32 : index
        %get3A_729 = tpu.vector_load %arg12[%get3A_727, %get3A_728] {strides = array<i32>} : memref<40x256xf32, #tpu.memory_space<vmem>>, vector<1x16xf32>,
        %get3A_730 = vector.shape_cast %get3A_729 : vector<1x16xf32> to vector<16xf32>
        %mul3A_731 = arith.mulf %get3A_726, %get3A_730 : vector<16xf32>
        %get3A_732 = arith.index_cast %scan3A_704 : i32 to index
        %get3A_733 = arith.constant 48 : index
        %get3A_734 = tpu.vector_load %arg10[%get3A_732, %get3A_733] {strides = array<i32>} : memref<40x128xf32, #tpu.memory_space<vmem>>, vector<1x16xf32>,
        %get3A_735 = vector.shape_cast %get3A_734 : vector<1x16xf32> to vector<16xf32>
        %get3A_736 = arith.index_cast %scan3A_704 : i32 to index
        %get3A_737 = arith.constant 48 : index
        %get3A_738 = tpu.vector_load %arg12[%get3A_736, %get3A_737] {strides = array<i32>} : memref<40x256xf32, #tpu.memory_space<vmem>>, vector<1x16xf32>,
        %get3A_739 = vector.shape_cast %get3A_738 : vector<1x16xf32> to vector<16xf32>
        %mul3A_740 = arith.mulf %get3A_735, %get3A_739 : vector<16xf32>
        %get3A_741 = arith.index_cast %scan3A_704 : i32 to index
        %get3A_742 = arith.constant 64 : index
        %get3A_743 = tpu.vector_load %arg10[%get3A_741, %get3A_742] {strides = array<i32>} : memref<40x128xf32, #tpu.memory_space<vmem>>, vector<1x16xf32>,
        %get3A_744 = vector.shape_cast %get3A_743 : vector<1x16xf32> to vector<16xf32>
        %get3A_745 = arith.index_cast %scan3A_704 : i32 to index
        %get3A_746 = arith.constant 64 : index
        %get3A_747 = tpu.vector_load %arg12[%get3A_745, %get3A_746] {strides = array<i32>} : memref<40x256xf32, #tpu.memory_space<vmem>>, vector<1x16xf32>,
        %get3A_748 = vector.shape_cast %get3A_747 : vector<1x16xf32> to vector<16xf32>
        %mul3A_749 = arith.mulf %get3A_744, %get3A_748 : vector<16xf32>
        %get3A_750 = arith.index_cast %scan3A_704 : i32 to index
        %get3A_751 = arith.constant 80 : index
        %get3A_752 = tpu.vector_load %arg10[%get3A_750, %get3A_751] {strides = array<i32>} : memref<40x128xf32, #tpu.memory_space<vmem>>, vector<1x16xf32>,
        %get3A_753 = vector.shape_cast %get3A_752 : vector<1x16xf32> to vector<16xf32>
        %get3A_754 = arith.index_cast %scan3A_704 : i32 to index
        %get3A_755 = arith.constant 80 : index
        %get3A_756 = tpu.vector_load %arg12[%get3A_754, %get3A_755] {strides = array<i32>} : memref<40x256xf32, #tpu.memory_space<vmem>>, vector<1x16xf32>,
        %get3A_757 = vector.shape_cast %get3A_756 : vector<1x16xf32> to vector<16xf32>
        %mul3A_758 = arith.mulf %get3A_753, %get3A_757 : vector<16xf32>
        %get3A_759 = arith.index_cast %scan3A_704 : i32 to index
        %get3A_760 = arith.constant 96 : index
        %get3A_761 = tpu.vector_load %arg10[%get3A_759, %get3A_760] {strides = array<i32>} : memref<40x128xf32, #tpu.memory_space<vmem>>, vector<1x16xf32>,
        %get3A_762 = vector.shape_cast %get3A_761 : vector<1x16xf32> to vector<16xf32>
        %get3A_763 = arith.index_cast %scan3A_704 : i32 to index
        %get3A_764 = arith.constant 96 : index
        %get3A_765 = tpu.vector_load %arg12[%get3A_763, %get3A_764] {strides = array<i32>} : memref<40x256xf32, #tpu.memory_space<vmem>>, vector<1x16xf32>,
        %get3A_766 = vector.shape_cast %get3A_765 : vector<1x16xf32> to vector<16xf32>
        %mul3A_767 = arith.mulf %get3A_762, %get3A_766 : vector<16xf32>
        %get3A_768 = arith.index_cast %scan3A_704 : i32 to index
        %get3A_769 = arith.constant 112 : index
        %get3A_770 = tpu.vector_load %arg10[%get3A_768, %get3A_769] {strides = array<i32>} : memref<40x128xf32, #tpu.memory_space<vmem>>, vector<1x16xf32>,
        %get3A_771 = vector.shape_cast %get3A_770 : vector<1x16xf32> to vector<16xf32>
        %get3A_772 = arith.index_cast %scan3A_704 : i32 to index
        %get3A_773 = arith.constant 112 : index
        %get3A_774 = tpu.vector_load %arg12[%get3A_772, %get3A_773] {strides = array<i32>} : memref<40x256xf32, #tpu.memory_space<vmem>>, vector<1x16xf32>,
        %get3A_775 = vector.shape_cast %get3A_774 : vector<1x16xf32> to vector<16xf32>
        %mul3A_776 = arith.mulf %get3A_771, %get3A_775 : vector<16xf32>
        %add3A_777 = arith.addf %mul3A_713, %mul3A_722 : vector<16xf32>
        %broadcast_in_dim3A_778 = vector.shape_cast %xor3A_6 : vector<16xi32> to vector<16x1xi32>
        %gather3A_779 = vector.shape_cast %broadcast_in_dim3A_778 : vector<16x1xi32> to vector<16xi32>
        %gather3A_780 = tpu.dynamic_gather %add3A_777[%gather3A_779] in [0] : vector<16xf32>, vector<16xi32> -> vector<16xf32>
        %add3A_781 = arith.addf %add3A_777, %gather3A_780 : vector<16xf32>
        %broadcast_in_dim3A_782 = vector.shape_cast %xor3A_9 : vector<16xi32> to vector<16x1xi32>
        %gather3A_783 = vector.shape_cast %broadcast_in_dim3A_782 : vector<16x1xi32> to vector<16xi32>
        %gather3A_784 = tpu.dynamic_gather %add3A_781[%gather3A_783] in [0] : vector<16xf32>, vector<16xi32> -> vector<16xf32>
        %add3A_785 = arith.addf %add3A_781, %gather3A_784 : vector<16xf32>
        %add3A_786 = arith.addf %mul3A_731, %mul3A_740 : vector<16xf32>
        %broadcast_in_dim3A_787 = vector.shape_cast %xor3A_6 : vector<16xi32> to vector<16x1xi32>
        %gather3A_788 = vector.shape_cast %broadcast_in_dim3A_787 : vector<16x1xi32> to vector<16xi32>
        %gather3A_789 = tpu.dynamic_gather %add3A_786[%gather3A_788] in [0] : vector<16xf32>, vector<16xi32> -> vector<16xf32>
        %add3A_790 = arith.addf %add3A_786, %gather3A_789 : vector<16xf32>
        %broadcast_in_dim3A_791 = vector.shape_cast %xor3A_9 : vector<16xi32> to vector<16x1xi32>
        %gather3A_792 = vector.shape_cast %broadcast_in_dim3A_791 : vector<16x1xi32> to vector<16xi32>
        %gather3A_793 = tpu.dynamic_gather %add3A_790[%gather3A_792] in [0] : vector<16xf32>, vector<16xi32> -> vector<16xf32>
        %add3A_794 = arith.addf %add3A_790, %gather3A_793 : vector<16xf32>
        %add3A_795 = arith.addf %mul3A_749, %mul3A_758 : vector<16xf32>
        %broadcast_in_dim3A_796 = vector.shape_cast %xor3A_6 : vector<16xi32> to vector<16x1xi32>
        %gather3A_797 = vector.shape_cast %broadcast_in_dim3A_796 : vector<16x1xi32> to vector<16xi32>
        %gather3A_798 = tpu.dynamic_gather %add3A_795[%gather3A_797] in [0] : vector<16xf32>, vector<16xi32> -> vector<16xf32>
        %add3A_799 = arith.addf %add3A_795, %gather3A_798 : vector<16xf32>
        %broadcast_in_dim3A_800 = vector.shape_cast %xor3A_9 : vector<16xi32> to vector<16x1xi32>
        %gather3A_801 = vector.shape_cast %broadcast_in_dim3A_800 : vector<16x1xi32> to vector<16xi32>
        %gather3A_802 = tpu.dynamic_gather %add3A_799[%gather3A_801] in [0] : vector<16xf32>, vector<16xi32> -> vector<16xf32>
        %add3A_803 = arith.addf %add3A_799, %gather3A_802 : vector<16xf32>
        %add3A_804 = arith.addf %mul3A_767, %mul3A_776 : vector<16xf32>
        %broadcast_in_dim3A_805 = vector.shape_cast %xor3A_6 : vector<16xi32> to vector<16x1xi32>
        %gather3A_806 = vector.shape_cast %broadcast_in_dim3A_805 : vector<16x1xi32> to vector<16xi32>
        %gather3A_807 = tpu.dynamic_gather %add3A_804[%gather3A_806] in [0] : vector<16xf32>, vector<16xi32> -> vector<16xf32>
        %add3A_808 = arith.addf %add3A_804, %gather3A_807 : vector<16xf32>
        %broadcast_in_dim3A_809 = vector.shape_cast %xor3A_9 : vector<16xi32> to vector<16x1xi32>
        %gather3A_810 = vector.shape_cast %broadcast_in_dim3A_809 : vector<16x1xi32> to vector<16xi32>
        %gather3A_811 = tpu.dynamic_gather %add3A_808[%gather3A_810] in [0] : vector<16xf32>, vector<16xi32> -> vector<16xf32>
        %add3A_812 = arith.addf %add3A_808, %gather3A_811 : vector<16xf32>
        %select_n3A_813 = arith.select %eq3A_25, %add3A_803, %add3A_812 : vector<16xi1>, vector<16xf32>
        %select_n3A_814 = arith.select %eq3A_22, %add3A_794, %select_n3A_813 : vector<16xi1>, vector<16xf32>
        %select_n3A_815 = arith.select %eq3A_19, %add3A_785, %select_n3A_814 : vector<16xi1>, vector<16xf32>
        %broadcast_in_dim3A_816 = vector.shape_cast %xor3A_12 : vector<16xi32> to vector<16x1xi32>
        %gather3A_817 = vector.shape_cast %broadcast_in_dim3A_816 : vector<16x1xi32> to vector<16xi32>
        %gather3A_818 = tpu.dynamic_gather %select_n3A_815[%gather3A_817] in [0] : vector<16xf32>, vector<16xi32> -> vector<16xf32>
        %add3A_819 = arith.addf %select_n3A_815, %gather3A_818 : vector<16xf32>
        %broadcast_in_dim3A_820 = vector.shape_cast %xor3A_15 : vector<16xi32> to vector<16x1xi32>
        %gather3A_821 = vector.shape_cast %broadcast_in_dim3A_820 : vector<16x1xi32> to vector<16xi32>
        %gather3A_822 = tpu.dynamic_gather %add3A_819[%gather3A_821] in [0] : vector<16xf32>, vector<16xi32> -> vector<16xf32>
        %add3A_823 = arith.addf %add3A_819, %gather3A_822 : vector<16xf32>
        %mul3A_824 = arith.constant 0.176776692 : f32
        %mul3A_825 = vector.broadcast %mul3A_824 : f32 to vector<16xf32>
        %mul3A_826 = arith.mulf %add3A_823, %mul3A_825 : vector<16xf32>
        %exp3A_827 = math.exp %mul3A_826 : vector<16xf32>
        %broadcast_in_dim3A_828 = vector.shape_cast %broadcast_in_dim3A_28 : vector<16xi32> to vector<16x1xi32>
        %gather3A_829 = vector.shape_cast %broadcast_in_dim3A_828 : vector<16x1xi32> to vector<16xi32>
        %gather3A_830 = tpu.dynamic_gather %exp3A_827[%gather3A_829] in [0] : vector<16xf32>, vector<16xi32> -> vector<16xf32>
        %broadcast_in_dim3A_831 = vector.shape_cast %broadcast_in_dim3A_30 : vector<16xi32> to vector<16x1xi32>
        %gather3A_832 = vector.shape_cast %broadcast_in_dim3A_831 : vector<16x1xi32> to vector<16xi32>
        %gather3A_833 = tpu.dynamic_gather %exp3A_827[%gather3A_832] in [0] : vector<16xf32>, vector<16xi32> -> vector<16xf32>
        %broadcast_in_dim3A_834 = vector.shape_cast %broadcast_in_dim3A_32 : vector<16xi32> to vector<16x1xi32>
        %gather3A_835 = vector.shape_cast %broadcast_in_dim3A_834 : vector<16x1xi32> to vector<16xi32>
        %gather3A_836 = tpu.dynamic_gather %exp3A_827[%gather3A_835] in [0] : vector<16xf32>, vector<16xi32> -> vector<16xf32>
        %broadcast_in_dim3A_837 = vector.shape_cast %broadcast_in_dim3A_34 : vector<16xi32> to vector<16x1xi32>
        %gather3A_838 = vector.shape_cast %broadcast_in_dim3A_837 : vector<16x1xi32> to vector<16xi32>
        %gather3A_839 = tpu.dynamic_gather %exp3A_827[%gather3A_838] in [0] : vector<16xf32>, vector<16xi32> -> vector<16xf32>
        %get3A_840 = arith.index_cast %scan3A_704 : i32 to index
        %get3A_841 = arith.constant 128 : index
        %get3A_842 = tpu.vector_load %arg12[%get3A_840, %get3A_841] {strides = array<i32>} : memref<40x256xf32, #tpu.memory_space<vmem>>, vector<1x16xf32>,
        %get3A_843 = vector.shape_cast %get3A_842 : vector<1x16xf32> to vector<16xf32>
        %mul3A_844 = arith.mulf %get3A_843, %gather3A_830 : vector<16xf32>
        %swap3A_845 = arith.index_cast %scan3A_704 : i32 to index
        %swap3A_846 = arith.constant 0 : index
        %swap3A_847 = tpu.vector_load %arg14[%swap3A_845, %swap3A_846] {strides = array<i32>} : memref<40x144xf32, #tpu.memory_space<vmem>>, vector<1x16xf32>,
        %swap3A_848 = vector.shape_cast %swap3A_847 : vector<1x16xf32> to vector<16xf32>
        %swap3A_849 = vector.shape_cast %mul3A_844 : vector<16xf32> to vector<1x16xf32>
        tpu.vector_store %arg14[%swap3A_845, %swap3A_846], %swap3A_849 {strides = array<i32>} : memref<40x144xf32, #tpu.memory_space<vmem>>, vector<1x16xf32>,
        %get3A_850 = arith.index_cast %scan3A_704 : i32 to index
        %get3A_851 = arith.constant 144 : index
        %get3A_852 = tpu.vector_load %arg12[%get3A_850, %get3A_851] {strides = array<i32>} : memref<40x256xf32, #tpu.memory_space<vmem>>, vector<1x16xf32>,
        %get3A_853 = vector.shape_cast %get3A_852 : vector<1x16xf32> to vector<16xf32>
        %mul3A_854 = arith.mulf %get3A_853, %gather3A_830 : vector<16xf32>
        %swap3A_855 = arith.index_cast %scan3A_704 : i32 to index
        %swap3A_856 = arith.constant 16 : index
        %swap3A_857 = tpu.vector_load %arg14[%swap3A_855, %swap3A_856] {strides = array<i32>} : memref<40x144xf32, #tpu.memory_space<vmem>>, vector<1x16xf32>,
        %swap3A_858 = vector.shape_cast %swap3A_857 : vector<1x16xf32> to vector<16xf32>
        %swap3A_859 = vector.shape_cast %mul3A_854 : vector<16xf32> to vector<1x16xf32>
        tpu.vector_store %arg14[%swap3A_855, %swap3A_856], %swap3A_859 {strides = array<i32>} : memref<40x144xf32, #tpu.memory_space<vmem>>, vector<1x16xf32>,
        %get3A_860 = arith.index_cast %scan3A_704 : i32 to index
        %get3A_861 = arith.constant 160 : index
        %get3A_862 = tpu.vector_load %arg12[%get3A_860, %get3A_861] {strides = array<i32>} : memref<40x256xf32, #tpu.memory_space<vmem>>, vector<1x16xf32>,
        %get3A_863 = vector.shape_cast %get3A_862 : vector<1x16xf32> to vector<16xf32>
        %mul3A_864 = arith.mulf %get3A_863, %gather3A_833 : vector<16xf32>
        %swap3A_865 = arith.index_cast %scan3A_704 : i32 to index
        %swap3A_866 = arith.constant 32 : index
        %swap3A_867 = tpu.vector_load %arg14[%swap3A_865, %swap3A_866] {strides = array<i32>} : memref<40x144xf32, #tpu.memory_space<vmem>>, vector<1x16xf32>,
        %swap3A_868 = vector.shape_cast %swap3A_867 : vector<1x16xf32> to vector<16xf32>
        %swap3A_869 = vector.shape_cast %mul3A_864 : vector<16xf32> to vector<1x16xf32>
        tpu.vector_store %arg14[%swap3A_865, %swap3A_866], %swap3A_869 {strides = array<i32>} : memref<40x144xf32, #tpu.memory_space<vmem>>, vector<1x16xf32>,
        %get3A_870 = arith.index_cast %scan3A_704 : i32 to index
        %get3A_871 = arith.constant 176 : index
        %get3A_872 = tpu.vector_load %arg12[%get3A_870, %get3A_871] {strides = array<i32>} : memref<40x256xf32, #tpu.memory_space<vmem>>, vector<1x16xf32>,
        %get3A_873 = vector.shape_cast %get3A_872 : vector<1x16xf32> to vector<16xf32>
        %mul3A_874 = arith.mulf %get3A_873, %gather3A_833 : vector<16xf32>
        %swap3A_875 = arith.index_cast %scan3A_704 : i32 to index
        %swap3A_876 = arith.constant 48 : index
        %swap3A_877 = tpu.vector_load %arg14[%swap3A_875, %swap3A_876] {strides = array<i32>} : memref<40x144xf32, #tpu.memory_space<vmem>>, vector<1x16xf32>,
        %swap3A_878 = vector.shape_cast %swap3A_877 : vector<1x16xf32> to vector<16xf32>
        %swap3A_879 = vector.shape_cast %mul3A_874 : vector<16xf32> to vector<1x16xf32>
        tpu.vector_store %arg14[%swap3A_875, %swap3A_876], %swap3A_879 {strides = array<i32>} : memref<40x144xf32, #tpu.memory_space<vmem>>, vector<1x16xf32>,
        %get3A_880 = arith.index_cast %scan3A_704 : i32 to index
        %get3A_881 = arith.constant 192 : index
        %get3A_882 = tpu.vector_load %arg12[%get3A_880, %get3A_881] {strides = array<i32>} : memref<40x256xf32, #tpu.memory_space<vmem>>, vector<1x16xf32>,
        %get3A_883 = vector.shape_cast %get3A_882 : vector<1x16xf32> to vector<16xf32>
        %mul3A_884 = arith.mulf %get3A_883, %gather3A_836 : vector<16xf32>
        %swap3A_885 = arith.index_cast %scan3A_704 : i32 to index
        %swap3A_886 = arith.constant 64 : index
        %swap3A_887 = tpu.vector_load %arg14[%swap3A_885, %swap3A_886] {strides = array<i32>} : memref<40x144xf32, #tpu.memory_space<vmem>>, vector<1x16xf32>,
        %swap3A_888 = vector.shape_cast %swap3A_887 : vector<1x16xf32> to vector<16xf32>
        %swap3A_889 = vector.shape_cast %mul3A_884 : vector<16xf32> to vector<1x16xf32>
        tpu.vector_store %arg14[%swap3A_885, %swap3A_886], %swap3A_889 {strides = array<i32>} : memref<40x144xf32, #tpu.memory_space<vmem>>, vector<1x16xf32>,
        %get3A_890 = arith.index_cast %scan3A_704 : i32 to index
        %get3A_891 = arith.constant 208 : index
        %get3A_892 = tpu.vector_load %arg12[%get3A_890, %get3A_891] {strides = array<i32>} : memref<40x256xf32, #tpu.memory_space<vmem>>, vector<1x16xf32>,
        %get3A_893 = vector.shape_cast %get3A_892 : vector<1x16xf32> to vector<16xf32>
        %mul3A_894 = arith.mulf %get3A_893, %gather3A_836 : vector<16xf32>
        %swap3A_895 = arith.index_cast %scan3A_704 : i32 to index
        %swap3A_896 = arith.constant 80 : index
        %swap3A_897 = tpu.vector_load %arg14[%swap3A_895, %swap3A_896] {strides = array<i32>} : memref<40x144xf32, #tpu.memory_space<vmem>>, vector<1x16xf32>,
        %swap3A_898 = vector.shape_cast %swap3A_897 : vector<1x16xf32> to vector<16xf32>
        %swap3A_899 = vector.shape_cast %mul3A_894 : vector<16xf32> to vector<1x16xf32>
        tpu.vector_store %arg14[%swap3A_895, %swap3A_896], %swap3A_899 {strides = array<i32>} : memref<40x144xf32, #tpu.memory_space<vmem>>, vector<1x16xf32>,
        %get3A_900 = arith.index_cast %scan3A_704 : i32 to index
        %get3A_901 = arith.constant 224 : index
        %get3A_902 = tpu.vector_load %arg12[%get3A_900, %get3A_901] {strides = array<i32>} : memref<40x256xf32, #tpu.memory_space<vmem>>, vector<1x16xf32>,
        %get3A_903 = vector.shape_cast %get3A_902 : vector<1x16xf32> to vector<16xf32>
        %mul3A_904 = arith.mulf %get3A_903, %gather3A_839 : vector<16xf32>
        %swap3A_905 = arith.index_cast %scan3A_704 : i32 to index
        %swap3A_906 = arith.constant 96 : index
        %swap3A_907 = tpu.vector_load %arg14[%swap3A_905, %swap3A_906] {strides = array<i32>} : memref<40x144xf32, #tpu.memory_space<vmem>>, vector<1x16xf32>,
        %swap3A_908 = vector.shape_cast %swap3A_907 : vector<1x16xf32> to vector<16xf32>
        %swap3A_909 = vector.shape_cast %mul3A_904 : vector<16xf32> to vector<1x16xf32>
        tpu.vector_store %arg14[%swap3A_905, %swap3A_906], %swap3A_909 {strides = array<i32>} : memref<40x144xf32, #tpu.memory_space<vmem>>, vector<1x16xf32>,
        %get3A_910 = arith.index_cast %scan3A_704 : i32 to index
        %get3A_911 = arith.constant 240 : index
        %get3A_912 = tpu.vector_load %arg12[%get3A_910, %get3A_911] {strides = array<i32>} : memref<40x256xf32, #tpu.memory_space<vmem>>, vector<1x16xf32>,
        %get3A_913 = vector.shape_cast %get3A_912 : vector<1x16xf32> to vector<16xf32>
        %mul3A_914 = arith.mulf %get3A_913, %gather3A_839 : vector<16xf32>
        %swap3A_915 = arith.index_cast %scan3A_704 : i32 to index
        %swap3A_916 = arith.constant 112 : index
        %swap3A_917 = tpu.vector_load %arg14[%swap3A_915, %swap3A_916] {strides = array<i32>} : memref<40x144xf32, #tpu.memory_space<vmem>>, vector<1x16xf32>,
        %swap3A_918 = vector.shape_cast %swap3A_917 : vector<1x16xf32> to vector<16xf32>
        %swap3A_919 = vector.shape_cast %mul3A_914 : vector<16xf32> to vector<1x16xf32>
        tpu.vector_store %arg14[%swap3A_915, %swap3A_916], %swap3A_919 {strides = array<i32>} : memref<40x144xf32, #tpu.memory_space<vmem>>, vector<1x16xf32>,
        %jit3A_920 = arith.constant 0.000000e+00 : f32
        %broadcast_in_dim3A_921 = vector.broadcast %jit3A_920 : f32 to vector<16xf32>
        %select_n3A_922 = arith.select %lt3A_27, %exp3A_827, %broadcast_in_dim3A_921 : vector<16xi1>, vector<16xf32>
        %swap3A_923 = arith.index_cast %scan3A_704 : i32 to index
        %swap3A_924 = arith.constant 128 : index
        %swap3A_925 = tpu.vector_load %arg14[%swap3A_923, %swap3A_924] {strides = array<i32>} : memref<40x144xf32, #tpu.memory_space<vmem>>, vector<1x16xf32>,
        %swap3A_926 = vector.shape_cast %swap3A_925 : vector<1x16xf32> to vector<16xf32>
        %swap3A_927 = vector.shape_cast %select_n3A_922 : vector<16xf32> to vector<1x16xf32>
        tpu.vector_store %arg14[%swap3A_923, %swap3A_924], %swap3A_927 {strides = array<i32>} : memref<40x144xf32, #tpu.memory_space<vmem>>, vector<1x16xf32>,
        %scan3A_928 = arith.constant 3 : i32
        %scan3A_929 = arith.addi %scan3A_260, %scan3A_928 : i32
        %get3A_930 = arith.index_cast %scan3A_929 : i32 to index
        %get3A_931 = arith.constant 0 : index
        %get3A_932 = tpu.vector_load %arg10[%get3A_930, %get3A_931] {strides = array<i32>} : memref<40x128xf32, #tpu.memory_space<vmem>>, vector<1x16xf32>,
        %get3A_933 = vector.shape_cast %get3A_932 : vector<1x16xf32> to vector<16xf32>
        %get3A_934 = arith.index_cast %scan3A_929 : i32 to index
        %get3A_935 = arith.constant 0 : index
        %get3A_936 = tpu.vector_load %arg12[%get3A_934, %get3A_935] {strides = array<i32>} : memref<40x256xf32, #tpu.memory_space<vmem>>, vector<1x16xf32>,
        %get3A_937 = vector.shape_cast %get3A_936 : vector<1x16xf32> to vector<16xf32>
        %mul3A_938 = arith.mulf %get3A_933, %get3A_937 : vector<16xf32>
        %get3A_939 = arith.index_cast %scan3A_929 : i32 to index
        %get3A_940 = arith.constant 16 : index
        %get3A_941 = tpu.vector_load %arg10[%get3A_939, %get3A_940] {strides = array<i32>} : memref<40x128xf32, #tpu.memory_space<vmem>>, vector<1x16xf32>,
        %get3A_942 = vector.shape_cast %get3A_941 : vector<1x16xf32> to vector<16xf32>
        %get3A_943 = arith.index_cast %scan3A_929 : i32 to index
        %get3A_944 = arith.constant 16 : index
        %get3A_945 = tpu.vector_load %arg12[%get3A_943, %get3A_944] {strides = array<i32>} : memref<40x256xf32, #tpu.memory_space<vmem>>, vector<1x16xf32>,
        %get3A_946 = vector.shape_cast %get3A_945 : vector<1x16xf32> to vector<16xf32>
        %mul3A_947 = arith.mulf %get3A_942, %get3A_946 : vector<16xf32>
        %get3A_948 = arith.index_cast %scan3A_929 : i32 to index
        %get3A_949 = arith.constant 32 : index
        %get3A_950 = tpu.vector_load %arg10[%get3A_948, %get3A_949] {strides = array<i32>} : memref<40x128xf32, #tpu.memory_space<vmem>>, vector<1x16xf32>,
        %get3A_951 = vector.shape_cast %get3A_950 : vector<1x16xf32> to vector<16xf32>
        %get3A_952 = arith.index_cast %scan3A_929 : i32 to index
        %get3A_953 = arith.constant 32 : index
        %get3A_954 = tpu.vector_load %arg12[%get3A_952, %get3A_953] {strides = array<i32>} : memref<40x256xf32, #tpu.memory_space<vmem>>, vector<1x16xf32>,
        %get3A_955 = vector.shape_cast %get3A_954 : vector<1x16xf32> to vector<16xf32>
        %mul3A_956 = arith.mulf %get3A_951, %get3A_955 : vector<16xf32>
        %get3A_957 = arith.index_cast %scan3A_929 : i32 to index
        %get3A_958 = arith.constant 48 : index
        %get3A_959 = tpu.vector_load %arg10[%get3A_957, %get3A_958] {strides = array<i32>} : memref<40x128xf32, #tpu.memory_space<vmem>>, vector<1x16xf32>,
        %get3A_960 = vector.shape_cast %get3A_959 : vector<1x16xf32> to vector<16xf32>
        %get3A_961 = arith.index_cast %scan3A_929 : i32 to index
        %get3A_962 = arith.constant 48 : index
        %get3A_963 = tpu.vector_load %arg12[%get3A_961, %get3A_962] {strides = array<i32>} : memref<40x256xf32, #tpu.memory_space<vmem>>, vector<1x16xf32>,
        %get3A_964 = vector.shape_cast %get3A_963 : vector<1x16xf32> to vector<16xf32>
        %mul3A_965 = arith.mulf %get3A_960, %get3A_964 : vector<16xf32>
        %get3A_966 = arith.index_cast %scan3A_929 : i32 to index
        %get3A_967 = arith.constant 64 : index
        %get3A_968 = tpu.vector_load %arg10[%get3A_966, %get3A_967] {strides = array<i32>} : memref<40x128xf32, #tpu.memory_space<vmem>>, vector<1x16xf32>,
        %get3A_969 = vector.shape_cast %get3A_968 : vector<1x16xf32> to vector<16xf32>
        %get3A_970 = arith.index_cast %scan3A_929 : i32 to index
        %get3A_971 = arith.constant 64 : index
        %get3A_972 = tpu.vector_load %arg12[%get3A_970, %get3A_971] {strides = array<i32>} : memref<40x256xf32, #tpu.memory_space<vmem>>, vector<1x16xf32>,
        %get3A_973 = vector.shape_cast %get3A_972 : vector<1x16xf32> to vector<16xf32>
        %mul3A_974 = arith.mulf %get3A_969, %get3A_973 : vector<16xf32>
        %get3A_975 = arith.index_cast %scan3A_929 : i32 to index
        %get3A_976 = arith.constant 80 : index
        %get3A_977 = tpu.vector_load %arg10[%get3A_975, %get3A_976] {strides = array<i32>} : memref<40x128xf32, #tpu.memory_space<vmem>>, vector<1x16xf32>,
        %get3A_978 = vector.shape_cast %get3A_977 : vector<1x16xf32> to vector<16xf32>
        %get3A_979 = arith.index_cast %scan3A_929 : i32 to index
        %get3A_980 = arith.constant 80 : index
        %get3A_981 = tpu.vector_load %arg12[%get3A_979, %get3A_980] {strides = array<i32>} : memref<40x256xf32, #tpu.memory_space<vmem>>, vector<1x16xf32>,
        %get3A_982 = vector.shape_cast %get3A_981 : vector<1x16xf32> to vector<16xf32>
        %mul3A_983 = arith.mulf %get3A_978, %get3A_982 : vector<16xf32>
        %get3A_984 = arith.index_cast %scan3A_929 : i32 to index
        %get3A_985 = arith.constant 96 : index
        %get3A_986 = tpu.vector_load %arg10[%get3A_984, %get3A_985] {strides = array<i32>} : memref<40x128xf32, #tpu.memory_space<vmem>>, vector<1x16xf32>,
        %get3A_987 = vector.shape_cast %get3A_986 : vector<1x16xf32> to vector<16xf32>
        %get3A_988 = arith.index_cast %scan3A_929 : i32 to index
        %get3A_989 = arith.constant 96 : index
        %get3A_990 = tpu.vector_load %arg12[%get3A_988, %get3A_989] {strides = array<i32>} : memref<40x256xf32, #tpu.memory_space<vmem>>, vector<1x16xf32>,
        %get3A_991 = vector.shape_cast %get3A_990 : vector<1x16xf32> to vector<16xf32>
        %mul3A_992 = arith.mulf %get3A_987, %get3A_991 : vector<16xf32>
        %get3A_993 = arith.index_cast %scan3A_929 : i32 to index
        %get3A_994 = arith.constant 112 : index
        %get3A_995 = tpu.vector_load %arg10[%get3A_993, %get3A_994] {strides = array<i32>} : memref<40x128xf32, #tpu.memory_space<vmem>>, vector<1x16xf32>,
        %get3A_996 = vector.shape_cast %get3A_995 : vector<1x16xf32> to vector<16xf32>
        %get3A_997 = arith.index_cast %scan3A_929 : i32 to index
        %get3A_998 = arith.constant 112 : index
        %get3A_999 = tpu.vector_load %arg12[%get3A_997, %get3A_998] {strides = array<i32>} : memref<40x256xf32, #tpu.memory_space<vmem>>, vector<1x16xf32>,
        %get3A_1000 = vector.shape_cast %get3A_999 : vector<1x16xf32> to vector<16xf32>
        %mul3A_1001 = arith.mulf %get3A_996, %get3A_1000 : vector<16xf32>
        %add3A_1002 = arith.addf %mul3A_938, %mul3A_947 : vector<16xf32>
        %broadcast_in_dim3A_1003 = vector.shape_cast %xor3A_6 : vector<16xi32> to vector<16x1xi32>
        %gather3A_1004 = vector.shape_cast %broadcast_in_dim3A_1003 : vector<16x1xi32> to vector<16xi32>
        %gather3A_1005 = tpu.dynamic_gather %add3A_1002[%gather3A_1004] in [0] : vector<16xf32>, vector<16xi32> -> vector<16xf32>
        %add3A_1006 = arith.addf %add3A_1002, %gather3A_1005 : vector<16xf32>
        %broadcast_in_dim3A_1007 = vector.shape_cast %xor3A_9 : vector<16xi32> to vector<16x1xi32>
        %gather3A_1008 = vector.shape_cast %broadcast_in_dim3A_1007 : vector<16x1xi32> to vector<16xi32>
        %gather3A_1009 = tpu.dynamic_gather %add3A_1006[%gather3A_1008] in [0] : vector<16xf32>, vector<16xi32> -> vector<16xf32>
        %add3A_1010 = arith.addf %add3A_1006, %gather3A_1009 : vector<16xf32>
        %add3A_1011 = arith.addf %mul3A_956, %mul3A_965 : vector<16xf32>
        %broadcast_in_dim3A_1012 = vector.shape_cast %xor3A_6 : vector<16xi32> to vector<16x1xi32>
        %gather3A_1013 = vector.shape_cast %broadcast_in_dim3A_1012 : vector<16x1xi32> to vector<16xi32>
        %gather3A_1014 = tpu.dynamic_gather %add3A_1011[%gather3A_1013] in [0] : vector<16xf32>, vector<16xi32> -> vector<16xf32>
        %add3A_1015 = arith.addf %add3A_1011, %gather3A_1014 : vector<16xf32>
        %broadcast_in_dim3A_1016 = vector.shape_cast %xor3A_9 : vector<16xi32> to vector<16x1xi32>
        %gather3A_1017 = vector.shape_cast %broadcast_in_dim3A_1016 : vector<16x1xi32> to vector<16xi32>
        %gather3A_1018 = tpu.dynamic_gather %add3A_1015[%gather3A_1017] in [0] : vector<16xf32>, vector<16xi32> -> vector<16xf32>
        %add3A_1019 = arith.addf %add3A_1015, %gather3A_1018 : vector<16xf32>
        %add3A_1020 = arith.addf %mul3A_974, %mul3A_983 : vector<16xf32>
        %broadcast_in_dim3A_1021 = vector.shape_cast %xor3A_6 : vector<16xi32> to vector<16x1xi32>
        %gather3A_1022 = vector.shape_cast %broadcast_in_dim3A_1021 : vector<16x1xi32> to vector<16xi32>
        %gather3A_1023 = tpu.dynamic_gather %add3A_1020[%gather3A_1022] in [0] : vector<16xf32>, vector<16xi32> -> vector<16xf32>
        %add3A_1024 = arith.addf %add3A_1020, %gather3A_1023 : vector<16xf32>
        %broadcast_in_dim3A_1025 = vector.shape_cast %xor3A_9 : vector<16xi32> to vector<16x1xi32>
        %gather3A_1026 = vector.shape_cast %broadcast_in_dim3A_1025 : vector<16x1xi32> to vector<16xi32>
        %gather3A_1027 = tpu.dynamic_gather %add3A_1024[%gather3A_1026] in [0] : vector<16xf32>, vector<16xi32> -> vector<16xf32>
        %add3A_1028 = arith.addf %add3A_1024, %gather3A_1027 : vector<16xf32>
        %add3A_1029 = arith.addf %mul3A_992, %mul3A_1001 : vector<16xf32>
        %broadcast_in_dim3A_1030 = vector.shape_cast %xor3A_6 : vector<16xi32> to vector<16x1xi32>
        %gather3A_1031 = vector.shape_cast %broadcast_in_dim3A_1030 : vector<16x1xi32> to vector<16xi32>
        %gather3A_1032 = tpu.dynamic_gather %add3A_1029[%gather3A_1031] in [0] : vector<16xf32>, vector<16xi32> -> vector<16xf32>
        %add3A_1033 = arith.addf %add3A_1029, %gather3A_1032 : vector<16xf32>
        %broadcast_in_dim3A_1034 = vector.shape_cast %xor3A_9 : vector<16xi32> to vector<16x1xi32>
        %gather3A_1035 = vector.shape_cast %broadcast_in_dim3A_1034 : vector<16x1xi32> to vector<16xi32>
        %gather3A_1036 = tpu.dynamic_gather %add3A_1033[%gather3A_1035] in [0] : vector<16xf32>, vector<16xi32> -> vector<16xf32>
        %add3A_1037 = arith.addf %add3A_1033, %gather3A_1036 : vector<16xf32>
        %select_n3A_1038 = arith.select %eq3A_25, %add3A_1028, %add3A_1037 : vector<16xi1>, vector<16xf32>
        %select_n3A_1039 = arith.select %eq3A_22, %add3A_1019, %select_n3A_1038 : vector<16xi1>, vector<16xf32>
        %select_n3A_1040 = arith.select %eq3A_19, %add3A_1010, %select_n3A_1039 : vector<16xi1>, vector<16xf32>
        %broadcast_in_dim3A_1041 = vector.shape_cast %xor3A_12 : vector<16xi32> to vector<16x1xi32>
        %gather3A_1042 = vector.shape_cast %broadcast_in_dim3A_1041 : vector<16x1xi32> to vector<16xi32>
        %gather3A_1043 = tpu.dynamic_gather %select_n3A_1040[%gather3A_1042] in [0] : vector<16xf32>, vector<16xi32> -> vector<16xf32>
        %add3A_1044 = arith.addf %select_n3A_1040, %gather3A_1043 : vector<16xf32>
        %broadcast_in_dim3A_1045 = vector.shape_cast %xor3A_15 : vector<16xi32> to vector<16x1xi32>
        %gather3A_1046 = vector.shape_cast %broadcast_in_dim3A_1045 : vector<16x1xi32> to vector<16xi32>
        %gather3A_1047 = tpu.dynamic_gather %add3A_1044[%gather3A_1046] in [0] : vector<16xf32>, vector<16xi32> -> vector<16xf32>
        %add3A_1048 = arith.addf %add3A_1044, %gather3A_1047 : vector<16xf32>
        %mul3A_1049 = arith.constant 0.176776692 : f32
        %mul3A_1050 = vector.broadcast %mul3A_1049 : f32 to vector<16xf32>
        %mul3A_1051 = arith.mulf %add3A_1048, %mul3A_1050 : vector<16xf32>
        %exp3A_1052 = math.exp %mul3A_1051 : vector<16xf32>
        %broadcast_in_dim3A_1053 = vector.shape_cast %broadcast_in_dim3A_28 : vector<16xi32> to vector<16x1xi32>
        %gather3A_1054 = vector.shape_cast %broadcast_in_dim3A_1053 : vector<16x1xi32> to vector<16xi32>
        %gather3A_1055 = tpu.dynamic_gather %exp3A_1052[%gather3A_1054] in [0] : vector<16xf32>, vector<16xi32> -> vector<16xf32>
        %broadcast_in_dim3A_1056 = vector.shape_cast %broadcast_in_dim3A_30 : vector<16xi32> to vector<16x1xi32>
        %gather3A_1057 = vector.shape_cast %broadcast_in_dim3A_1056 : vector<16x1xi32> to vector<16xi32>
        %gather3A_1058 = tpu.dynamic_gather %exp3A_1052[%gather3A_1057] in [0] : vector<16xf32>, vector<16xi32> -> vector<16xf32>
        %broadcast_in_dim3A_1059 = vector.shape_cast %broadcast_in_dim3A_32 : vector<16xi32> to vector<16x1xi32>
        %gather3A_1060 = vector.shape_cast %broadcast_in_dim3A_1059 : vector<16x1xi32> to vector<16xi32>
        %gather3A_1061 = tpu.dynamic_gather %exp3A_1052[%gather3A_1060] in [0] : vector<16xf32>, vector<16xi32> -> vector<16xf32>
        %broadcast_in_dim3A_1062 = vector.shape_cast %broadcast_in_dim3A_34 : vector<16xi32> to vector<16x1xi32>
        %gather3A_1063 = vector.shape_cast %broadcast_in_dim3A_1062 : vector<16x1xi32> to vector<16xi32>
        %gather3A_1064 = tpu.dynamic_gather %exp3A_1052[%gather3A_1063] in [0] : vector<16xf32>, vector<16xi32> -> vector<16xf32>
        %get3A_1065 = arith.index_cast %scan3A_929 : i32 to index
        %get3A_1066 = arith.constant 128 : index
        %get3A_1067 = tpu.vector_load %arg12[%get3A_1065, %get3A_1066] {strides = array<i32>} : memref<40x256xf32, #tpu.memory_space<vmem>>, vector<1x16xf32>,
        %get3A_1068 = vector.shape_cast %get3A_1067 : vector<1x16xf32> to vector<16xf32>
        %mul3A_1069 = arith.mulf %get3A_1068, %gather3A_1055 : vector<16xf32>
        %swap3A_1070 = arith.index_cast %scan3A_929 : i32 to index
        %swap3A_1071 = arith.constant 0 : index
        %swap3A_1072 = tpu.vector_load %arg14[%swap3A_1070, %swap3A_1071] {strides = array<i32>} : memref<40x144xf32, #tpu.memory_space<vmem>>, vector<1x16xf32>,
        %swap3A_1073 = vector.shape_cast %swap3A_1072 : vector<1x16xf32> to vector<16xf32>
        %swap3A_1074 = vector.shape_cast %mul3A_1069 : vector<16xf32> to vector<1x16xf32>
        tpu.vector_store %arg14[%swap3A_1070, %swap3A_1071], %swap3A_1074 {strides = array<i32>} : memref<40x144xf32, #tpu.memory_space<vmem>>, vector<1x16xf32>,
        %get3A_1075 = arith.index_cast %scan3A_929 : i32 to index
        %get3A_1076 = arith.constant 144 : index
        %get3A_1077 = tpu.vector_load %arg12[%get3A_1075, %get3A_1076] {strides = array<i32>} : memref<40x256xf32, #tpu.memory_space<vmem>>, vector<1x16xf32>,
        %get3A_1078 = vector.shape_cast %get3A_1077 : vector<1x16xf32> to vector<16xf32>
        %mul3A_1079 = arith.mulf %get3A_1078, %gather3A_1055 : vector<16xf32>
        %swap3A_1080 = arith.index_cast %scan3A_929 : i32 to index
        %swap3A_1081 = arith.constant 16 : index
        %swap3A_1082 = tpu.vector_load %arg14[%swap3A_1080, %swap3A_1081] {strides = array<i32>} : memref<40x144xf32, #tpu.memory_space<vmem>>, vector<1x16xf32>,
        %swap3A_1083 = vector.shape_cast %swap3A_1082 : vector<1x16xf32> to vector<16xf32>
        %swap3A_1084 = vector.shape_cast %mul3A_1079 : vector<16xf32> to vector<1x16xf32>
        tpu.vector_store %arg14[%swap3A_1080, %swap3A_1081], %swap3A_1084 {strides = array<i32>} : memref<40x144xf32, #tpu.memory_space<vmem>>, vector<1x16xf32>,
        %get3A_1085 = arith.index_cast %scan3A_929 : i32 to index
        %get3A_1086 = arith.constant 160 : index
        %get3A_1087 = tpu.vector_load %arg12[%get3A_1085, %get3A_1086] {strides = array<i32>} : memref<40x256xf32, #tpu.memory_space<vmem>>, vector<1x16xf32>,
        %get3A_1088 = vector.shape_cast %get3A_1087 : vector<1x16xf32> to vector<16xf32>
        %mul3A_1089 = arith.mulf %get3A_1088, %gather3A_1058 : vector<16xf32>
        %swap3A_1090 = arith.index_cast %scan3A_929 : i32 to index
        %swap3A_1091 = arith.constant 32 : index
        %swap3A_1092 = tpu.vector_load %arg14[%swap3A_1090, %swap3A_1091] {strides = array<i32>} : memref<40x144xf32, #tpu.memory_space<vmem>>, vector<1x16xf32>,
        %swap3A_1093 = vector.shape_cast %swap3A_1092 : vector<1x16xf32> to vector<16xf32>
        %swap3A_1094 = vector.shape_cast %mul3A_1089 : vector<16xf32> to vector<1x16xf32>
        tpu.vector_store %arg14[%swap3A_1090, %swap3A_1091], %swap3A_1094 {strides = array<i32>} : memref<40x144xf32, #tpu.memory_space<vmem>>, vector<1x16xf32>,
        %get3A_1095 = arith.index_cast %scan3A_929 : i32 to index
        %get3A_1096 = arith.constant 176 : index
        %get3A_1097 = tpu.vector_load %arg12[%get3A_1095, %get3A_1096] {strides = array<i32>} : memref<40x256xf32, #tpu.memory_space<vmem>>, vector<1x16xf32>,
        %get3A_1098 = vector.shape_cast %get3A_1097 : vector<1x16xf32> to vector<16xf32>
        %mul3A_1099 = arith.mulf %get3A_1098, %gather3A_1058 : vector<16xf32>
        %swap3A_1100 = arith.index_cast %scan3A_929 : i32 to index
        %swap3A_1101 = arith.constant 48 : index
        %swap3A_1102 = tpu.vector_load %arg14[%swap3A_1100, %swap3A_1101] {strides = array<i32>} : memref<40x144xf32, #tpu.memory_space<vmem>>, vector<1x16xf32>,
        %swap3A_1103 = vector.shape_cast %swap3A_1102 : vector<1x16xf32> to vector<16xf32>
        %swap3A_1104 = vector.shape_cast %mul3A_1099 : vector<16xf32> to vector<1x16xf32>
        tpu.vector_store %arg14[%swap3A_1100, %swap3A_1101], %swap3A_1104 {strides = array<i32>} : memref<40x144xf32, #tpu.memory_space<vmem>>, vector<1x16xf32>,
        %get3A_1105 = arith.index_cast %scan3A_929 : i32 to index
        %get3A_1106 = arith.constant 192 : index
        %get3A_1107 = tpu.vector_load %arg12[%get3A_1105, %get3A_1106] {strides = array<i32>} : memref<40x256xf32, #tpu.memory_space<vmem>>, vector<1x16xf32>,
        %get3A_1108 = vector.shape_cast %get3A_1107 : vector<1x16xf32> to vector<16xf32>
        %mul3A_1109 = arith.mulf %get3A_1108, %gather3A_1061 : vector<16xf32>
        %swap3A_1110 = arith.index_cast %scan3A_929 : i32 to index
        %swap3A_1111 = arith.constant 64 : index
        %swap3A_1112 = tpu.vector_load %arg14[%swap3A_1110, %swap3A_1111] {strides = array<i32>} : memref<40x144xf32, #tpu.memory_space<vmem>>, vector<1x16xf32>,
        %swap3A_1113 = vector.shape_cast %swap3A_1112 : vector<1x16xf32> to vector<16xf32>
        %swap3A_1114 = vector.shape_cast %mul3A_1109 : vector<16xf32> to vector<1x16xf32>
        tpu.vector_store %arg14[%swap3A_1110, %swap3A_1111], %swap3A_1114 {strides = array<i32>} : memref<40x144xf32, #tpu.memory_space<vmem>>, vector<1x16xf32>,
        %get3A_1115 = arith.index_cast %scan3A_929 : i32 to index
        %get3A_1116 = arith.constant 208 : index
        %get3A_1117 = tpu.vector_load %arg12[%get3A_1115, %get3A_1116] {strides = array<i32>} : memref<40x256xf32, #tpu.memory_space<vmem>>, vector<1x16xf32>,
        %get3A_1118 = vector.shape_cast %get3A_1117 : vector<1x16xf32> to vector<16xf32>
        %mul3A_1119 = arith.mulf %get3A_1118, %gather3A_1061 : vector<16xf32>
        %swap3A_1120 = arith.index_cast %scan3A_929 : i32 to index
        %swap3A_1121 = arith.constant 80 : index
        %swap3A_1122 = tpu.vector_load %arg14[%swap3A_1120, %swap3A_1121] {strides = array<i32>} : memref<40x144xf32, #tpu.memory_space<vmem>>, vector<1x16xf32>,
        %swap3A_1123 = vector.shape_cast %swap3A_1122 : vector<1x16xf32> to vector<16xf32>
        %swap3A_1124 = vector.shape_cast %mul3A_1119 : vector<16xf32> to vector<1x16xf32>
        tpu.vector_store %arg14[%swap3A_1120, %swap3A_1121], %swap3A_1124 {strides = array<i32>} : memref<40x144xf32, #tpu.memory_space<vmem>>, vector<1x16xf32>,
        %get3A_1125 = arith.index_cast %scan3A_929 : i32 to index
        %get3A_1126 = arith.constant 224 : index
        %get3A_1127 = tpu.vector_load %arg12[%get3A_1125, %get3A_1126] {strides = array<i32>} : memref<40x256xf32, #tpu.memory_space<vmem>>, vector<1x16xf32>,
        %get3A_1128 = vector.shape_cast %get3A_1127 : vector<1x16xf32> to vector<16xf32>
        %mul3A_1129 = arith.mulf %get3A_1128, %gather3A_1064 : vector<16xf32>
        %swap3A_1130 = arith.index_cast %scan3A_929 : i32 to index
        %swap3A_1131 = arith.constant 96 : index
        %swap3A_1132 = tpu.vector_load %arg14[%swap3A_1130, %swap3A_1131] {strides = array<i32>} : memref<40x144xf32, #tpu.memory_space<vmem>>, vector<1x16xf32>,
        %swap3A_1133 = vector.shape_cast %swap3A_1132 : vector<1x16xf32> to vector<16xf32>
        %swap3A_1134 = vector.shape_cast %mul3A_1129 : vector<16xf32> to vector<1x16xf32>
        tpu.vector_store %arg14[%swap3A_1130, %swap3A_1131], %swap3A_1134 {strides = array<i32>} : memref<40x144xf32, #tpu.memory_space<vmem>>, vector<1x16xf32>,
        %get3A_1135 = arith.index_cast %scan3A_929 : i32 to index
        %get3A_1136 = arith.constant 240 : index
        %get3A_1137 = tpu.vector_load %arg12[%get3A_1135, %get3A_1136] {strides = array<i32>} : memref<40x256xf32, #tpu.memory_space<vmem>>, vector<1x16xf32>,
        %get3A_1138 = vector.shape_cast %get3A_1137 : vector<1x16xf32> to vector<16xf32>
        %mul3A_1139 = arith.mulf %get3A_1138, %gather3A_1064 : vector<16xf32>
        %swap3A_1140 = arith.index_cast %scan3A_929 : i32 to index
        %swap3A_1141 = arith.constant 112 : index
        %swap3A_1142 = tpu.vector_load %arg14[%swap3A_1140, %swap3A_1141] {strides = array<i32>} : memref<40x144xf32, #tpu.memory_space<vmem>>, vector<1x16xf32>,
        %swap3A_1143 = vector.shape_cast %swap3A_1142 : vector<1x16xf32> to vector<16xf32>
        %swap3A_1144 = vector.shape_cast %mul3A_1139 : vector<16xf32> to vector<1x16xf32>
        tpu.vector_store %arg14[%swap3A_1140, %swap3A_1141], %swap3A_1144 {strides = array<i32>} : memref<40x144xf32, #tpu.memory_space<vmem>>, vector<1x16xf32>,
        %jit3A_1145 = arith.constant 0.000000e+00 : f32
        %broadcast_in_dim3A_1146 = vector.broadcast %jit3A_1145 : f32 to vector<16xf32>
        %select_n3A_1147 = arith.select %lt3A_27, %exp3A_1052, %broadcast_in_dim3A_1146 : vector<16xi1>, vector<16xf32>
        %swap3A_1148 = arith.index_cast %scan3A_929 : i32 to index
        %swap3A_1149 = arith.constant 128 : index
        %swap3A_1150 = tpu.vector_load %arg14[%swap3A_1148, %swap3A_1149] {strides = array<i32>} : memref<40x144xf32, #tpu.memory_space<vmem>>, vector<1x16xf32>,
        %swap3A_1151 = vector.shape_cast %swap3A_1150 : vector<1x16xf32> to vector<16xf32>
        %swap3A_1152 = vector.shape_cast %select_n3A_1147 : vector<16xf32> to vector<1x16xf32>
        tpu.vector_store %arg14[%swap3A_1148, %swap3A_1149], %swap3A_1152 {strides = array<i32>} : memref<40x144xf32, #tpu.memory_space<vmem>>, vector<1x16xf32>,
      }
      %scan3A_157 = arith.constant 40 : i32
      %dma_start3A_158 = arith.constant 1 : i32
      %dma_start3A_159 = arith.constant 0 : i32
      %dma_start3A_160 = tpu.memref_slice %arg8[%dma_start3A_158, %dma_start3A_159] : memref<2x40xi32, #tpu.memory_space<vmem>> -> memref<1x40xi32, #tpu.memory_space<vmem>>
      %dma_start3A_161 = tpu.memref_squeeze %dma_start3A_160 : memref<1x40xi32, #tpu.memory_space<vmem>> -> memref<40xi32, #tpu.memory_space<vmem>>
      %dma_start3A_162 = arith.constant 0 : i32
      %dma_start3A_163 = arith.constant 0 : i32
      %dma_start3A_164 = tpu.memref_slice %arg15[%dma_start3A_162, %dma_start3A_163] : memref<10240x144xf32, #tpu.memory_space<vmem_shared>> -> memref<10240x144xf32, #tpu.memory_space<vmem_shared>>
      tpu.enqueue_indirect_dma source(%arg14 : memref<40x144xf32, #tpu.memory_space<vmem>>) target(%dma_start3A_164 : memref<10240x144xf32, #tpu.memory_space<vmem_shared>>) offsets(%dma_start3A_161 : memref<40xi32, #tpu.memory_space<vmem>>) semaphore(%arg21 : memref<!tpu.dma_semaphore, #tpu.memory_space<semaphore_mem>>) {add = true}
      %mul3A_165 = arith.constant 2 : i32
      %mul3A_166 = arith.muli %mul3A_165, %scan3A_75 : i32
      %add3A_167 = arith.constant 1 : i32
      %add3A_168 = arith.addi %mul3A_166, %add3A_167 : i32
      %add3A_169 = arith.constant 1 : i32
      %add3A_170 = arith.addi %add3A_168, %add3A_169 : i32
      %min3A_171 = arith.constant 249 : i32
      %min3A_172 = arith.minsi %add3A_170, %min3A_171 : i32
      %mul3A_173 = arith.constant 40 : i32
      %mul3A_174 = arith.muli %min3A_172, %mul3A_173 : i32
      %add3A_175 = arith.addi %mul3A_4, %mul3A_174 : i32
      %dma_wait3A_176 = arith.constant 1 : i32
      %dma_wait3A_177 = arith.constant 0 : i32
      %dma_wait3A_178 = tpu.memref_slice %arg8[%dma_wait3A_176, %dma_wait3A_177] : memref<2x40xi32, #tpu.memory_space<vmem>> -> memref<1x40xi32, #tpu.memory_space<vmem>>
      %dma_wait3A_179 = tpu.memref_squeeze %dma_wait3A_178 : memref<1x40xi32, #tpu.memory_space<vmem>> -> memref<40xi32, #tpu.memory_space<vmem>>
      %dma_wait3A_180 = arith.constant 0 : i32
      %dma_wait3A_181 = arith.constant 0 : i32
      %dma_wait3A_182 = tpu.memref_slice %arg15[%dma_wait3A_180, %dma_wait3A_181] : memref<10240x144xf32, #tpu.memory_space<vmem_shared>> -> memref<10240x144xf32, #tpu.memory_space<vmem_shared>>
      tpu.wait_indirect_dma semaphore(%arg21 : memref<!tpu.dma_semaphore, #tpu.memory_space<semaphore_mem>>) src(%arg14 : memref<40x144xf32, #tpu.memory_space<vmem>>) dst(%dma_wait3A_182 : memref<10240x144xf32, #tpu.memory_space<vmem_shared>>)
      %dma_start3A_183 = arith.constant 0 : i32
      %dma_start3A_184 = arith.constant 0 : i32
      %dma_start3A_185 = tpu.memref_slice %arg8[%dma_start3A_183, %dma_start3A_184] : memref<2x40xi32, #tpu.memory_space<vmem>> -> memref<1x40xi32, #tpu.memory_space<vmem>>
      %dma_start3A_186 = tpu.memref_squeeze %dma_start3A_185 : memref<1x40xi32, #tpu.memory_space<vmem>> -> memref<40xi32, #tpu.memory_space<vmem>>
      %dma_start3A_187 = tpu.memref_slice %arg4[%add3A_175] : memref<320000xi32, #tpu.memory_space<hbm>> -> memref<40xi32, #tpu.memory_space<hbm>>
      %dma_start3A_188 = arith.constant 0 : i32
      %dma_start3A_189 = tpu.memref_slice %arg8[%dma_start3A_183, %dma_start3A_188] : memref<2x40xi32, #tpu.memory_space<vmem>> -> memref<1x40xi32, #tpu.memory_space<vmem>>
      %dma_start3A_190 = tpu.memref_squeeze %dma_start3A_189 : memref<1x40xi32, #tpu.memory_space<vmem>> -> memref<40xi32, #tpu.memory_space<vmem>>
      %dma_start3A_191 = tpu.memref_slice %arg4[%add3A_175] : memref<320000xi32, #tpu.memory_space<hbm>> -> memref<40xi32, #tpu.memory_space<hbm>>
      tpu.enqueue_dma source(%dma_start3A_191 : memref<40xi32, #tpu.memory_space<hbm>>) target(%dma_start3A_190 : memref<40xi32, #tpu.memory_space<vmem>>) target_semaphore(%arg20 : memref<!tpu.dma_semaphore, #tpu.memory_space<semaphore_mem>>)
      %dma_start3A_192 = arith.constant 1 : i32
      %dma_start3A_193 = arith.constant 0 : i32
      %dma_start3A_194 = tpu.memref_slice %arg8[%dma_start3A_192, %dma_start3A_193] : memref<2x40xi32, #tpu.memory_space<vmem>> -> memref<1x40xi32, #tpu.memory_space<vmem>>
      %dma_start3A_195 = tpu.memref_squeeze %dma_start3A_194 : memref<1x40xi32, #tpu.memory_space<vmem>> -> memref<40xi32, #tpu.memory_space<vmem>>
      %dma_start3A_196 = tpu.memref_slice %arg5[%add3A_175] : memref<320000xi32, #tpu.memory_space<hbm>> -> memref<40xi32, #tpu.memory_space<hbm>>
      %dma_start3A_197 = arith.constant 0 : i32
      %dma_start3A_198 = tpu.memref_slice %arg8[%dma_start3A_192, %dma_start3A_197] : memref<2x40xi32, #tpu.memory_space<vmem>> -> memref<1x40xi32, #tpu.memory_space<vmem>>
      %dma_start3A_199 = tpu.memref_squeeze %dma_start3A_198 : memref<1x40xi32, #tpu.memory_space<vmem>> -> memref<40xi32, #tpu.memory_space<vmem>>
      %dma_start3A_200 = tpu.memref_slice %arg5[%add3A_175] : memref<320000xi32, #tpu.memory_space<hbm>> -> memref<40xi32, #tpu.memory_space<hbm>>
      tpu.enqueue_dma source(%dma_start3A_200 : memref<40xi32, #tpu.memory_space<hbm>>) target(%dma_start3A_199 : memref<40xi32, #tpu.memory_space<vmem>>) target_semaphore(%arg20 : memref<!tpu.dma_semaphore, #tpu.memory_space<semaphore_mem>>)
      %dma_wait3A_201 = arith.constant 1 : i32
      %dma_wait3A_202 = arith.constant 0 : i32
      %dma_wait3A_203 = tpu.memref_slice %arg9[%dma_wait3A_201, %dma_wait3A_202] : memref<2x40xi32, #tpu.memory_space<vmem>> -> memref<1x40xi32, #tpu.memory_space<vmem>>
      %dma_wait3A_204 = tpu.memref_squeeze %dma_wait3A_203 : memref<1x40xi32, #tpu.memory_space<vmem>> -> memref<40xi32, #tpu.memory_space<vmem>>
      %dma_wait3A_205 = arith.constant 0 : i32
      %dma_wait3A_206 = arith.constant 0 : i32
      %dma_wait3A_207 = tpu.memref_slice %arg2[%dma_wait3A_205, %dma_wait3A_206] : memref<10000x128xf32, #tpu.memory_space<hbm>> -> memref<10000x128xf32, #tpu.memory_space<hbm>>
      tpu.wait_indirect_dma semaphore(%arg17 : memref<!tpu.dma_semaphore, #tpu.memory_space<semaphore_mem>>) src(%dma_wait3A_207 : memref<10000x128xf32, #tpu.memory_space<hbm>>) dst(%arg11 : memref<40x128xf32, #tpu.memory_space<vmem>>)
      %dma_wait3A_208 = arith.constant 0 : i32
      %dma_wait3A_209 = arith.constant 0 : i32
      %dma_wait3A_210 = tpu.memref_slice %arg9[%dma_wait3A_208, %dma_wait3A_209] : memref<2x40xi32, #tpu.memory_space<vmem>> -> memref<1x40xi32, #tpu.memory_space<vmem>>
      %dma_wait3A_211 = tpu.memref_squeeze %dma_wait3A_210 : memref<1x40xi32, #tpu.memory_space<vmem>> -> memref<40xi32, #tpu.memory_space<vmem>>
      %dma_wait3A_212 = arith.constant 0 : i32
      %dma_wait3A_213 = arith.constant 0 : i32
      %dma_wait3A_214 = tpu.memref_slice %arg3[%dma_wait3A_212, %dma_wait3A_213] : memref<10000x256xf32, #tpu.memory_space<hbm>> -> memref<10000x256xf32, #tpu.memory_space<hbm>>
      tpu.wait_indirect_dma semaphore(%arg19 : memref<!tpu.dma_semaphore, #tpu.memory_space<semaphore_mem>>) src(%dma_wait3A_214 : memref<10000x256xf32, #tpu.memory_space<hbm>>) dst(%arg13 : memref<40x256xf32, #tpu.memory_space<vmem>>)
      %dma_wait3A_215 = arith.constant 0 : i32
      %dma_wait3A_216 = arith.constant 0 : i32
      %dma_wait3A_217 = tpu.memref_slice %arg8[%dma_wait3A_215, %dma_wait3A_216] : memref<2x40xi32, #tpu.memory_space<vmem>> -> memref<1x40xi32, #tpu.memory_space<vmem>>
      %dma_wait3A_218 = tpu.memref_squeeze %dma_wait3A_217 : memref<1x40xi32, #tpu.memory_space<vmem>> -> memref<40xi32, #tpu.memory_space<vmem>>
      %dma_wait3A_219 = tpu.memref_slice %arg4[%add3A_175] : memref<320000xi32, #tpu.memory_space<hbm>> -> memref<40xi32, #tpu.memory_space<hbm>>
      %dma_wait3A_220 = arith.constant 0 : i32
      %dma_wait3A_221 = tpu.memref_slice %arg8[%dma_wait3A_215, %dma_wait3A_220] : memref<2x40xi32, #tpu.memory_space<vmem>> -> memref<1x40xi32, #tpu.memory_space<vmem>>
      %dma_wait3A_222 = tpu.memref_squeeze %dma_wait3A_221 : memref<1x40xi32, #tpu.memory_space<vmem>> -> memref<40xi32, #tpu.memory_space<vmem>>
      %dma_wait3A_223 = tpu.memref_slice %arg4[%add3A_175] : memref<320000xi32, #tpu.memory_space<hbm>> -> memref<40xi32, #tpu.memory_space<hbm>>
      tpu.wait_dma2 semaphore(%arg20 : memref<!tpu.dma_semaphore, #tpu.memory_space<semaphore_mem>>) src(%dma_wait3A_223 : memref<40xi32, #tpu.memory_space<hbm>>) dst(%dma_wait3A_222 : memref<40xi32, #tpu.memory_space<vmem>>)
      %dma_wait3A_224 = arith.constant 1 : i32
      %dma_wait3A_225 = arith.constant 0 : i32
      %dma_wait3A_226 = tpu.memref_slice %arg8[%dma_wait3A_224, %dma_wait3A_225] : memref<2x40xi32, #tpu.memory_space<vmem>> -> memref<1x40xi32, #tpu.memory_space<vmem>>
      %dma_wait3A_227 = tpu.memref_squeeze %dma_wait3A_226 : memref<1x40xi32, #tpu.memory_space<vmem>> -> memref<40xi32, #tpu.memory_space<vmem>>
      %dma_wait3A_228 = tpu.memref_slice %arg5[%add3A_175] : memref<320000xi32, #tpu.memory_space<hbm>> -> memref<40xi32, #tpu.memory_space<hbm>>
      %dma_wait3A_229 = arith.constant 0 : i32
      %dma_wait3A_230 = tpu.memref_slice %arg8[%dma_wait3A_224, %dma_wait3A_229] : memref<2x40xi32, #tpu.memory_space<vmem>> -> memref<1x40xi32, #tpu.memory_space<vmem>>
      %dma_wait3A_231 = tpu.memref_squeeze %dma_wait3A_230 : memref<1x40xi32, #tpu.memory_space<vmem>> -> memref<40xi32, #tpu.memory_space<vmem>>
      %dma_wait3A_232 = tpu.memref_slice %arg5[%add3A_175] : memref<320000xi32, #tpu.memory_space<hbm>> -> memref<40xi32, #tpu.memory_space<hbm>>
      tpu.wait_dma2 semaphore(%arg20 : memref<!tpu.dma_semaphore, #tpu.memory_space<semaphore_mem>>) src(%dma_wait3A_232 : memref<40xi32, #tpu.memory_space<hbm>>) dst(%dma_wait3A_231 : memref<40xi32, #tpu.memory_space<vmem>>)
      %dma_start3A_233 = arith.constant 1 : i32
      %dma_start3A_234 = arith.constant 0 : i32
      %dma_start3A_235 = tpu.memref_slice %arg8[%dma_start3A_233, %dma_start3A_234] : memref<2x40xi32, #tpu.memory_space<vmem>> -> memref<1x40xi32, #tpu.memory_space<vmem>>
      %dma_start3A_236 = tpu.memref_squeeze %dma_start3A_235 : memref<1x40xi32, #tpu.memory_space<vmem>> -> memref<40xi32, #tpu.memory_space<vmem>>
      %dma_start3A_237 = arith.constant 0 : i32
      %dma_start3A_238 = arith.constant 0 : i32
      %dma_start3A_239 = tpu.memref_slice %arg2[%dma_start3A_237, %dma_start3A_238] : memref<10000x128xf32, #tpu.memory_space<hbm>> -> memref<10000x128xf32, #tpu.memory_space<hbm>>
      tpu.enqueue_indirect_dma source(%dma_start3A_239 : memref<10000x128xf32, #tpu.memory_space<hbm>>) target(%arg10 : memref<40x128xf32, #tpu.memory_space<vmem>>) offsets(%dma_start3A_236 : memref<40xi32, #tpu.memory_space<vmem>>) semaphore(%arg16 : memref<!tpu.dma_semaphore, #tpu.memory_space<semaphore_mem>>)
      %dma_start3A_240 = arith.constant 0 : i32
      %dma_start3A_241 = arith.constant 0 : i32
      %dma_start3A_242 = tpu.memref_slice %arg8[%dma_start3A_240, %dma_start3A_241] : memref<2x40xi32, #tpu.memory_space<vmem>> -> memref<1x40xi32, #tpu.memory_space<vmem>>
      %dma_start3A_243 = tpu.memref_squeeze %dma_start3A_242 : memref<1x40xi32, #tpu.memory_space<vmem>> -> memref<40xi32, #tpu.memory_space<vmem>>
      %dma_start3A_244 = arith.constant 0 : i32
      %dma_start3A_245 = arith.constant 0 : i32
      %dma_start3A_246 = tpu.memref_slice %arg3[%dma_start3A_244, %dma_start3A_245] : memref<10000x256xf32, #tpu.memory_space<hbm>> -> memref<10000x256xf32, #tpu.memory_space<hbm>>
      tpu.enqueue_indirect_dma source(%dma_start3A_246 : memref<10000x256xf32, #tpu.memory_space<hbm>>) target(%arg12 : memref<40x256xf32, #tpu.memory_space<vmem>>) offsets(%dma_start3A_243 : memref<40xi32, #tpu.memory_space<vmem>>) semaphore(%arg18 : memref<!tpu.dma_semaphore, #tpu.memory_space<semaphore_mem>>)
      %scan3A_247 = arith.constant 0 : i32
      %scan3A_248 = arith.constant 0 : i32
      %scan3A_249 = arith.constant 40 : i32
      %scan3A_250 = arith.addi %scan3A_248, %scan3A_249 : i32
      %scan3A_251 = arith.constant 4 : i32
      scf.for %scan3A_260 = %scan3A_248 to %scan3A_250 step %scan3A_251  : i32 {
        %get3A = arith.index_cast %scan3A_260 : i32 to index
        %get3A_261 = arith.constant 0 : index
        %get3A_262 = tpu.vector_load %arg11[%get3A, %get3A_261] {strides = array<i32>} : memref<40x128xf32, #tpu.memory_space<vmem>>, vector<1x16xf32>,
        %get3A_263 = vector.shape_cast %get3A_262 : vector<1x16xf32> to vector<16xf32>
        %get3A_264 = arith.index_cast %scan3A_260 : i32 to index
        %get3A_265 = arith.constant 0 : index
        %get3A_266 = tpu.vector_load %arg13[%get3A_264, %get3A_265] {strides = array<i32>} : memref<40x256xf32, #tpu.memory_space<vmem>>, vector<1x16xf32>,
        %get3A_267 = vector.shape_cast %get3A_266 : vector<1x16xf32> to vector<16xf32>
        %mul3A_268 = arith.mulf %get3A_263, %get3A_267 : vector<16xf32>
        %get3A_269 = arith.index_cast %scan3A_260 : i32 to index
        %get3A_270 = arith.constant 16 : index
        %get3A_271 = tpu.vector_load %arg11[%get3A_269, %get3A_270] {strides = array<i32>} : memref<40x128xf32, #tpu.memory_space<vmem>>, vector<1x16xf32>,
        %get3A_272 = vector.shape_cast %get3A_271 : vector<1x16xf32> to vector<16xf32>
        %get3A_273 = arith.index_cast %scan3A_260 : i32 to index
        %get3A_274 = arith.constant 16 : index
        %get3A_275 = tpu.vector_load %arg13[%get3A_273, %get3A_274] {strides = array<i32>} : memref<40x256xf32, #tpu.memory_space<vmem>>, vector<1x16xf32>,
        %get3A_276 = vector.shape_cast %get3A_275 : vector<1x16xf32> to vector<16xf32>
        %mul3A_277 = arith.mulf %get3A_272, %get3A_276 : vector<16xf32>
        %get3A_278 = arith.index_cast %scan3A_260 : i32 to index
        %get3A_279 = arith.constant 32 : index
        %get3A_280 = tpu.vector_load %arg11[%get3A_278, %get3A_279] {strides = array<i32>} : memref<40x128xf32, #tpu.memory_space<vmem>>, vector<1x16xf32>,
        %get3A_281 = vector.shape_cast %get3A_280 : vector<1x16xf32> to vector<16xf32>
        %get3A_282 = arith.index_cast %scan3A_260 : i32 to index
        %get3A_283 = arith.constant 32 : index
        %get3A_284 = tpu.vector_load %arg13[%get3A_282, %get3A_283] {strides = array<i32>} : memref<40x256xf32, #tpu.memory_space<vmem>>, vector<1x16xf32>,
        %get3A_285 = vector.shape_cast %get3A_284 : vector<1x16xf32> to vector<16xf32>
        %mul3A_286 = arith.mulf %get3A_281, %get3A_285 : vector<16xf32>
        %get3A_287 = arith.index_cast %scan3A_260 : i32 to index
        %get3A_288 = arith.constant 48 : index
        %get3A_289 = tpu.vector_load %arg11[%get3A_287, %get3A_288] {strides = array<i32>} : memref<40x128xf32, #tpu.memory_space<vmem>>, vector<1x16xf32>,
        %get3A_290 = vector.shape_cast %get3A_289 : vector<1x16xf32> to vector<16xf32>
        %get3A_291 = arith.index_cast %scan3A_260 : i32 to index
        %get3A_292 = arith.constant 48 : index
        %get3A_293 = tpu.vector_load %arg13[%get3A_291, %get3A_292] {strides = array<i32>} : memref<40x256xf32, #tpu.memory_space<vmem>>, vector<1x16xf32>,
        %get3A_294 = vector.shape_cast %get3A_293 : vector<1x16xf32> to vector<16xf32>
        %mul3A_295 = arith.mulf %get3A_290, %get3A_294 : vector<16xf32>
        %get3A_296 = arith.index_cast %scan3A_260 : i32 to index
        %get3A_297 = arith.constant 64 : index
        %get3A_298 = tpu.vector_load %arg11[%get3A_296, %get3A_297] {strides = array<i32>} : memref<40x128xf32, #tpu.memory_space<vmem>>, vector<1x16xf32>,
        %get3A_299 = vector.shape_cast %get3A_298 : vector<1x16xf32> to vector<16xf32>
        %get3A_300 = arith.index_cast %scan3A_260 : i32 to index
        %get3A_301 = arith.constant 64 : index
        %get3A_302 = tpu.vector_load %arg13[%get3A_300, %get3A_301] {strides = array<i32>} : memref<40x256xf32, #tpu.memory_space<vmem>>, vector<1x16xf32>,
        %get3A_303 = vector.shape_cast %get3A_302 : vector<1x16xf32> to vector<16xf32>
        %mul3A_304 = arith.mulf %get3A_299, %get3A_303 : vector<16xf32>
        %get3A_305 = arith.index_cast %scan3A_260 : i32 to index
        %get3A_306 = arith.constant 80 : index
        %get3A_307 = tpu.vector_load %arg11[%get3A_305, %get3A_306] {strides = array<i32>} : memref<40x128xf32, #tpu.memory_space<vmem>>, vector<1x16xf32>,
        %get3A_308 = vector.shape_cast %get3A_307 : vector<1x16xf32> to vector<16xf32>
        %get3A_309 = arith.index_cast %scan3A_260 : i32 to index
        %get3A_310 = arith.constant 80 : index
        %get3A_311 = tpu.vector_load %arg13[%get3A_309, %get3A_310] {strides = array<i32>} : memref<40x256xf32, #tpu.memory_space<vmem>>, vector<1x16xf32>,
        %get3A_312 = vector.shape_cast %get3A_311 : vector<1x16xf32> to vector<16xf32>
        %mul3A_313 = arith.mulf %get3A_308, %get3A_312 : vector<16xf32>
        %get3A_314 = arith.index_cast %scan3A_260 : i32 to index
        %get3A_315 = arith.constant 96 : index
        %get3A_316 = tpu.vector_load %arg11[%get3A_314, %get3A_315] {strides = array<i32>} : memref<40x128xf32, #tpu.memory_space<vmem>>, vector<1x16xf32>,
        %get3A_317 = vector.shape_cast %get3A_316 : vector<1x16xf32> to vector<16xf32>
        %get3A_318 = arith.index_cast %scan3A_260 : i32 to index
        %get3A_319 = arith.constant 96 : index
        %get3A_320 = tpu.vector_load %arg13[%get3A_318, %get3A_319] {strides = array<i32>} : memref<40x256xf32, #tpu.memory_space<vmem>>, vector<1x16xf32>,
        %get3A_321 = vector.shape_cast %get3A_320 : vector<1x16xf32> to vector<16xf32>
        %mul3A_322 = arith.mulf %get3A_317, %get3A_321 : vector<16xf32>
        %get3A_323 = arith.index_cast %scan3A_260 : i32 to index
        %get3A_324 = arith.constant 112 : index
        %get3A_325 = tpu.vector_load %arg11[%get3A_323, %get3A_324] {strides = array<i32>} : memref<40x128xf32, #tpu.memory_space<vmem>>, vector<1x16xf32>,
        %get3A_326 = vector.shape_cast %get3A_325 : vector<1x16xf32> to vector<16xf32>
        %get3A_327 = arith.index_cast %scan3A_260 : i32 to index
        %get3A_328 = arith.constant 112 : index
        %get3A_329 = tpu.vector_load %arg13[%get3A_327, %get3A_328] {strides = array<i32>} : memref<40x256xf32, #tpu.memory_space<vmem>>, vector<1x16xf32>,
        %get3A_330 = vector.shape_cast %get3A_329 : vector<1x16xf32> to vector<16xf32>
        %mul3A_331 = arith.mulf %get3A_326, %get3A_330 : vector<16xf32>
        %add3A_332 = arith.addf %mul3A_268, %mul3A_277 : vector<16xf32>
        %broadcast_in_dim3A_333 = vector.shape_cast %xor3A_6 : vector<16xi32> to vector<16x1xi32>
        %gather3A = vector.shape_cast %broadcast_in_dim3A_333 : vector<16x1xi32> to vector<16xi32>
        %gather3A_334 = tpu.dynamic_gather %add3A_332[%gather3A] in [0] : vector<16xf32>, vector<16xi32> -> vector<16xf32>
        %add3A_335 = arith.addf %add3A_332, %gather3A_334 : vector<16xf32>
        %broadcast_in_dim3A_336 = vector.shape_cast %xor3A_9 : vector<16xi32> to vector<16x1xi32>
        %gather3A_337 = vector.shape_cast %broadcast_in_dim3A_336 : vector<16x1xi32> to vector<16xi32>
        %gather3A_338 = tpu.dynamic_gather %add3A_335[%gather3A_337] in [0] : vector<16xf32>, vector<16xi32> -> vector<16xf32>
        %add3A_339 = arith.addf %add3A_335, %gather3A_338 : vector<16xf32>
        %add3A_340 = arith.addf %mul3A_286, %mul3A_295 : vector<16xf32>
        %broadcast_in_dim3A_341 = vector.shape_cast %xor3A_6 : vector<16xi32> to vector<16x1xi32>
        %gather3A_342 = vector.shape_cast %broadcast_in_dim3A_341 : vector<16x1xi32> to vector<16xi32>
        %gather3A_343 = tpu.dynamic_gather %add3A_340[%gather3A_342] in [0] : vector<16xf32>, vector<16xi32> -> vector<16xf32>
        %add3A_344 = arith.addf %add3A_340, %gather3A_343 : vector<16xf32>
        %broadcast_in_dim3A_345 = vector.shape_cast %xor3A_9 : vector<16xi32> to vector<16x1xi32>
        %gather3A_346 = vector.shape_cast %broadcast_in_dim3A_345 : vector<16x1xi32> to vector<16xi32>
        %gather3A_347 = tpu.dynamic_gather %add3A_344[%gather3A_346] in [0] : vector<16xf32>, vector<16xi32> -> vector<16xf32>
        %add3A_348 = arith.addf %add3A_344, %gather3A_347 : vector<16xf32>
        %add3A_349 = arith.addf %mul3A_304, %mul3A_313 : vector<16xf32>
        %broadcast_in_dim3A_350 = vector.shape_cast %xor3A_6 : vector<16xi32> to vector<16x1xi32>
        %gather3A_351 = vector.shape_cast %broadcast_in_dim3A_350 : vector<16x1xi32> to vector<16xi32>
        %gather3A_352 = tpu.dynamic_gather %add3A_349[%gather3A_351] in [0] : vector<16xf32>, vector<16xi32> -> vector<16xf32>
        %add3A_353 = arith.addf %add3A_349, %gather3A_352 : vector<16xf32>
        %broadcast_in_dim3A_354 = vector.shape_cast %xor3A_9 : vector<16xi32> to vector<16x1xi32>
        %gather3A_355 = vector.shape_cast %broadcast_in_dim3A_354 : vector<16x1xi32> to vector<16xi32>
        %gather3A_356 = tpu.dynamic_gather %add3A_353[%gather3A_355] in [0] : vector<16xf32>, vector<16xi32> -> vector<16xf32>
        %add3A_357 = arith.addf %add3A_353, %gather3A_356 : vector<16xf32>
        %add3A_358 = arith.addf %mul3A_322, %mul3A_331 : vector<16xf32>
        %broadcast_in_dim3A_359 = vector.shape_cast %xor3A_6 : vector<16xi32> to vector<16x1xi32>
        %gather3A_360 = vector.shape_cast %broadcast_in_dim3A_359 : vector<16x1xi32> to vector<16xi32>
        %gather3A_361 = tpu.dynamic_gather %add3A_358[%gather3A_360] in [0] : vector<16xf32>, vector<16xi32> -> vector<16xf32>
        %add3A_362 = arith.addf %add3A_358, %gather3A_361 : vector<16xf32>
        %broadcast_in_dim3A_363 = vector.shape_cast %xor3A_9 : vector<16xi32> to vector<16x1xi32>
        %gather3A_364 = vector.shape_cast %broadcast_in_dim3A_363 : vector<16x1xi32> to vector<16xi32>
        %gather3A_365 = tpu.dynamic_gather %add3A_362[%gather3A_364] in [0] : vector<16xf32>, vector<16xi32> -> vector<16xf32>
        %add3A_366 = arith.addf %add3A_362, %gather3A_365 : vector<16xf32>
        %select_n3A = arith.select %eq3A_25, %add3A_357, %add3A_366 : vector<16xi1>, vector<16xf32>
        %select_n3A_367 = arith.select %eq3A_22, %add3A_348, %select_n3A : vector<16xi1>, vector<16xf32>
        %select_n3A_368 = arith.select %eq3A_19, %add3A_339, %select_n3A_367 : vector<16xi1>, vector<16xf32>
        %broadcast_in_dim3A_369 = vector.shape_cast %xor3A_12 : vector<16xi32> to vector<16x1xi32>
        %gather3A_370 = vector.shape_cast %broadcast_in_dim3A_369 : vector<16x1xi32> to vector<16xi32>
        %gather3A_371 = tpu.dynamic_gather %select_n3A_368[%gather3A_370] in [0] : vector<16xf32>, vector<16xi32> -> vector<16xf32>
        %add3A_372 = arith.addf %select_n3A_368, %gather3A_371 : vector<16xf32>
        %broadcast_in_dim3A_373 = vector.shape_cast %xor3A_15 : vector<16xi32> to vector<16x1xi32>
        %gather3A_374 = vector.shape_cast %broadcast_in_dim3A_373 : vector<16x1xi32> to vector<16xi32>
        %gather3A_375 = tpu.dynamic_gather %add3A_372[%gather3A_374] in [0] : vector<16xf32>, vector<16xi32> -> vector<16xf32>
        %add3A_376 = arith.addf %add3A_372, %gather3A_375 : vector<16xf32>
        %mul3A_377 = arith.constant 0.176776692 : f32
        %mul3A_378 = vector.broadcast %mul3A_377 : f32 to vector<16xf32>
        %mul3A_379 = arith.mulf %add3A_376, %mul3A_378 : vector<16xf32>
        %exp3A = math.exp %mul3A_379 : vector<16xf32>
        %broadcast_in_dim3A_380 = vector.shape_cast %broadcast_in_dim3A_28 : vector<16xi32> to vector<16x1xi32>
        %gather3A_381 = vector.shape_cast %broadcast_in_dim3A_380 : vector<16x1xi32> to vector<16xi32>
        %gather3A_382 = tpu.dynamic_gather %exp3A[%gather3A_381] in [0] : vector<16xf32>, vector<16xi32> -> vector<16xf32>
        %broadcast_in_dim3A_383 = vector.shape_cast %broadcast_in_dim3A_30 : vector<16xi32> to vector<16x1xi32>
        %gather3A_384 = vector.shape_cast %broadcast_in_dim3A_383 : vector<16x1xi32> to vector<16xi32>
        %gather3A_385 = tpu.dynamic_gather %exp3A[%gather3A_384] in [0] : vector<16xf32>, vector<16xi32> -> vector<16xf32>
        %broadcast_in_dim3A_386 = vector.shape_cast %broadcast_in_dim3A_32 : vector<16xi32> to vector<16x1xi32>
        %gather3A_387 = vector.shape_cast %broadcast_in_dim3A_386 : vector<16x1xi32> to vector<16xi32>
        %gather3A_388 = tpu.dynamic_gather %exp3A[%gather3A_387] in [0] : vector<16xf32>, vector<16xi32> -> vector<16xf32>
        %broadcast_in_dim3A_389 = vector.shape_cast %broadcast_in_dim3A_34 : vector<16xi32> to vector<16x1xi32>
        %gather3A_390 = vector.shape_cast %broadcast_in_dim3A_389 : vector<16x1xi32> to vector<16xi32>
        %gather3A_391 = tpu.dynamic_gather %exp3A[%gather3A_390] in [0] : vector<16xf32>, vector<16xi32> -> vector<16xf32>
        %get3A_392 = arith.index_cast %scan3A_260 : i32 to index
        %get3A_393 = arith.constant 128 : index
        %get3A_394 = tpu.vector_load %arg13[%get3A_392, %get3A_393] {strides = array<i32>} : memref<40x256xf32, #tpu.memory_space<vmem>>, vector<1x16xf32>,
        %get3A_395 = vector.shape_cast %get3A_394 : vector<1x16xf32> to vector<16xf32>
        %mul3A_396 = arith.mulf %get3A_395, %gather3A_382 : vector<16xf32>
        %swap3A = arith.index_cast %scan3A_260 : i32 to index
        %swap3A_397 = arith.constant 0 : index
        %swap3A_398 = tpu.vector_load %arg14[%swap3A, %swap3A_397] {strides = array<i32>} : memref<40x144xf32, #tpu.memory_space<vmem>>, vector<1x16xf32>,
        %swap3A_399 = vector.shape_cast %swap3A_398 : vector<1x16xf32> to vector<16xf32>
        %swap3A_400 = vector.shape_cast %mul3A_396 : vector<16xf32> to vector<1x16xf32>
        tpu.vector_store %arg14[%swap3A, %swap3A_397], %swap3A_400 {strides = array<i32>} : memref<40x144xf32, #tpu.memory_space<vmem>>, vector<1x16xf32>,
        %get3A_401 = arith.index_cast %scan3A_260 : i32 to index
        %get3A_402 = arith.constant 144 : index
        %get3A_403 = tpu.vector_load %arg13[%get3A_401, %get3A_402] {strides = array<i32>} : memref<40x256xf32, #tpu.memory_space<vmem>>, vector<1x16xf32>,
        %get3A_404 = vector.shape_cast %get3A_403 : vector<1x16xf32> to vector<16xf32>
        %mul3A_405 = arith.mulf %get3A_404, %gather3A_382 : vector<16xf32>
        %swap3A_406 = arith.index_cast %scan3A_260 : i32 to index
        %swap3A_407 = arith.constant 16 : index
        %swap3A_408 = tpu.vector_load %arg14[%swap3A_406, %swap3A_407] {strides = array<i32>} : memref<40x144xf32, #tpu.memory_space<vmem>>, vector<1x16xf32>,
        %swap3A_409 = vector.shape_cast %swap3A_408 : vector<1x16xf32> to vector<16xf32>
        %swap3A_410 = vector.shape_cast %mul3A_405 : vector<16xf32> to vector<1x16xf32>
        tpu.vector_store %arg14[%swap3A_406, %swap3A_407], %swap3A_410 {strides = array<i32>} : memref<40x144xf32, #tpu.memory_space<vmem>>, vector<1x16xf32>,
        %get3A_411 = arith.index_cast %scan3A_260 : i32 to index
        %get3A_412 = arith.constant 160 : index
        %get3A_413 = tpu.vector_load %arg13[%get3A_411, %get3A_412] {strides = array<i32>} : memref<40x256xf32, #tpu.memory_space<vmem>>, vector<1x16xf32>,
        %get3A_414 = vector.shape_cast %get3A_413 : vector<1x16xf32> to vector<16xf32>
        %mul3A_415 = arith.mulf %get3A_414, %gather3A_385 : vector<16xf32>
        %swap3A_416 = arith.index_cast %scan3A_260 : i32 to index
        %swap3A_417 = arith.constant 32 : index
        %swap3A_418 = tpu.vector_load %arg14[%swap3A_416, %swap3A_417] {strides = array<i32>} : memref<40x144xf32, #tpu.memory_space<vmem>>, vector<1x16xf32>,
        %swap3A_419 = vector.shape_cast %swap3A_418 : vector<1x16xf32> to vector<16xf32>
        %swap3A_420 = vector.shape_cast %mul3A_415 : vector<16xf32> to vector<1x16xf32>
        tpu.vector_store %arg14[%swap3A_416, %swap3A_417], %swap3A_420 {strides = array<i32>} : memref<40x144xf32, #tpu.memory_space<vmem>>, vector<1x16xf32>,
        %get3A_421 = arith.index_cast %scan3A_260 : i32 to index
        %get3A_422 = arith.constant 176 : index
        %get3A_423 = tpu.vector_load %arg13[%get3A_421, %get3A_422] {strides = array<i32>} : memref<40x256xf32, #tpu.memory_space<vmem>>, vector<1x16xf32>,
        %get3A_424 = vector.shape_cast %get3A_423 : vector<1x16xf32> to vector<16xf32>
        %mul3A_425 = arith.mulf %get3A_424, %gather3A_385 : vector<16xf32>
        %swap3A_426 = arith.index_cast %scan3A_260 : i32 to index
        %swap3A_427 = arith.constant 48 : index
        %swap3A_428 = tpu.vector_load %arg14[%swap3A_426, %swap3A_427] {strides = array<i32>} : memref<40x144xf32, #tpu.memory_space<vmem>>, vector<1x16xf32>,
        %swap3A_429 = vector.shape_cast %swap3A_428 : vector<1x16xf32> to vector<16xf32>
        %swap3A_430 = vector.shape_cast %mul3A_425 : vector<16xf32> to vector<1x16xf32>
        tpu.vector_store %arg14[%swap3A_426, %swap3A_427], %swap3A_430 {strides = array<i32>} : memref<40x144xf32, #tpu.memory_space<vmem>>, vector<1x16xf32>,
        %get3A_431 = arith.index_cast %scan3A_260 : i32 to index
        %get3A_432 = arith.constant 192 : index
        %get3A_433 = tpu.vector_load %arg13[%get3A_431, %get3A_432] {strides = array<i32>} : memref<40x256xf32, #tpu.memory_space<vmem>>, vector<1x16xf32>,
        %get3A_434 = vector.shape_cast %get3A_433 : vector<1x16xf32> to vector<16xf32>
        %mul3A_435 = arith.mulf %get3A_434, %gather3A_388 : vector<16xf32>
        %swap3A_436 = arith.index_cast %scan3A_260 : i32 to index
        %swap3A_437 = arith.constant 64 : index
        %swap3A_438 = tpu.vector_load %arg14[%swap3A_436, %swap3A_437] {strides = array<i32>} : memref<40x144xf32, #tpu.memory_space<vmem>>, vector<1x16xf32>,
        %swap3A_439 = vector.shape_cast %swap3A_438 : vector<1x16xf32> to vector<16xf32>
        %swap3A_440 = vector.shape_cast %mul3A_435 : vector<16xf32> to vector<1x16xf32>
        tpu.vector_store %arg14[%swap3A_436, %swap3A_437], %swap3A_440 {strides = array<i32>} : memref<40x144xf32, #tpu.memory_space<vmem>>, vector<1x16xf32>,
        %get3A_441 = arith.index_cast %scan3A_260 : i32 to index
        %get3A_442 = arith.constant 208 : index
        %get3A_443 = tpu.vector_load %arg13[%get3A_441, %get3A_442] {strides = array<i32>} : memref<40x256xf32, #tpu.memory_space<vmem>>, vector<1x16xf32>,
        %get3A_444 = vector.shape_cast %get3A_443 : vector<1x16xf32> to vector<16xf32>
        %mul3A_445 = arith.mulf %get3A_444, %gather3A_388 : vector<16xf32>
        %swap3A_446 = arith.index_cast %scan3A_260 : i32 to index
        %swap3A_447 = arith.constant 80 : index
        %swap3A_448 = tpu.vector_load %arg14[%swap3A_446, %swap3A_447] {strides = array<i32>} : memref<40x144xf32, #tpu.memory_space<vmem>>, vector<1x16xf32>,
        %swap3A_449 = vector.shape_cast %swap3A_448 : vector<1x16xf32> to vector<16xf32>
        %swap3A_450 = vector.shape_cast %mul3A_445 : vector<16xf32> to vector<1x16xf32>
        tpu.vector_store %arg14[%swap3A_446, %swap3A_447], %swap3A_450 {strides = array<i32>} : memref<40x144xf32, #tpu.memory_space<vmem>>, vector<1x16xf32>,
        %get3A_451 = arith.index_cast %scan3A_260 : i32 to index
        %get3A_452 = arith.constant 224 : index
        %get3A_453 = tpu.vector_load %arg13[%get3A_451, %get3A_452] {strides = array<i32>} : memref<40x256xf32, #tpu.memory_space<vmem>>, vector<1x16xf32>,
        %get3A_454 = vector.shape_cast %get3A_453 : vector<1x16xf32> to vector<16xf32>
        %mul3A_455 = arith.mulf %get3A_454, %gather3A_391 : vector<16xf32>
        %swap3A_456 = arith.index_cast %scan3A_260 : i32 to index
        %swap3A_457 = arith.constant 96 : index
        %swap3A_458 = tpu.vector_load %arg14[%swap3A_456, %swap3A_457] {strides = array<i32>} : memref<40x144xf32, #tpu.memory_space<vmem>>, vector<1x16xf32>,
        %swap3A_459 = vector.shape_cast %swap3A_458 : vector<1x16xf32> to vector<16xf32>
        %swap3A_460 = vector.shape_cast %mul3A_455 : vector<16xf32> to vector<1x16xf32>
        tpu.vector_store %arg14[%swap3A_456, %swap3A_457], %swap3A_460 {strides = array<i32>} : memref<40x144xf32, #tpu.memory_space<vmem>>, vector<1x16xf32>,
        %get3A_461 = arith.index_cast %scan3A_260 : i32 to index
        %get3A_462 = arith.constant 240 : index
        %get3A_463 = tpu.vector_load %arg13[%get3A_461, %get3A_462] {strides = array<i32>} : memref<40x256xf32, #tpu.memory_space<vmem>>, vector<1x16xf32>,
        %get3A_464 = vector.shape_cast %get3A_463 : vector<1x16xf32> to vector<16xf32>
        %mul3A_465 = arith.mulf %get3A_464, %gather3A_391 : vector<16xf32>
        %swap3A_466 = arith.index_cast %scan3A_260 : i32 to index
        %swap3A_467 = arith.constant 112 : index
        %swap3A_468 = tpu.vector_load %arg14[%swap3A_466, %swap3A_467] {strides = array<i32>} : memref<40x144xf32, #tpu.memory_space<vmem>>, vector<1x16xf32>,
        %swap3A_469 = vector.shape_cast %swap3A_468 : vector<1x16xf32> to vector<16xf32>
        %swap3A_470 = vector.shape_cast %mul3A_465 : vector<16xf32> to vector<1x16xf32>
        tpu.vector_store %arg14[%swap3A_466, %swap3A_467], %swap3A_470 {strides = array<i32>} : memref<40x144xf32, #tpu.memory_space<vmem>>, vector<1x16xf32>,
        %jit3A = arith.constant 0.000000e+00 : f32
        %broadcast_in_dim3A_471 = vector.broadcast %jit3A : f32 to vector<16xf32>
        %select_n3A_472 = arith.select %lt3A_27, %exp3A, %broadcast_in_dim3A_471 : vector<16xi1>, vector<16xf32>
        %swap3A_473 = arith.index_cast %scan3A_260 : i32 to index
        %swap3A_474 = arith.constant 128 : index
        %swap3A_475 = tpu.vector_load %arg14[%swap3A_473, %swap3A_474] {strides = array<i32>} : memref<40x144xf32, #tpu.memory_space<vmem>>, vector<1x16xf32>,
        %swap3A_476 = vector.shape_cast %swap3A_475 : vector<1x16xf32> to vector<16xf32>
        %swap3A_477 = vector.shape_cast %select_n3A_472 : vector<16xf32> to vector<1x16xf32>
        tpu.vector_store %arg14[%swap3A_473, %swap3A_474], %swap3A_477 {strides = array<i32>} : memref<40x144xf32, #tpu.memory_space<vmem>>, vector<1x16xf32>,
        %scan3A_478 = arith.constant 1 : i32
        %scan3A_479 = arith.addi %scan3A_260, %scan3A_478 : i32
        %get3A_480 = arith.index_cast %scan3A_479 : i32 to index
        %get3A_481 = arith.constant 0 : index
        %get3A_482 = tpu.vector_load %arg11[%get3A_480, %get3A_481] {strides = array<i32>} : memref<40x128xf32, #tpu.memory_space<vmem>>, vector<1x16xf32>,
        %get3A_483 = vector.shape_cast %get3A_482 : vector<1x16xf32> to vector<16xf32>
        %get3A_484 = arith.index_cast %scan3A_479 : i32 to index
        %get3A_485 = arith.constant 0 : index
        %get3A_486 = tpu.vector_load %arg13[%get3A_484, %get3A_485] {strides = array<i32>} : memref<40x256xf32, #tpu.memory_space<vmem>>, vector<1x16xf32>,
        %get3A_487 = vector.shape_cast %get3A_486 : vector<1x16xf32> to vector<16xf32>
        %mul3A_488 = arith.mulf %get3A_483, %get3A_487 : vector<16xf32>
        %get3A_489 = arith.index_cast %scan3A_479 : i32 to index
        %get3A_490 = arith.constant 16 : index
        %get3A_491 = tpu.vector_load %arg11[%get3A_489, %get3A_490] {strides = array<i32>} : memref<40x128xf32, #tpu.memory_space<vmem>>, vector<1x16xf32>,
        %get3A_492 = vector.shape_cast %get3A_491 : vector<1x16xf32> to vector<16xf32>
        %get3A_493 = arith.index_cast %scan3A_479 : i32 to index
        %get3A_494 = arith.constant 16 : index
        %get3A_495 = tpu.vector_load %arg13[%get3A_493, %get3A_494] {strides = array<i32>} : memref<40x256xf32, #tpu.memory_space<vmem>>, vector<1x16xf32>,
        %get3A_496 = vector.shape_cast %get3A_495 : vector<1x16xf32> to vector<16xf32>
        %mul3A_497 = arith.mulf %get3A_492, %get3A_496 : vector<16xf32>
        %get3A_498 = arith.index_cast %scan3A_479 : i32 to index
        %get3A_499 = arith.constant 32 : index
        %get3A_500 = tpu.vector_load %arg11[%get3A_498, %get3A_499] {strides = array<i32>} : memref<40x128xf32, #tpu.memory_space<vmem>>, vector<1x16xf32>,
        %get3A_501 = vector.shape_cast %get3A_500 : vector<1x16xf32> to vector<16xf32>
        %get3A_502 = arith.index_cast %scan3A_479 : i32 to index
        %get3A_503 = arith.constant 32 : index
        %get3A_504 = tpu.vector_load %arg13[%get3A_502, %get3A_503] {strides = array<i32>} : memref<40x256xf32, #tpu.memory_space<vmem>>, vector<1x16xf32>,
        %get3A_505 = vector.shape_cast %get3A_504 : vector<1x16xf32> to vector<16xf32>
        %mul3A_506 = arith.mulf %get3A_501, %get3A_505 : vector<16xf32>
        %get3A_507 = arith.index_cast %scan3A_479 : i32 to index
        %get3A_508 = arith.constant 48 : index
        %get3A_509 = tpu.vector_load %arg11[%get3A_507, %get3A_508] {strides = array<i32>} : memref<40x128xf32, #tpu.memory_space<vmem>>, vector<1x16xf32>,
        %get3A_510 = vector.shape_cast %get3A_509 : vector<1x16xf32> to vector<16xf32>
        %get3A_511 = arith.index_cast %scan3A_479 : i32 to index
        %get3A_512 = arith.constant 48 : index
        %get3A_513 = tpu.vector_load %arg13[%get3A_511, %get3A_512] {strides = array<i32>} : memref<40x256xf32, #tpu.memory_space<vmem>>, vector<1x16xf32>,
        %get3A_514 = vector.shape_cast %get3A_513 : vector<1x16xf32> to vector<16xf32>
        %mul3A_515 = arith.mulf %get3A_510, %get3A_514 : vector<16xf32>
        %get3A_516 = arith.index_cast %scan3A_479 : i32 to index
        %get3A_517 = arith.constant 64 : index
        %get3A_518 = tpu.vector_load %arg11[%get3A_516, %get3A_517] {strides = array<i32>} : memref<40x128xf32, #tpu.memory_space<vmem>>, vector<1x16xf32>,
        %get3A_519 = vector.shape_cast %get3A_518 : vector<1x16xf32> to vector<16xf32>
        %get3A_520 = arith.index_cast %scan3A_479 : i32 to index
        %get3A_521 = arith.constant 64 : index
        %get3A_522 = tpu.vector_load %arg13[%get3A_520, %get3A_521] {strides = array<i32>} : memref<40x256xf32, #tpu.memory_space<vmem>>, vector<1x16xf32>,
        %get3A_523 = vector.shape_cast %get3A_522 : vector<1x16xf32> to vector<16xf32>
        %mul3A_524 = arith.mulf %get3A_519, %get3A_523 : vector<16xf32>
        %get3A_525 = arith.index_cast %scan3A_479 : i32 to index
        %get3A_526 = arith.constant 80 : index
        %get3A_527 = tpu.vector_load %arg11[%get3A_525, %get3A_526] {strides = array<i32>} : memref<40x128xf32, #tpu.memory_space<vmem>>, vector<1x16xf32>,
        %get3A_528 = vector.shape_cast %get3A_527 : vector<1x16xf32> to vector<16xf32>
        %get3A_529 = arith.index_cast %scan3A_479 : i32 to index
        %get3A_530 = arith.constant 80 : index
        %get3A_531 = tpu.vector_load %arg13[%get3A_529, %get3A_530] {strides = array<i32>} : memref<40x256xf32, #tpu.memory_space<vmem>>, vector<1x16xf32>,
        %get3A_532 = vector.shape_cast %get3A_531 : vector<1x16xf32> to vector<16xf32>
        %mul3A_533 = arith.mulf %get3A_528, %get3A_532 : vector<16xf32>
        %get3A_534 = arith.index_cast %scan3A_479 : i32 to index
        %get3A_535 = arith.constant 96 : index
        %get3A_536 = tpu.vector_load %arg11[%get3A_534, %get3A_535] {strides = array<i32>} : memref<40x128xf32, #tpu.memory_space<vmem>>, vector<1x16xf32>,
        %get3A_537 = vector.shape_cast %get3A_536 : vector<1x16xf32> to vector<16xf32>
        %get3A_538 = arith.index_cast %scan3A_479 : i32 to index
        %get3A_539 = arith.constant 96 : index
        %get3A_540 = tpu.vector_load %arg13[%get3A_538, %get3A_539] {strides = array<i32>} : memref<40x256xf32, #tpu.memory_space<vmem>>, vector<1x16xf32>,
        %get3A_541 = vector.shape_cast %get3A_540 : vector<1x16xf32> to vector<16xf32>
        %mul3A_542 = arith.mulf %get3A_537, %get3A_541 : vector<16xf32>
        %get3A_543 = arith.index_cast %scan3A_479 : i32 to index
        %get3A_544 = arith.constant 112 : index
        %get3A_545 = tpu.vector_load %arg11[%get3A_543, %get3A_544] {strides = array<i32>} : memref<40x128xf32, #tpu.memory_space<vmem>>, vector<1x16xf32>,
        %get3A_546 = vector.shape_cast %get3A_545 : vector<1x16xf32> to vector<16xf32>
        %get3A_547 = arith.index_cast %scan3A_479 : i32 to index
        %get3A_548 = arith.constant 112 : index
        %get3A_549 = tpu.vector_load %arg13[%get3A_547, %get3A_548] {strides = array<i32>} : memref<40x256xf32, #tpu.memory_space<vmem>>, vector<1x16xf32>,
        %get3A_550 = vector.shape_cast %get3A_549 : vector<1x16xf32> to vector<16xf32>
        %mul3A_551 = arith.mulf %get3A_546, %get3A_550 : vector<16xf32>
        %add3A_552 = arith.addf %mul3A_488, %mul3A_497 : vector<16xf32>
        %broadcast_in_dim3A_553 = vector.shape_cast %xor3A_6 : vector<16xi32> to vector<16x1xi32>
        %gather3A_554 = vector.shape_cast %broadcast_in_dim3A_553 : vector<16x1xi32> to vector<16xi32>
        %gather3A_555 = tpu.dynamic_gather %add3A_552[%gather3A_554] in [0] : vector<16xf32>, vector<16xi32> -> vector<16xf32>
        %add3A_556 = arith.addf %add3A_552, %gather3A_555 : vector<16xf32>
        %broadcast_in_dim3A_557 = vector.shape_cast %xor3A_9 : vector<16xi32> to vector<16x1xi32>
        %gather3A_558 = vector.shape_cast %broadcast_in_dim3A_557 : vector<16x1xi32> to vector<16xi32>
        %gather3A_559 = tpu.dynamic_gather %add3A_556[%gather3A_558] in [0] : vector<16xf32>, vector<16xi32> -> vector<16xf32>
        %add3A_560 = arith.addf %add3A_556, %gather3A_559 : vector<16xf32>
        %add3A_561 = arith.addf %mul3A_506, %mul3A_515 : vector<16xf32>
        %broadcast_in_dim3A_562 = vector.shape_cast %xor3A_6 : vector<16xi32> to vector<16x1xi32>
        %gather3A_563 = vector.shape_cast %broadcast_in_dim3A_562 : vector<16x1xi32> to vector<16xi32>
        %gather3A_564 = tpu.dynamic_gather %add3A_561[%gather3A_563] in [0] : vector<16xf32>, vector<16xi32> -> vector<16xf32>
        %add3A_565 = arith.addf %add3A_561, %gather3A_564 : vector<16xf32>
        %broadcast_in_dim3A_566 = vector.shape_cast %xor3A_9 : vector<16xi32> to vector<16x1xi32>
        %gather3A_567 = vector.shape_cast %broadcast_in_dim3A_566 : vector<16x1xi32> to vector<16xi32>
        %gather3A_568 = tpu.dynamic_gather %add3A_565[%gather3A_567] in [0] : vector<16xf32>, vector<16xi32> -> vector<16xf32>
        %add3A_569 = arith.addf %add3A_565, %gather3A_568 : vector<16xf32>
        %add3A_570 = arith.addf %mul3A_524, %mul3A_533 : vector<16xf32>
        %broadcast_in_dim3A_571 = vector.shape_cast %xor3A_6 : vector<16xi32> to vector<16x1xi32>
        %gather3A_572 = vector.shape_cast %broadcast_in_dim3A_571 : vector<16x1xi32> to vector<16xi32>
        %gather3A_573 = tpu.dynamic_gather %add3A_570[%gather3A_572] in [0] : vector<16xf32>, vector<16xi32> -> vector<16xf32>
        %add3A_574 = arith.addf %add3A_570, %gather3A_573 : vector<16xf32>
        %broadcast_in_dim3A_575 = vector.shape_cast %xor3A_9 : vector<16xi32> to vector<16x1xi32>
        %gather3A_576 = vector.shape_cast %broadcast_in_dim3A_575 : vector<16x1xi32> to vector<16xi32>
        %gather3A_577 = tpu.dynamic_gather %add3A_574[%gather3A_576] in [0] : vector<16xf32>, vector<16xi32> -> vector<16xf32>
        %add3A_578 = arith.addf %add3A_574, %gather3A_577 : vector<16xf32>
        %add3A_579 = arith.addf %mul3A_542, %mul3A_551 : vector<16xf32>
        %broadcast_in_dim3A_580 = vector.shape_cast %xor3A_6 : vector<16xi32> to vector<16x1xi32>
        %gather3A_581 = vector.shape_cast %broadcast_in_dim3A_580 : vector<16x1xi32> to vector<16xi32>
        %gather3A_582 = tpu.dynamic_gather %add3A_579[%gather3A_581] in [0] : vector<16xf32>, vector<16xi32> -> vector<16xf32>
        %add3A_583 = arith.addf %add3A_579, %gather3A_582 : vector<16xf32>
        %broadcast_in_dim3A_584 = vector.shape_cast %xor3A_9 : vector<16xi32> to vector<16x1xi32>
        %gather3A_585 = vector.shape_cast %broadcast_in_dim3A_584 : vector<16x1xi32> to vector<16xi32>
        %gather3A_586 = tpu.dynamic_gather %add3A_583[%gather3A_585] in [0] : vector<16xf32>, vector<16xi32> -> vector<16xf32>
        %add3A_587 = arith.addf %add3A_583, %gather3A_586 : vector<16xf32>
        %select_n3A_588 = arith.select %eq3A_25, %add3A_578, %add3A_587 : vector<16xi1>, vector<16xf32>
        %select_n3A_589 = arith.select %eq3A_22, %add3A_569, %select_n3A_588 : vector<16xi1>, vector<16xf32>
        %select_n3A_590 = arith.select %eq3A_19, %add3A_560, %select_n3A_589 : vector<16xi1>, vector<16xf32>
        %broadcast_in_dim3A_591 = vector.shape_cast %xor3A_12 : vector<16xi32> to vector<16x1xi32>
        %gather3A_592 = vector.shape_cast %broadcast_in_dim3A_591 : vector<16x1xi32> to vector<16xi32>
        %gather3A_593 = tpu.dynamic_gather %select_n3A_590[%gather3A_592] in [0] : vector<16xf32>, vector<16xi32> -> vector<16xf32>
        %add3A_594 = arith.addf %select_n3A_590, %gather3A_593 : vector<16xf32>
        %broadcast_in_dim3A_595 = vector.shape_cast %xor3A_15 : vector<16xi32> to vector<16x1xi32>
        %gather3A_596 = vector.shape_cast %broadcast_in_dim3A_595 : vector<16x1xi32> to vector<16xi32>
        %gather3A_597 = tpu.dynamic_gather %add3A_594[%gather3A_596] in [0] : vector<16xf32>, vector<16xi32> -> vector<16xf32>
        %add3A_598 = arith.addf %add3A_594, %gather3A_597 : vector<16xf32>
        %mul3A_599 = arith.constant 0.176776692 : f32
        %mul3A_600 = vector.broadcast %mul3A_599 : f32 to vector<16xf32>
        %mul3A_601 = arith.mulf %add3A_598, %mul3A_600 : vector<16xf32>
        %exp3A_602 = math.exp %mul3A_601 : vector<16xf32>
        %broadcast_in_dim3A_603 = vector.shape_cast %broadcast_in_dim3A_28 : vector<16xi32> to vector<16x1xi32>
        %gather3A_604 = vector.shape_cast %broadcast_in_dim3A_603 : vector<16x1xi32> to vector<16xi32>
        %gather3A_605 = tpu.dynamic_gather %exp3A_602[%gather3A_604] in [0] : vector<16xf32>, vector<16xi32> -> vector<16xf32>
        %broadcast_in_dim3A_606 = vector.shape_cast %broadcast_in_dim3A_30 : vector<16xi32> to vector<16x1xi32>
        %gather3A_607 = vector.shape_cast %broadcast_in_dim3A_606 : vector<16x1xi32> to vector<16xi32>
        %gather3A_608 = tpu.dynamic_gather %exp3A_602[%gather3A_607] in [0] : vector<16xf32>, vector<16xi32> -> vector<16xf32>
        %broadcast_in_dim3A_609 = vector.shape_cast %broadcast_in_dim3A_32 : vector<16xi32> to vector<16x1xi32>
        %gather3A_610 = vector.shape_cast %broadcast_in_dim3A_609 : vector<16x1xi32> to vector<16xi32>
        %gather3A_611 = tpu.dynamic_gather %exp3A_602[%gather3A_610] in [0] : vector<16xf32>, vector<16xi32> -> vector<16xf32>
        %broadcast_in_dim3A_612 = vector.shape_cast %broadcast_in_dim3A_34 : vector<16xi32> to vector<16x1xi32>
        %gather3A_613 = vector.shape_cast %broadcast_in_dim3A_612 : vector<16x1xi32> to vector<16xi32>
        %gather3A_614 = tpu.dynamic_gather %exp3A_602[%gather3A_613] in [0] : vector<16xf32>, vector<16xi32> -> vector<16xf32>
        %get3A_615 = arith.index_cast %scan3A_479 : i32 to index
        %get3A_616 = arith.constant 128 : index
        %get3A_617 = tpu.vector_load %arg13[%get3A_615, %get3A_616] {strides = array<i32>} : memref<40x256xf32, #tpu.memory_space<vmem>>, vector<1x16xf32>,
        %get3A_618 = vector.shape_cast %get3A_617 : vector<1x16xf32> to vector<16xf32>
        %mul3A_619 = arith.mulf %get3A_618, %gather3A_605 : vector<16xf32>
        %swap3A_620 = arith.index_cast %scan3A_479 : i32 to index
        %swap3A_621 = arith.constant 0 : index
        %swap3A_622 = tpu.vector_load %arg14[%swap3A_620, %swap3A_621] {strides = array<i32>} : memref<40x144xf32, #tpu.memory_space<vmem>>, vector<1x16xf32>,
        %swap3A_623 = vector.shape_cast %swap3A_622 : vector<1x16xf32> to vector<16xf32>
        %swap3A_624 = vector.shape_cast %mul3A_619 : vector<16xf32> to vector<1x16xf32>
        tpu.vector_store %arg14[%swap3A_620, %swap3A_621], %swap3A_624 {strides = array<i32>} : memref<40x144xf32, #tpu.memory_space<vmem>>, vector<1x16xf32>,
        %get3A_625 = arith.index_cast %scan3A_479 : i32 to index
        %get3A_626 = arith.constant 144 : index
        %get3A_627 = tpu.vector_load %arg13[%get3A_625, %get3A_626] {strides = array<i32>} : memref<40x256xf32, #tpu.memory_space<vmem>>, vector<1x16xf32>,
        %get3A_628 = vector.shape_cast %get3A_627 : vector<1x16xf32> to vector<16xf32>
        %mul3A_629 = arith.mulf %get3A_628, %gather3A_605 : vector<16xf32>
        %swap3A_630 = arith.index_cast %scan3A_479 : i32 to index
        %swap3A_631 = arith.constant 16 : index
        %swap3A_632 = tpu.vector_load %arg14[%swap3A_630, %swap3A_631] {strides = array<i32>} : memref<40x144xf32, #tpu.memory_space<vmem>>, vector<1x16xf32>,
        %swap3A_633 = vector.shape_cast %swap3A_632 : vector<1x16xf32> to vector<16xf32>
        %swap3A_634 = vector.shape_cast %mul3A_629 : vector<16xf32> to vector<1x16xf32>
        tpu.vector_store %arg14[%swap3A_630, %swap3A_631], %swap3A_634 {strides = array<i32>} : memref<40x144xf32, #tpu.memory_space<vmem>>, vector<1x16xf32>,
        %get3A_635 = arith.index_cast %scan3A_479 : i32 to index
        %get3A_636 = arith.constant 160 : index
        %get3A_637 = tpu.vector_load %arg13[%get3A_635, %get3A_636] {strides = array<i32>} : memref<40x256xf32, #tpu.memory_space<vmem>>, vector<1x16xf32>,
        %get3A_638 = vector.shape_cast %get3A_637 : vector<1x16xf32> to vector<16xf32>
        %mul3A_639 = arith.mulf %get3A_638, %gather3A_608 : vector<16xf32>
        %swap3A_640 = arith.index_cast %scan3A_479 : i32 to index
        %swap3A_641 = arith.constant 32 : index
        %swap3A_642 = tpu.vector_load %arg14[%swap3A_640, %swap3A_641] {strides = array<i32>} : memref<40x144xf32, #tpu.memory_space<vmem>>, vector<1x16xf32>,
        %swap3A_643 = vector.shape_cast %swap3A_642 : vector<1x16xf32> to vector<16xf32>
        %swap3A_644 = vector.shape_cast %mul3A_639 : vector<16xf32> to vector<1x16xf32>
        tpu.vector_store %arg14[%swap3A_640, %swap3A_641], %swap3A_644 {strides = array<i32>} : memref<40x144xf32, #tpu.memory_space<vmem>>, vector<1x16xf32>,
        %get3A_645 = arith.index_cast %scan3A_479 : i32 to index
        %get3A_646 = arith.constant 176 : index
        %get3A_647 = tpu.vector_load %arg13[%get3A_645, %get3A_646] {strides = array<i32>} : memref<40x256xf32, #tpu.memory_space<vmem>>, vector<1x16xf32>,
        %get3A_648 = vector.shape_cast %get3A_647 : vector<1x16xf32> to vector<16xf32>
        %mul3A_649 = arith.mulf %get3A_648, %gather3A_608 : vector<16xf32>
        %swap3A_650 = arith.index_cast %scan3A_479 : i32 to index
        %swap3A_651 = arith.constant 48 : index
        %swap3A_652 = tpu.vector_load %arg14[%swap3A_650, %swap3A_651] {strides = array<i32>} : memref<40x144xf32, #tpu.memory_space<vmem>>, vector<1x16xf32>,
        %swap3A_653 = vector.shape_cast %swap3A_652 : vector<1x16xf32> to vector<16xf32>
        %swap3A_654 = vector.shape_cast %mul3A_649 : vector<16xf32> to vector<1x16xf32>
        tpu.vector_store %arg14[%swap3A_650, %swap3A_651], %swap3A_654 {strides = array<i32>} : memref<40x144xf32, #tpu.memory_space<vmem>>, vector<1x16xf32>,
        %get3A_655 = arith.index_cast %scan3A_479 : i32 to index
        %get3A_656 = arith.constant 192 : index
        %get3A_657 = tpu.vector_load %arg13[%get3A_655, %get3A_656] {strides = array<i32>} : memref<40x256xf32, #tpu.memory_space<vmem>>, vector<1x16xf32>,
        %get3A_658 = vector.shape_cast %get3A_657 : vector<1x16xf32> to vector<16xf32>
        %mul3A_659 = arith.mulf %get3A_658, %gather3A_611 : vector<16xf32>
        %swap3A_660 = arith.index_cast %scan3A_479 : i32 to index
        %swap3A_661 = arith.constant 64 : index
        %swap3A_662 = tpu.vector_load %arg14[%swap3A_660, %swap3A_661] {strides = array<i32>} : memref<40x144xf32, #tpu.memory_space<vmem>>, vector<1x16xf32>,
        %swap3A_663 = vector.shape_cast %swap3A_662 : vector<1x16xf32> to vector<16xf32>
        %swap3A_664 = vector.shape_cast %mul3A_659 : vector<16xf32> to vector<1x16xf32>
        tpu.vector_store %arg14[%swap3A_660, %swap3A_661], %swap3A_664 {strides = array<i32>} : memref<40x144xf32, #tpu.memory_space<vmem>>, vector<1x16xf32>,
        %get3A_665 = arith.index_cast %scan3A_479 : i32 to index
        %get3A_666 = arith.constant 208 : index
        %get3A_667 = tpu.vector_load %arg13[%get3A_665, %get3A_666] {strides = array<i32>} : memref<40x256xf32, #tpu.memory_space<vmem>>, vector<1x16xf32>,
        %get3A_668 = vector.shape_cast %get3A_667 : vector<1x16xf32> to vector<16xf32>
        %mul3A_669 = arith.mulf %get3A_668, %gather3A_611 : vector<16xf32>
        %swap3A_670 = arith.index_cast %scan3A_479 : i32 to index
        %swap3A_671 = arith.constant 80 : index
        %swap3A_672 = tpu.vector_load %arg14[%swap3A_670, %swap3A_671] {strides = array<i32>} : memref<40x144xf32, #tpu.memory_space<vmem>>, vector<1x16xf32>,
        %swap3A_673 = vector.shape_cast %swap3A_672 : vector<1x16xf32> to vector<16xf32>
        %swap3A_674 = vector.shape_cast %mul3A_669 : vector<16xf32> to vector<1x16xf32>
        tpu.vector_store %arg14[%swap3A_670, %swap3A_671], %swap3A_674 {strides = array<i32>} : memref<40x144xf32, #tpu.memory_space<vmem>>, vector<1x16xf32>,
        %get3A_675 = arith.index_cast %scan3A_479 : i32 to index
        %get3A_676 = arith.constant 224 : index
        %get3A_677 = tpu.vector_load %arg13[%get3A_675, %get3A_676] {strides = array<i32>} : memref<40x256xf32, #tpu.memory_space<vmem>>, vector<1x16xf32>,
        %get3A_678 = vector.shape_cast %get3A_677 : vector<1x16xf32> to vector<16xf32>
        %mul3A_679 = arith.mulf %get3A_678, %gather3A_614 : vector<16xf32>
        %swap3A_680 = arith.index_cast %scan3A_479 : i32 to index
        %swap3A_681 = arith.constant 96 : index
        %swap3A_682 = tpu.vector_load %arg14[%swap3A_680, %swap3A_681] {strides = array<i32>} : memref<40x144xf32, #tpu.memory_space<vmem>>, vector<1x16xf32>,
        %swap3A_683 = vector.shape_cast %swap3A_682 : vector<1x16xf32> to vector<16xf32>
        %swap3A_684 = vector.shape_cast %mul3A_679 : vector<16xf32> to vector<1x16xf32>
        tpu.vector_store %arg14[%swap3A_680, %swap3A_681], %swap3A_684 {strides = array<i32>} : memref<40x144xf32, #tpu.memory_space<vmem>>, vector<1x16xf32>,
        %get3A_685 = arith.index_cast %scan3A_479 : i32 to index
        %get3A_686 = arith.constant 240 : index
        %get3A_687 = tpu.vector_load %arg13[%get3A_685, %get3A_686] {strides = array<i32>} : memref<40x256xf32, #tpu.memory_space<vmem>>, vector<1x16xf32>,
        %get3A_688 = vector.shape_cast %get3A_687 : vector<1x16xf32> to vector<16xf32>
        %mul3A_689 = arith.mulf %get3A_688, %gather3A_614 : vector<16xf32>
        %swap3A_690 = arith.index_cast %scan3A_479 : i32 to index
        %swap3A_691 = arith.constant 112 : index
        %swap3A_692 = tpu.vector_load %arg14[%swap3A_690, %swap3A_691] {strides = array<i32>} : memref<40x144xf32, #tpu.memory_space<vmem>>, vector<1x16xf32>,
        %swap3A_693 = vector.shape_cast %swap3A_692 : vector<1x16xf32> to vector<16xf32>
        %swap3A_694 = vector.shape_cast %mul3A_689 : vector<16xf32> to vector<1x16xf32>
        tpu.vector_store %arg14[%swap3A_690, %swap3A_691], %swap3A_694 {strides = array<i32>} : memref<40x144xf32, #tpu.memory_space<vmem>>, vector<1x16xf32>,
        %jit3A_695 = arith.constant 0.000000e+00 : f32
        %broadcast_in_dim3A_696 = vector.broadcast %jit3A_695 : f32 to vector<16xf32>
        %select_n3A_697 = arith.select %lt3A_27, %exp3A_602, %broadcast_in_dim3A_696 : vector<16xi1>, vector<16xf32>
        %swap3A_698 = arith.index_cast %scan3A_479 : i32 to index
        %swap3A_699 = arith.constant 128 : index
        %swap3A_700 = tpu.vector_load %arg14[%swap3A_698, %swap3A_699] {strides = array<i32>} : memref<40x144xf32, #tpu.memory_space<vmem>>, vector<1x16xf32>,
        %swap3A_701 = vector.shape_cast %swap3A_700 : vector<1x16xf32> to vector<16xf32>
        %swap3A_702 = vector.shape_cast %select_n3A_697 : vector<16xf32> to vector<1x16xf32>
        tpu.vector_store %arg14[%swap3A_698, %swap3A_699], %swap3A_702 {strides = array<i32>} : memref<40x144xf32, #tpu.memory_space<vmem>>, vector<1x16xf32>,
        %scan3A_703 = arith.constant 2 : i32
        %scan3A_704 = arith.addi %scan3A_260, %scan3A_703 : i32
        %get3A_705 = arith.index_cast %scan3A_704 : i32 to index
        %get3A_706 = arith.constant 0 : index
        %get3A_707 = tpu.vector_load %arg11[%get3A_705, %get3A_706] {strides = array<i32>} : memref<40x128xf32, #tpu.memory_space<vmem>>, vector<1x16xf32>,
        %get3A_708 = vector.shape_cast %get3A_707 : vector<1x16xf32> to vector<16xf32>
        %get3A_709 = arith.index_cast %scan3A_704 : i32 to index
        %get3A_710 = arith.constant 0 : index
        %get3A_711 = tpu.vector_load %arg13[%get3A_709, %get3A_710] {strides = array<i32>} : memref<40x256xf32, #tpu.memory_space<vmem>>, vector<1x16xf32>,
        %get3A_712 = vector.shape_cast %get3A_711 : vector<1x16xf32> to vector<16xf32>
        %mul3A_713 = arith.mulf %get3A_708, %get3A_712 : vector<16xf32>
        %get3A_714 = arith.index_cast %scan3A_704 : i32 to index
        %get3A_715 = arith.constant 16 : index
        %get3A_716 = tpu.vector_load %arg11[%get3A_714, %get3A_715] {strides = array<i32>} : memref<40x128xf32, #tpu.memory_space<vmem>>, vector<1x16xf32>,
        %get3A_717 = vector.shape_cast %get3A_716 : vector<1x16xf32> to vector<16xf32>
        %get3A_718 = arith.index_cast %scan3A_704 : i32 to index
        %get3A_719 = arith.constant 16 : index
        %get3A_720 = tpu.vector_load %arg13[%get3A_718, %get3A_719] {strides = array<i32>} : memref<40x256xf32, #tpu.memory_space<vmem>>, vector<1x16xf32>,
        %get3A_721 = vector.shape_cast %get3A_720 : vector<1x16xf32> to vector<16xf32>
        %mul3A_722 = arith.mulf %get3A_717, %get3A_721 : vector<16xf32>
        %get3A_723 = arith.index_cast %scan3A_704 : i32 to index
        %get3A_724 = arith.constant 32 : index
        %get3A_725 = tpu.vector_load %arg11[%get3A_723, %get3A_724] {strides = array<i32>} : memref<40x128xf32, #tpu.memory_space<vmem>>, vector<1x16xf32>,
        %get3A_726 = vector.shape_cast %get3A_725 : vector<1x16xf32> to vector<16xf32>
        %get3A_727 = arith.index_cast %scan3A_704 : i32 to index
        %get3A_728 = arith.constant 32 : index
        %get3A_729 = tpu.vector_load %arg13[%get3A_727, %get3A_728] {strides = array<i32>} : memref<40x256xf32, #tpu.memory_space<vmem>>, vector<1x16xf32>,
        %get3A_730 = vector.shape_cast %get3A_729 : vector<1x16xf32> to vector<16xf32>
        %mul3A_731 = arith.mulf %get3A_726, %get3A_730 : vector<16xf32>
        %get3A_732 = arith.index_cast %scan3A_704 : i32 to index
        %get3A_733 = arith.constant 48 : index
        %get3A_734 = tpu.vector_load %arg11[%get3A_732, %get3A_733] {strides = array<i32>} : memref<40x128xf32, #tpu.memory_space<vmem>>, vector<1x16xf32>,
        %get3A_735 = vector.shape_cast %get3A_734 : vector<1x16xf32> to vector<16xf32>
        %get3A_736 = arith.index_cast %scan3A_704 : i32 to index
        %get3A_737 = arith.constant 48 : index
        %get3A_738 = tpu.vector_load %arg13[%get3A_736, %get3A_737] {strides = array<i32>} : memref<40x256xf32, #tpu.memory_space<vmem>>, vector<1x16xf32>,
        %get3A_739 = vector.shape_cast %get3A_738 : vector<1x16xf32> to vector<16xf32>
        %mul3A_740 = arith.mulf %get3A_735, %get3A_739 : vector<16xf32>
        %get3A_741 = arith.index_cast %scan3A_704 : i32 to index
        %get3A_742 = arith.constant 64 : index
        %get3A_743 = tpu.vector_load %arg11[%get3A_741, %get3A_742] {strides = array<i32>} : memref<40x128xf32, #tpu.memory_space<vmem>>, vector<1x16xf32>,
        %get3A_744 = vector.shape_cast %get3A_743 : vector<1x16xf32> to vector<16xf32>
        %get3A_745 = arith.index_cast %scan3A_704 : i32 to index
        %get3A_746 = arith.constant 64 : index
        %get3A_747 = tpu.vector_load %arg13[%get3A_745, %get3A_746] {strides = array<i32>} : memref<40x256xf32, #tpu.memory_space<vmem>>, vector<1x16xf32>,
        %get3A_748 = vector.shape_cast %get3A_747 : vector<1x16xf32> to vector<16xf32>
        %mul3A_749 = arith.mulf %get3A_744, %get3A_748 : vector<16xf32>
        %get3A_750 = arith.index_cast %scan3A_704 : i32 to index
        %get3A_751 = arith.constant 80 : index
        %get3A_752 = tpu.vector_load %arg11[%get3A_750, %get3A_751] {strides = array<i32>} : memref<40x128xf32, #tpu.memory_space<vmem>>, vector<1x16xf32>,
        %get3A_753 = vector.shape_cast %get3A_752 : vector<1x16xf32> to vector<16xf32>
        %get3A_754 = arith.index_cast %scan3A_704 : i32 to index
        %get3A_755 = arith.constant 80 : index
        %get3A_756 = tpu.vector_load %arg13[%get3A_754, %get3A_755] {strides = array<i32>} : memref<40x256xf32, #tpu.memory_space<vmem>>, vector<1x16xf32>,
        %get3A_757 = vector.shape_cast %get3A_756 : vector<1x16xf32> to vector<16xf32>
        %mul3A_758 = arith.mulf %get3A_753, %get3A_757 : vector<16xf32>
        %get3A_759 = arith.index_cast %scan3A_704 : i32 to index
        %get3A_760 = arith.constant 96 : index
        %get3A_761 = tpu.vector_load %arg11[%get3A_759, %get3A_760] {strides = array<i32>} : memref<40x128xf32, #tpu.memory_space<vmem>>, vector<1x16xf32>,
        %get3A_762 = vector.shape_cast %get3A_761 : vector<1x16xf32> to vector<16xf32>
        %get3A_763 = arith.index_cast %scan3A_704 : i32 to index
        %get3A_764 = arith.constant 96 : index
        %get3A_765 = tpu.vector_load %arg13[%get3A_763, %get3A_764] {strides = array<i32>} : memref<40x256xf32, #tpu.memory_space<vmem>>, vector<1x16xf32>,
        %get3A_766 = vector.shape_cast %get3A_765 : vector<1x16xf32> to vector<16xf32>
        %mul3A_767 = arith.mulf %get3A_762, %get3A_766 : vector<16xf32>
        %get3A_768 = arith.index_cast %scan3A_704 : i32 to index
        %get3A_769 = arith.constant 112 : index
        %get3A_770 = tpu.vector_load %arg11[%get3A_768, %get3A_769] {strides = array<i32>} : memref<40x128xf32, #tpu.memory_space<vmem>>, vector<1x16xf32>,
        %get3A_771 = vector.shape_cast %get3A_770 : vector<1x16xf32> to vector<16xf32>
        %get3A_772 = arith.index_cast %scan3A_704 : i32 to index
        %get3A_773 = arith.constant 112 : index
        %get3A_774 = tpu.vector_load %arg13[%get3A_772, %get3A_773] {strides = array<i32>} : memref<40x256xf32, #tpu.memory_space<vmem>>, vector<1x16xf32>,
        %get3A_775 = vector.shape_cast %get3A_774 : vector<1x16xf32> to vector<16xf32>
        %mul3A_776 = arith.mulf %get3A_771, %get3A_775 : vector<16xf32>
        %add3A_777 = arith.addf %mul3A_713, %mul3A_722 : vector<16xf32>
        %broadcast_in_dim3A_778 = vector.shape_cast %xor3A_6 : vector<16xi32> to vector<16x1xi32>
        %gather3A_779 = vector.shape_cast %broadcast_in_dim3A_778 : vector<16x1xi32> to vector<16xi32>
        %gather3A_780 = tpu.dynamic_gather %add3A_777[%gather3A_779] in [0] : vector<16xf32>, vector<16xi32> -> vector<16xf32>
        %add3A_781 = arith.addf %add3A_777, %gather3A_780 : vector<16xf32>
        %broadcast_in_dim3A_782 = vector.shape_cast %xor3A_9 : vector<16xi32> to vector<16x1xi32>
        %gather3A_783 = vector.shape_cast %broadcast_in_dim3A_782 : vector<16x1xi32> to vector<16xi32>
        %gather3A_784 = tpu.dynamic_gather %add3A_781[%gather3A_783] in [0] : vector<16xf32>, vector<16xi32> -> vector<16xf32>
        %add3A_785 = arith.addf %add3A_781, %gather3A_784 : vector<16xf32>
        %add3A_786 = arith.addf %mul3A_731, %mul3A_740 : vector<16xf32>
        %broadcast_in_dim3A_787 = vector.shape_cast %xor3A_6 : vector<16xi32> to vector<16x1xi32>
        %gather3A_788 = vector.shape_cast %broadcast_in_dim3A_787 : vector<16x1xi32> to vector<16xi32>
        %gather3A_789 = tpu.dynamic_gather %add3A_786[%gather3A_788] in [0] : vector<16xf32>, vector<16xi32> -> vector<16xf32>
        %add3A_790 = arith.addf %add3A_786, %gather3A_789 : vector<16xf32>
        %broadcast_in_dim3A_791 = vector.shape_cast %xor3A_9 : vector<16xi32> to vector<16x1xi32>
        %gather3A_792 = vector.shape_cast %broadcast_in_dim3A_791 : vector<16x1xi32> to vector<16xi32>
        %gather3A_793 = tpu.dynamic_gather %add3A_790[%gather3A_792] in [0] : vector<16xf32>, vector<16xi32> -> vector<16xf32>
        %add3A_794 = arith.addf %add3A_790, %gather3A_793 : vector<16xf32>
        %add3A_795 = arith.addf %mul3A_749, %mul3A_758 : vector<16xf32>
        %broadcast_in_dim3A_796 = vector.shape_cast %xor3A_6 : vector<16xi32> to vector<16x1xi32>
        %gather3A_797 = vector.shape_cast %broadcast_in_dim3A_796 : vector<16x1xi32> to vector<16xi32>
        %gather3A_798 = tpu.dynamic_gather %add3A_795[%gather3A_797] in [0] : vector<16xf32>, vector<16xi32> -> vector<16xf32>
        %add3A_799 = arith.addf %add3A_795, %gather3A_798 : vector<16xf32>
        %broadcast_in_dim3A_800 = vector.shape_cast %xor3A_9 : vector<16xi32> to vector<16x1xi32>
        %gather3A_801 = vector.shape_cast %broadcast_in_dim3A_800 : vector<16x1xi32> to vector<16xi32>
        %gather3A_802 = tpu.dynamic_gather %add3A_799[%gather3A_801] in [0] : vector<16xf32>, vector<16xi32> -> vector<16xf32>
        %add3A_803 = arith.addf %add3A_799, %gather3A_802 : vector<16xf32>
        %add3A_804 = arith.addf %mul3A_767, %mul3A_776 : vector<16xf32>
        %broadcast_in_dim3A_805 = vector.shape_cast %xor3A_6 : vector<16xi32> to vector<16x1xi32>
        %gather3A_806 = vector.shape_cast %broadcast_in_dim3A_805 : vector<16x1xi32> to vector<16xi32>
        %gather3A_807 = tpu.dynamic_gather %add3A_804[%gather3A_806] in [0] : vector<16xf32>, vector<16xi32> -> vector<16xf32>
        %add3A_808 = arith.addf %add3A_804, %gather3A_807 : vector<16xf32>
        %broadcast_in_dim3A_809 = vector.shape_cast %xor3A_9 : vector<16xi32> to vector<16x1xi32>
        %gather3A_810 = vector.shape_cast %broadcast_in_dim3A_809 : vector<16x1xi32> to vector<16xi32>
        %gather3A_811 = tpu.dynamic_gather %add3A_808[%gather3A_810] in [0] : vector<16xf32>, vector<16xi32> -> vector<16xf32>
        %add3A_812 = arith.addf %add3A_808, %gather3A_811 : vector<16xf32>
        %select_n3A_813 = arith.select %eq3A_25, %add3A_803, %add3A_812 : vector<16xi1>, vector<16xf32>
        %select_n3A_814 = arith.select %eq3A_22, %add3A_794, %select_n3A_813 : vector<16xi1>, vector<16xf32>
        %select_n3A_815 = arith.select %eq3A_19, %add3A_785, %select_n3A_814 : vector<16xi1>, vector<16xf32>
        %broadcast_in_dim3A_816 = vector.shape_cast %xor3A_12 : vector<16xi32> to vector<16x1xi32>
        %gather3A_817 = vector.shape_cast %broadcast_in_dim3A_816 : vector<16x1xi32> to vector<16xi32>
        %gather3A_818 = tpu.dynamic_gather %select_n3A_815[%gather3A_817] in [0] : vector<16xf32>, vector<16xi32> -> vector<16xf32>
        %add3A_819 = arith.addf %select_n3A_815, %gather3A_818 : vector<16xf32>
        %broadcast_in_dim3A_820 = vector.shape_cast %xor3A_15 : vector<16xi32> to vector<16x1xi32>
        %gather3A_821 = vector.shape_cast %broadcast_in_dim3A_820 : vector<16x1xi32> to vector<16xi32>
        %gather3A_822 = tpu.dynamic_gather %add3A_819[%gather3A_821] in [0] : vector<16xf32>, vector<16xi32> -> vector<16xf32>
        %add3A_823 = arith.addf %add3A_819, %gather3A_822 : vector<16xf32>
        %mul3A_824 = arith.constant 0.176776692 : f32
        %mul3A_825 = vector.broadcast %mul3A_824 : f32 to vector<16xf32>
        %mul3A_826 = arith.mulf %add3A_823, %mul3A_825 : vector<16xf32>
        %exp3A_827 = math.exp %mul3A_826 : vector<16xf32>
        %broadcast_in_dim3A_828 = vector.shape_cast %broadcast_in_dim3A_28 : vector<16xi32> to vector<16x1xi32>
        %gather3A_829 = vector.shape_cast %broadcast_in_dim3A_828 : vector<16x1xi32> to vector<16xi32>
        %gather3A_830 = tpu.dynamic_gather %exp3A_827[%gather3A_829] in [0] : vector<16xf32>, vector<16xi32> -> vector<16xf32>
        %broadcast_in_dim3A_831 = vector.shape_cast %broadcast_in_dim3A_30 : vector<16xi32> to vector<16x1xi32>
        %gather3A_832 = vector.shape_cast %broadcast_in_dim3A_831 : vector<16x1xi32> to vector<16xi32>
        %gather3A_833 = tpu.dynamic_gather %exp3A_827[%gather3A_832] in [0] : vector<16xf32>, vector<16xi32> -> vector<16xf32>
        %broadcast_in_dim3A_834 = vector.shape_cast %broadcast_in_dim3A_32 : vector<16xi32> to vector<16x1xi32>
        %gather3A_835 = vector.shape_cast %broadcast_in_dim3A_834 : vector<16x1xi32> to vector<16xi32>
        %gather3A_836 = tpu.dynamic_gather %exp3A_827[%gather3A_835] in [0] : vector<16xf32>, vector<16xi32> -> vector<16xf32>
        %broadcast_in_dim3A_837 = vector.shape_cast %broadcast_in_dim3A_34 : vector<16xi32> to vector<16x1xi32>
        %gather3A_838 = vector.shape_cast %broadcast_in_dim3A_837 : vector<16x1xi32> to vector<16xi32>
        %gather3A_839 = tpu.dynamic_gather %exp3A_827[%gather3A_838] in [0] : vector<16xf32>, vector<16xi32> -> vector<16xf32>
        %get3A_840 = arith.index_cast %scan3A_704 : i32 to index
        %get3A_841 = arith.constant 128 : index
        %get3A_842 = tpu.vector_load %arg13[%get3A_840, %get3A_841] {strides = array<i32>} : memref<40x256xf32, #tpu.memory_space<vmem>>, vector<1x16xf32>,
        %get3A_843 = vector.shape_cast %get3A_842 : vector<1x16xf32> to vector<16xf32>
        %mul3A_844 = arith.mulf %get3A_843, %gather3A_830 : vector<16xf32>
        %swap3A_845 = arith.index_cast %scan3A_704 : i32 to index
        %swap3A_846 = arith.constant 0 : index
        %swap3A_847 = tpu.vector_load %arg14[%swap3A_845, %swap3A_846] {strides = array<i32>} : memref<40x144xf32, #tpu.memory_space<vmem>>, vector<1x16xf32>,
        %swap3A_848 = vector.shape_cast %swap3A_847 : vector<1x16xf32> to vector<16xf32>
        %swap3A_849 = vector.shape_cast %mul3A_844 : vector<16xf32> to vector<1x16xf32>
        tpu.vector_store %arg14[%swap3A_845, %swap3A_846], %swap3A_849 {strides = array<i32>} : memref<40x144xf32, #tpu.memory_space<vmem>>, vector<1x16xf32>,
        %get3A_850 = arith.index_cast %scan3A_704 : i32 to index
        %get3A_851 = arith.constant 144 : index
        %get3A_852 = tpu.vector_load %arg13[%get3A_850, %get3A_851] {strides = array<i32>} : memref<40x256xf32, #tpu.memory_space<vmem>>, vector<1x16xf32>,
        %get3A_853 = vector.shape_cast %get3A_852 : vector<1x16xf32> to vector<16xf32>
        %mul3A_854 = arith.mulf %get3A_853, %gather3A_830 : vector<16xf32>
        %swap3A_855 = arith.index_cast %scan3A_704 : i32 to index
        %swap3A_856 = arith.constant 16 : index
        %swap3A_857 = tpu.vector_load %arg14[%swap3A_855, %swap3A_856] {strides = array<i32>} : memref<40x144xf32, #tpu.memory_space<vmem>>, vector<1x16xf32>,
        %swap3A_858 = vector.shape_cast %swap3A_857 : vector<1x16xf32> to vector<16xf32>
        %swap3A_859 = vector.shape_cast %mul3A_854 : vector<16xf32> to vector<1x16xf32>
        tpu.vector_store %arg14[%swap3A_855, %swap3A_856], %swap3A_859 {strides = array<i32>} : memref<40x144xf32, #tpu.memory_space<vmem>>, vector<1x16xf32>,
        %get3A_860 = arith.index_cast %scan3A_704 : i32 to index
        %get3A_861 = arith.constant 160 : index
        %get3A_862 = tpu.vector_load %arg13[%get3A_860, %get3A_861] {strides = array<i32>} : memref<40x256xf32, #tpu.memory_space<vmem>>, vector<1x16xf32>,
        %get3A_863 = vector.shape_cast %get3A_862 : vector<1x16xf32> to vector<16xf32>
        %mul3A_864 = arith.mulf %get3A_863, %gather3A_833 : vector<16xf32>
        %swap3A_865 = arith.index_cast %scan3A_704 : i32 to index
        %swap3A_866 = arith.constant 32 : index
        %swap3A_867 = tpu.vector_load %arg14[%swap3A_865, %swap3A_866] {strides = array<i32>} : memref<40x144xf32, #tpu.memory_space<vmem>>, vector<1x16xf32>,
        %swap3A_868 = vector.shape_cast %swap3A_867 : vector<1x16xf32> to vector<16xf32>
        %swap3A_869 = vector.shape_cast %mul3A_864 : vector<16xf32> to vector<1x16xf32>
        tpu.vector_store %arg14[%swap3A_865, %swap3A_866], %swap3A_869 {strides = array<i32>} : memref<40x144xf32, #tpu.memory_space<vmem>>, vector<1x16xf32>,
        %get3A_870 = arith.index_cast %scan3A_704 : i32 to index
        %get3A_871 = arith.constant 176 : index
        %get3A_872 = tpu.vector_load %arg13[%get3A_870, %get3A_871] {strides = array<i32>} : memref<40x256xf32, #tpu.memory_space<vmem>>, vector<1x16xf32>,
        %get3A_873 = vector.shape_cast %get3A_872 : vector<1x16xf32> to vector<16xf32>
        %mul3A_874 = arith.mulf %get3A_873, %gather3A_833 : vector<16xf32>
        %swap3A_875 = arith.index_cast %scan3A_704 : i32 to index
        %swap3A_876 = arith.constant 48 : index
        %swap3A_877 = tpu.vector_load %arg14[%swap3A_875, %swap3A_876] {strides = array<i32>} : memref<40x144xf32, #tpu.memory_space<vmem>>, vector<1x16xf32>,
        %swap3A_878 = vector.shape_cast %swap3A_877 : vector<1x16xf32> to vector<16xf32>
        %swap3A_879 = vector.shape_cast %mul3A_874 : vector<16xf32> to vector<1x16xf32>
        tpu.vector_store %arg14[%swap3A_875, %swap3A_876], %swap3A_879 {strides = array<i32>} : memref<40x144xf32, #tpu.memory_space<vmem>>, vector<1x16xf32>,
        %get3A_880 = arith.index_cast %scan3A_704 : i32 to index
        %get3A_881 = arith.constant 192 : index
        %get3A_882 = tpu.vector_load %arg13[%get3A_880, %get3A_881] {strides = array<i32>} : memref<40x256xf32, #tpu.memory_space<vmem>>, vector<1x16xf32>,
        %get3A_883 = vector.shape_cast %get3A_882 : vector<1x16xf32> to vector<16xf32>
        %mul3A_884 = arith.mulf %get3A_883, %gather3A_836 : vector<16xf32>
        %swap3A_885 = arith.index_cast %scan3A_704 : i32 to index
        %swap3A_886 = arith.constant 64 : index
        %swap3A_887 = tpu.vector_load %arg14[%swap3A_885, %swap3A_886] {strides = array<i32>} : memref<40x144xf32, #tpu.memory_space<vmem>>, vector<1x16xf32>,
        %swap3A_888 = vector.shape_cast %swap3A_887 : vector<1x16xf32> to vector<16xf32>
        %swap3A_889 = vector.shape_cast %mul3A_884 : vector<16xf32> to vector<1x16xf32>
        tpu.vector_store %arg14[%swap3A_885, %swap3A_886], %swap3A_889 {strides = array<i32>} : memref<40x144xf32, #tpu.memory_space<vmem>>, vector<1x16xf32>,
        %get3A_890 = arith.index_cast %scan3A_704 : i32 to index
        %get3A_891 = arith.constant 208 : index
        %get3A_892 = tpu.vector_load %arg13[%get3A_890, %get3A_891] {strides = array<i32>} : memref<40x256xf32, #tpu.memory_space<vmem>>, vector<1x16xf32>,
        %get3A_893 = vector.shape_cast %get3A_892 : vector<1x16xf32> to vector<16xf32>
        %mul3A_894 = arith.mulf %get3A_893, %gather3A_836 : vector<16xf32>
        %swap3A_895 = arith.index_cast %scan3A_704 : i32 to index
        %swap3A_896 = arith.constant 80 : index
        %swap3A_897 = tpu.vector_load %arg14[%swap3A_895, %swap3A_896] {strides = array<i32>} : memref<40x144xf32, #tpu.memory_space<vmem>>, vector<1x16xf32>,
        %swap3A_898 = vector.shape_cast %swap3A_897 : vector<1x16xf32> to vector<16xf32>
        %swap3A_899 = vector.shape_cast %mul3A_894 : vector<16xf32> to vector<1x16xf32>
        tpu.vector_store %arg14[%swap3A_895, %swap3A_896], %swap3A_899 {strides = array<i32>} : memref<40x144xf32, #tpu.memory_space<vmem>>, vector<1x16xf32>,
        %get3A_900 = arith.index_cast %scan3A_704 : i32 to index
        %get3A_901 = arith.constant 224 : index
        %get3A_902 = tpu.vector_load %arg13[%get3A_900, %get3A_901] {strides = array<i32>} : memref<40x256xf32, #tpu.memory_space<vmem>>, vector<1x16xf32>,
        %get3A_903 = vector.shape_cast %get3A_902 : vector<1x16xf32> to vector<16xf32>
        %mul3A_904 = arith.mulf %get3A_903, %gather3A_839 : vector<16xf32>
        %swap3A_905 = arith.index_cast %scan3A_704 : i32 to index
        %swap3A_906 = arith.constant 96 : index
        %swap3A_907 = tpu.vector_load %arg14[%swap3A_905, %swap3A_906] {strides = array<i32>} : memref<40x144xf32, #tpu.memory_space<vmem>>, vector<1x16xf32>,
        %swap3A_908 = vector.shape_cast %swap3A_907 : vector<1x16xf32> to vector<16xf32>
        %swap3A_909 = vector.shape_cast %mul3A_904 : vector<16xf32> to vector<1x16xf32>
        tpu.vector_store %arg14[%swap3A_905, %swap3A_906], %swap3A_909 {strides = array<i32>} : memref<40x144xf32, #tpu.memory_space<vmem>>, vector<1x16xf32>,
        %get3A_910 = arith.index_cast %scan3A_704 : i32 to index
        %get3A_911 = arith.constant 240 : index
        %get3A_912 = tpu.vector_load %arg13[%get3A_910, %get3A_911] {strides = array<i32>} : memref<40x256xf32, #tpu.memory_space<vmem>>, vector<1x16xf32>,
        %get3A_913 = vector.shape_cast %get3A_912 : vector<1x16xf32> to vector<16xf32>
        %mul3A_914 = arith.mulf %get3A_913, %gather3A_839 : vector<16xf32>
        %swap3A_915 = arith.index_cast %scan3A_704 : i32 to index
        %swap3A_916 = arith.constant 112 : index
        %swap3A_917 = tpu.vector_load %arg14[%swap3A_915, %swap3A_916] {strides = array<i32>} : memref<40x144xf32, #tpu.memory_space<vmem>>, vector<1x16xf32>,
        %swap3A_918 = vector.shape_cast %swap3A_917 : vector<1x16xf32> to vector<16xf32>
        %swap3A_919 = vector.shape_cast %mul3A_914 : vector<16xf32> to vector<1x16xf32>
        tpu.vector_store %arg14[%swap3A_915, %swap3A_916], %swap3A_919 {strides = array<i32>} : memref<40x144xf32, #tpu.memory_space<vmem>>, vector<1x16xf32>,
        %jit3A_920 = arith.constant 0.000000e+00 : f32
        %broadcast_in_dim3A_921 = vector.broadcast %jit3A_920 : f32 to vector<16xf32>
        %select_n3A_922 = arith.select %lt3A_27, %exp3A_827, %broadcast_in_dim3A_921 : vector<16xi1>, vector<16xf32>
        %swap3A_923 = arith.index_cast %scan3A_704 : i32 to index
        %swap3A_924 = arith.constant 128 : index
        %swap3A_925 = tpu.vector_load %arg14[%swap3A_923, %swap3A_924] {strides = array<i32>} : memref<40x144xf32, #tpu.memory_space<vmem>>, vector<1x16xf32>,
        %swap3A_926 = vector.shape_cast %swap3A_925 : vector<1x16xf32> to vector<16xf32>
        %swap3A_927 = vector.shape_cast %select_n3A_922 : vector<16xf32> to vector<1x16xf32>
        tpu.vector_store %arg14[%swap3A_923, %swap3A_924], %swap3A_927 {strides = array<i32>} : memref<40x144xf32, #tpu.memory_space<vmem>>, vector<1x16xf32>,
        %scan3A_928 = arith.constant 3 : i32
        %scan3A_929 = arith.addi %scan3A_260, %scan3A_928 : i32
        %get3A_930 = arith.index_cast %scan3A_929 : i32 to index
        %get3A_931 = arith.constant 0 : index
        %get3A_932 = tpu.vector_load %arg11[%get3A_930, %get3A_931] {strides = array<i32>} : memref<40x128xf32, #tpu.memory_space<vmem>>, vector<1x16xf32>,
        %get3A_933 = vector.shape_cast %get3A_932 : vector<1x16xf32> to vector<16xf32>
        %get3A_934 = arith.index_cast %scan3A_929 : i32 to index
        %get3A_935 = arith.constant 0 : index
        %get3A_936 = tpu.vector_load %arg13[%get3A_934, %get3A_935] {strides = array<i32>} : memref<40x256xf32, #tpu.memory_space<vmem>>, vector<1x16xf32>,
        %get3A_937 = vector.shape_cast %get3A_936 : vector<1x16xf32> to vector<16xf32>
        %mul3A_938 = arith.mulf %get3A_933, %get3A_937 : vector<16xf32>
        %get3A_939 = arith.index_cast %scan3A_929 : i32 to index
        %get3A_940 = arith.constant 16 : index
        %get3A_941 = tpu.vector_load %arg11[%get3A_939, %get3A_940] {strides = array<i32>} : memref<40x128xf32, #tpu.memory_space<vmem>>, vector<1x16xf32>,
        %get3A_942 = vector.shape_cast %get3A_941 : vector<1x16xf32> to vector<16xf32>
        %get3A_943 = arith.index_cast %scan3A_929 : i32 to index
        %get3A_944 = arith.constant 16 : index
        %get3A_945 = tpu.vector_load %arg13[%get3A_943, %get3A_944] {strides = array<i32>} : memref<40x256xf32, #tpu.memory_space<vmem>>, vector<1x16xf32>,
        %get3A_946 = vector.shape_cast %get3A_945 : vector<1x16xf32> to vector<16xf32>
        %mul3A_947 = arith.mulf %get3A_942, %get3A_946 : vector<16xf32>
        %get3A_948 = arith.index_cast %scan3A_929 : i32 to index
        %get3A_949 = arith.constant 32 : index
        %get3A_950 = tpu.vector_load %arg11[%get3A_948, %get3A_949] {strides = array<i32>} : memref<40x128xf32, #tpu.memory_space<vmem>>, vector<1x16xf32>,
        %get3A_951 = vector.shape_cast %get3A_950 : vector<1x16xf32> to vector<16xf32>
        %get3A_952 = arith.index_cast %scan3A_929 : i32 to index
        %get3A_953 = arith.constant 32 : index
        %get3A_954 = tpu.vector_load %arg13[%get3A_952, %get3A_953] {strides = array<i32>} : memref<40x256xf32, #tpu.memory_space<vmem>>, vector<1x16xf32>,
        %get3A_955 = vector.shape_cast %get3A_954 : vector<1x16xf32> to vector<16xf32>
        %mul3A_956 = arith.mulf %get3A_951, %get3A_955 : vector<16xf32>
        %get3A_957 = arith.index_cast %scan3A_929 : i32 to index
        %get3A_958 = arith.constant 48 : index
        %get3A_959 = tpu.vector_load %arg11[%get3A_957, %get3A_958] {strides = array<i32>} : memref<40x128xf32, #tpu.memory_space<vmem>>, vector<1x16xf32>,
        %get3A_960 = vector.shape_cast %get3A_959 : vector<1x16xf32> to vector<16xf32>
        %get3A_961 = arith.index_cast %scan3A_929 : i32 to index
        %get3A_962 = arith.constant 48 : index
        %get3A_963 = tpu.vector_load %arg13[%get3A_961, %get3A_962] {strides = array<i32>} : memref<40x256xf32, #tpu.memory_space<vmem>>, vector<1x16xf32>,
        %get3A_964 = vector.shape_cast %get3A_963 : vector<1x16xf32> to vector<16xf32>
        %mul3A_965 = arith.mulf %get3A_960, %get3A_964 : vector<16xf32>
        %get3A_966 = arith.index_cast %scan3A_929 : i32 to index
        %get3A_967 = arith.constant 64 : index
        %get3A_968 = tpu.vector_load %arg11[%get3A_966, %get3A_967] {strides = array<i32>} : memref<40x128xf32, #tpu.memory_space<vmem>>, vector<1x16xf32>,
        %get3A_969 = vector.shape_cast %get3A_968 : vector<1x16xf32> to vector<16xf32>
        %get3A_970 = arith.index_cast %scan3A_929 : i32 to index
        %get3A_971 = arith.constant 64 : index
        %get3A_972 = tpu.vector_load %arg13[%get3A_970, %get3A_971] {strides = array<i32>} : memref<40x256xf32, #tpu.memory_space<vmem>>, vector<1x16xf32>,
        %get3A_973 = vector.shape_cast %get3A_972 : vector<1x16xf32> to vector<16xf32>
        %mul3A_974 = arith.mulf %get3A_969, %get3A_973 : vector<16xf32>
        %get3A_975 = arith.index_cast %scan3A_929 : i32 to index
        %get3A_976 = arith.constant 80 : index
        %get3A_977 = tpu.vector_load %arg11[%get3A_975, %get3A_976] {strides = array<i32>} : memref<40x128xf32, #tpu.memory_space<vmem>>, vector<1x16xf32>,
        %get3A_978 = vector.shape_cast %get3A_977 : vector<1x16xf32> to vector<16xf32>
        %get3A_979 = arith.index_cast %scan3A_929 : i32 to index
        %get3A_980 = arith.constant 80 : index
        %get3A_981 = tpu.vector_load %arg13[%get3A_979, %get3A_980] {strides = array<i32>} : memref<40x256xf32, #tpu.memory_space<vmem>>, vector<1x16xf32>,
        %get3A_982 = vector.shape_cast %get3A_981 : vector<1x16xf32> to vector<16xf32>
        %mul3A_983 = arith.mulf %get3A_978, %get3A_982 : vector<16xf32>
        %get3A_984 = arith.index_cast %scan3A_929 : i32 to index
        %get3A_985 = arith.constant 96 : index
        %get3A_986 = tpu.vector_load %arg11[%get3A_984, %get3A_985] {strides = array<i32>} : memref<40x128xf32, #tpu.memory_space<vmem>>, vector<1x16xf32>,
        %get3A_987 = vector.shape_cast %get3A_986 : vector<1x16xf32> to vector<16xf32>
        %get3A_988 = arith.index_cast %scan3A_929 : i32 to index
        %get3A_989 = arith.constant 96 : index
        %get3A_990 = tpu.vector_load %arg13[%get3A_988, %get3A_989] {strides = array<i32>} : memref<40x256xf32, #tpu.memory_space<vmem>>, vector<1x16xf32>,
        %get3A_991 = vector.shape_cast %get3A_990 : vector<1x16xf32> to vector<16xf32>
        %mul3A_992 = arith.mulf %get3A_987, %get3A_991 : vector<16xf32>
        %get3A_993 = arith.index_cast %scan3A_929 : i32 to index
        %get3A_994 = arith.constant 112 : index
        %get3A_995 = tpu.vector_load %arg11[%get3A_993, %get3A_994] {strides = array<i32>} : memref<40x128xf32, #tpu.memory_space<vmem>>, vector<1x16xf32>,
        %get3A_996 = vector.shape_cast %get3A_995 : vector<1x16xf32> to vector<16xf32>
        %get3A_997 = arith.index_cast %scan3A_929 : i32 to index
        %get3A_998 = arith.constant 112 : index
        %get3A_999 = tpu.vector_load %arg13[%get3A_997, %get3A_998] {strides = array<i32>} : memref<40x256xf32, #tpu.memory_space<vmem>>, vector<1x16xf32>,
        %get3A_1000 = vector.shape_cast %get3A_999 : vector<1x16xf32> to vector<16xf32>
        %mul3A_1001 = arith.mulf %get3A_996, %get3A_1000 : vector<16xf32>
        %add3A_1002 = arith.addf %mul3A_938, %mul3A_947 : vector<16xf32>
        %broadcast_in_dim3A_1003 = vector.shape_cast %xor3A_6 : vector<16xi32> to vector<16x1xi32>
        %gather3A_1004 = vector.shape_cast %broadcast_in_dim3A_1003 : vector<16x1xi32> to vector<16xi32>
        %gather3A_1005 = tpu.dynamic_gather %add3A_1002[%gather3A_1004] in [0] : vector<16xf32>, vector<16xi32> -> vector<16xf32>
        %add3A_1006 = arith.addf %add3A_1002, %gather3A_1005 : vector<16xf32>
        %broadcast_in_dim3A_1007 = vector.shape_cast %xor3A_9 : vector<16xi32> to vector<16x1xi32>
        %gather3A_1008 = vector.shape_cast %broadcast_in_dim3A_1007 : vector<16x1xi32> to vector<16xi32>
        %gather3A_1009 = tpu.dynamic_gather %add3A_1006[%gather3A_1008] in [0] : vector<16xf32>, vector<16xi32> -> vector<16xf32>
        %add3A_1010 = arith.addf %add3A_1006, %gather3A_1009 : vector<16xf32>
        %add3A_1011 = arith.addf %mul3A_956, %mul3A_965 : vector<16xf32>
        %broadcast_in_dim3A_1012 = vector.shape_cast %xor3A_6 : vector<16xi32> to vector<16x1xi32>
        %gather3A_1013 = vector.shape_cast %broadcast_in_dim3A_1012 : vector<16x1xi32> to vector<16xi32>
        %gather3A_1014 = tpu.dynamic_gather %add3A_1011[%gather3A_1013] in [0] : vector<16xf32>, vector<16xi32> -> vector<16xf32>
        %add3A_1015 = arith.addf %add3A_1011, %gather3A_1014 : vector<16xf32>
        %broadcast_in_dim3A_1016 = vector.shape_cast %xor3A_9 : vector<16xi32> to vector<16x1xi32>
        %gather3A_1017 = vector.shape_cast %broadcast_in_dim3A_1016 : vector<16x1xi32> to vector<16xi32>
        %gather3A_1018 = tpu.dynamic_gather %add3A_1015[%gather3A_1017] in [0] : vector<16xf32>, vector<16xi32> -> vector<16xf32>
        %add3A_1019 = arith.addf %add3A_1015, %gather3A_1018 : vector<16xf32>
        %add3A_1020 = arith.addf %mul3A_974, %mul3A_983 : vector<16xf32>
        %broadcast_in_dim3A_1021 = vector.shape_cast %xor3A_6 : vector<16xi32> to vector<16x1xi32>
        %gather3A_1022 = vector.shape_cast %broadcast_in_dim3A_1021 : vector<16x1xi32> to vector<16xi32>
        %gather3A_1023 = tpu.dynamic_gather %add3A_1020[%gather3A_1022] in [0] : vector<16xf32>, vector<16xi32> -> vector<16xf32>
        %add3A_1024 = arith.addf %add3A_1020, %gather3A_1023 : vector<16xf32>
        %broadcast_in_dim3A_1025 = vector.shape_cast %xor3A_9 : vector<16xi32> to vector<16x1xi32>
        %gather3A_1026 = vector.shape_cast %broadcast_in_dim3A_1025 : vector<16x1xi32> to vector<16xi32>
        %gather3A_1027 = tpu.dynamic_gather %add3A_1024[%gather3A_1026] in [0] : vector<16xf32>, vector<16xi32> -> vector<16xf32>
        %add3A_1028 = arith.addf %add3A_1024, %gather3A_1027 : vector<16xf32>
        %add3A_1029 = arith.addf %mul3A_992, %mul3A_1001 : vector<16xf32>
        %broadcast_in_dim3A_1030 = vector.shape_cast %xor3A_6 : vector<16xi32> to vector<16x1xi32>
        %gather3A_1031 = vector.shape_cast %broadcast_in_dim3A_1030 : vector<16x1xi32> to vector<16xi32>
        %gather3A_1032 = tpu.dynamic_gather %add3A_1029[%gather3A_1031] in [0] : vector<16xf32>, vector<16xi32> -> vector<16xf32>
        %add3A_1033 = arith.addf %add3A_1029, %gather3A_1032 : vector<16xf32>
        %broadcast_in_dim3A_1034 = vector.shape_cast %xor3A_9 : vector<16xi32> to vector<16x1xi32>
        %gather3A_1035 = vector.shape_cast %broadcast_in_dim3A_1034 : vector<16x1xi32> to vector<16xi32>
        %gather3A_1036 = tpu.dynamic_gather %add3A_1033[%gather3A_1035] in [0] : vector<16xf32>, vector<16xi32> -> vector<16xf32>
        %add3A_1037 = arith.addf %add3A_1033, %gather3A_1036 : vector<16xf32>
        %select_n3A_1038 = arith.select %eq3A_25, %add3A_1028, %add3A_1037 : vector<16xi1>, vector<16xf32>
        %select_n3A_1039 = arith.select %eq3A_22, %add3A_1019, %select_n3A_1038 : vector<16xi1>, vector<16xf32>
        %select_n3A_1040 = arith.select %eq3A_19, %add3A_1010, %select_n3A_1039 : vector<16xi1>, vector<16xf32>
        %broadcast_in_dim3A_1041 = vector.shape_cast %xor3A_12 : vector<16xi32> to vector<16x1xi32>
        %gather3A_1042 = vector.shape_cast %broadcast_in_dim3A_1041 : vector<16x1xi32> to vector<16xi32>
        %gather3A_1043 = tpu.dynamic_gather %select_n3A_1040[%gather3A_1042] in [0] : vector<16xf32>, vector<16xi32> -> vector<16xf32>
        %add3A_1044 = arith.addf %select_n3A_1040, %gather3A_1043 : vector<16xf32>
        %broadcast_in_dim3A_1045 = vector.shape_cast %xor3A_15 : vector<16xi32> to vector<16x1xi32>
        %gather3A_1046 = vector.shape_cast %broadcast_in_dim3A_1045 : vector<16x1xi32> to vector<16xi32>
        %gather3A_1047 = tpu.dynamic_gather %add3A_1044[%gather3A_1046] in [0] : vector<16xf32>, vector<16xi32> -> vector<16xf32>
        %add3A_1048 = arith.addf %add3A_1044, %gather3A_1047 : vector<16xf32>
        %mul3A_1049 = arith.constant 0.176776692 : f32
        %mul3A_1050 = vector.broadcast %mul3A_1049 : f32 to vector<16xf32>
        %mul3A_1051 = arith.mulf %add3A_1048, %mul3A_1050 : vector<16xf32>
        %exp3A_1052 = math.exp %mul3A_1051 : vector<16xf32>
        %broadcast_in_dim3A_1053 = vector.shape_cast %broadcast_in_dim3A_28 : vector<16xi32> to vector<16x1xi32>
        %gather3A_1054 = vector.shape_cast %broadcast_in_dim3A_1053 : vector<16x1xi32> to vector<16xi32>
        %gather3A_1055 = tpu.dynamic_gather %exp3A_1052[%gather3A_1054] in [0] : vector<16xf32>, vector<16xi32> -> vector<16xf32>
        %broadcast_in_dim3A_1056 = vector.shape_cast %broadcast_in_dim3A_30 : vector<16xi32> to vector<16x1xi32>
        %gather3A_1057 = vector.shape_cast %broadcast_in_dim3A_1056 : vector<16x1xi32> to vector<16xi32>
        %gather3A_1058 = tpu.dynamic_gather %exp3A_1052[%gather3A_1057] in [0] : vector<16xf32>, vector<16xi32> -> vector<16xf32>
        %broadcast_in_dim3A_1059 = vector.shape_cast %broadcast_in_dim3A_32 : vector<16xi32> to vector<16x1xi32>
        %gather3A_1060 = vector.shape_cast %broadcast_in_dim3A_1059 : vector<16x1xi32> to vector<16xi32>
        %gather3A_1061 = tpu.dynamic_gather %exp3A_1052[%gather3A_1060] in [0] : vector<16xf32>, vector<16xi32> -> vector<16xf32>
        %broadcast_in_dim3A_1062 = vector.shape_cast %broadcast_in_dim3A_34 : vector<16xi32> to vector<16x1xi32>
        %gather3A_1063 = vector.shape_cast %broadcast_in_dim3A_1062 : vector<16x1xi32> to vector<16xi32>
        %gather3A_1064 = tpu.dynamic_gather %exp3A_1052[%gather3A_1063] in [0] : vector<16xf32>, vector<16xi32> -> vector<16xf32>
        %get3A_1065 = arith.index_cast %scan3A_929 : i32 to index
        %get3A_1066 = arith.constant 128 : index
        %get3A_1067 = tpu.vector_load %arg13[%get3A_1065, %get3A_1066] {strides = array<i32>} : memref<40x256xf32, #tpu.memory_space<vmem>>, vector<1x16xf32>,
        %get3A_1068 = vector.shape_cast %get3A_1067 : vector<1x16xf32> to vector<16xf32>
        %mul3A_1069 = arith.mulf %get3A_1068, %gather3A_1055 : vector<16xf32>
        %swap3A_1070 = arith.index_cast %scan3A_929 : i32 to index
        %swap3A_1071 = arith.constant 0 : index
        %swap3A_1072 = tpu.vector_load %arg14[%swap3A_1070, %swap3A_1071] {strides = array<i32>} : memref<40x144xf32, #tpu.memory_space<vmem>>, vector<1x16xf32>,
        %swap3A_1073 = vector.shape_cast %swap3A_1072 : vector<1x16xf32> to vector<16xf32>
        %swap3A_1074 = vector.shape_cast %mul3A_1069 : vector<16xf32> to vector<1x16xf32>
        tpu.vector_store %arg14[%swap3A_1070, %swap3A_1071], %swap3A_1074 {strides = array<i32>} : memref<40x144xf32, #tpu.memory_space<vmem>>, vector<1x16xf32>,
        %get3A_1075 = arith.index_cast %scan3A_929 : i32 to index
        %get3A_1076 = arith.constant 144 : index
        %get3A_1077 = tpu.vector_load %arg13[%get3A_1075, %get3A_1076] {strides = array<i32>} : memref<40x256xf32, #tpu.memory_space<vmem>>, vector<1x16xf32>,
        %get3A_1078 = vector.shape_cast %get3A_1077 : vector<1x16xf32> to vector<16xf32>
        %mul3A_1079 = arith.mulf %get3A_1078, %gather3A_1055 : vector<16xf32>
        %swap3A_1080 = arith.index_cast %scan3A_929 : i32 to index
        %swap3A_1081 = arith.constant 16 : index
        %swap3A_1082 = tpu.vector_load %arg14[%swap3A_1080, %swap3A_1081] {strides = array<i32>} : memref<40x144xf32, #tpu.memory_space<vmem>>, vector<1x16xf32>,
        %swap3A_1083 = vector.shape_cast %swap3A_1082 : vector<1x16xf32> to vector<16xf32>
        %swap3A_1084 = vector.shape_cast %mul3A_1079 : vector<16xf32> to vector<1x16xf32>
        tpu.vector_store %arg14[%swap3A_1080, %swap3A_1081], %swap3A_1084 {strides = array<i32>} : memref<40x144xf32, #tpu.memory_space<vmem>>, vector<1x16xf32>,
        %get3A_1085 = arith.index_cast %scan3A_929 : i32 to index
        %get3A_1086 = arith.constant 160 : index
        %get3A_1087 = tpu.vector_load %arg13[%get3A_1085, %get3A_1086] {strides = array<i32>} : memref<40x256xf32, #tpu.memory_space<vmem>>, vector<1x16xf32>,
        %get3A_1088 = vector.shape_cast %get3A_1087 : vector<1x16xf32> to vector<16xf32>
        %mul3A_1089 = arith.mulf %get3A_1088, %gather3A_1058 : vector<16xf32>
        %swap3A_1090 = arith.index_cast %scan3A_929 : i32 to index
        %swap3A_1091 = arith.constant 32 : index
        %swap3A_1092 = tpu.vector_load %arg14[%swap3A_1090, %swap3A_1091] {strides = array<i32>} : memref<40x144xf32, #tpu.memory_space<vmem>>, vector<1x16xf32>,
        %swap3A_1093 = vector.shape_cast %swap3A_1092 : vector<1x16xf32> to vector<16xf32>
        %swap3A_1094 = vector.shape_cast %mul3A_1089 : vector<16xf32> to vector<1x16xf32>
        tpu.vector_store %arg14[%swap3A_1090, %swap3A_1091], %swap3A_1094 {strides = array<i32>} : memref<40x144xf32, #tpu.memory_space<vmem>>, vector<1x16xf32>,
        %get3A_1095 = arith.index_cast %scan3A_929 : i32 to index
        %get3A_1096 = arith.constant 176 : index
        %get3A_1097 = tpu.vector_load %arg13[%get3A_1095, %get3A_1096] {strides = array<i32>} : memref<40x256xf32, #tpu.memory_space<vmem>>, vector<1x16xf32>,
        %get3A_1098 = vector.shape_cast %get3A_1097 : vector<1x16xf32> to vector<16xf32>
        %mul3A_1099 = arith.mulf %get3A_1098, %gather3A_1058 : vector<16xf32>
        %swap3A_1100 = arith.index_cast %scan3A_929 : i32 to index
        %swap3A_1101 = arith.constant 48 : index
        %swap3A_1102 = tpu.vector_load %arg14[%swap3A_1100, %swap3A_1101] {strides = array<i32>} : memref<40x144xf32, #tpu.memory_space<vmem>>, vector<1x16xf32>,
        %swap3A_1103 = vector.shape_cast %swap3A_1102 : vector<1x16xf32> to vector<16xf32>
        %swap3A_1104 = vector.shape_cast %mul3A_1099 : vector<16xf32> to vector<1x16xf32>
        tpu.vector_store %arg14[%swap3A_1100, %swap3A_1101], %swap3A_1104 {strides = array<i32>} : memref<40x144xf32, #tpu.memory_space<vmem>>, vector<1x16xf32>,
        %get3A_1105 = arith.index_cast %scan3A_929 : i32 to index
        %get3A_1106 = arith.constant 192 : index
        %get3A_1107 = tpu.vector_load %arg13[%get3A_1105, %get3A_1106] {strides = array<i32>} : memref<40x256xf32, #tpu.memory_space<vmem>>, vector<1x16xf32>,
        %get3A_1108 = vector.shape_cast %get3A_1107 : vector<1x16xf32> to vector<16xf32>
        %mul3A_1109 = arith.mulf %get3A_1108, %gather3A_1061 : vector<16xf32>
        %swap3A_1110 = arith.index_cast %scan3A_929 : i32 to index
        %swap3A_1111 = arith.constant 64 : index
        %swap3A_1112 = tpu.vector_load %arg14[%swap3A_1110, %swap3A_1111] {strides = array<i32>} : memref<40x144xf32, #tpu.memory_space<vmem>>, vector<1x16xf32>,
        %swap3A_1113 = vector.shape_cast %swap3A_1112 : vector<1x16xf32> to vector<16xf32>
        %swap3A_1114 = vector.shape_cast %mul3A_1109 : vector<16xf32> to vector<1x16xf32>
        tpu.vector_store %arg14[%swap3A_1110, %swap3A_1111], %swap3A_1114 {strides = array<i32>} : memref<40x144xf32, #tpu.memory_space<vmem>>, vector<1x16xf32>,
        %get3A_1115 = arith.index_cast %scan3A_929 : i32 to index
        %get3A_1116 = arith.constant 208 : index
        %get3A_1117 = tpu.vector_load %arg13[%get3A_1115, %get3A_1116] {strides = array<i32>} : memref<40x256xf32, #tpu.memory_space<vmem>>, vector<1x16xf32>,
        %get3A_1118 = vector.shape_cast %get3A_1117 : vector<1x16xf32> to vector<16xf32>
        %mul3A_1119 = arith.mulf %get3A_1118, %gather3A_1061 : vector<16xf32>
        %swap3A_1120 = arith.index_cast %scan3A_929 : i32 to index
        %swap3A_1121 = arith.constant 80 : index
        %swap3A_1122 = tpu.vector_load %arg14[%swap3A_1120, %swap3A_1121] {strides = array<i32>} : memref<40x144xf32, #tpu.memory_space<vmem>>, vector<1x16xf32>,
        %swap3A_1123 = vector.shape_cast %swap3A_1122 : vector<1x16xf32> to vector<16xf32>
        %swap3A_1124 = vector.shape_cast %mul3A_1119 : vector<16xf32> to vector<1x16xf32>
        tpu.vector_store %arg14[%swap3A_1120, %swap3A_1121], %swap3A_1124 {strides = array<i32>} : memref<40x144xf32, #tpu.memory_space<vmem>>, vector<1x16xf32>,
        %get3A_1125 = arith.index_cast %scan3A_929 : i32 to index
        %get3A_1126 = arith.constant 224 : index
        %get3A_1127 = tpu.vector_load %arg13[%get3A_1125, %get3A_1126] {strides = array<i32>} : memref<40x256xf32, #tpu.memory_space<vmem>>, vector<1x16xf32>,
        %get3A_1128 = vector.shape_cast %get3A_1127 : vector<1x16xf32> to vector<16xf32>
        %mul3A_1129 = arith.mulf %get3A_1128, %gather3A_1064 : vector<16xf32>
        %swap3A_1130 = arith.index_cast %scan3A_929 : i32 to index
        %swap3A_1131 = arith.constant 96 : index
        %swap3A_1132 = tpu.vector_load %arg14[%swap3A_1130, %swap3A_1131] {strides = array<i32>} : memref<40x144xf32, #tpu.memory_space<vmem>>, vector<1x16xf32>,
        %swap3A_1133 = vector.shape_cast %swap3A_1132 : vector<1x16xf32> to vector<16xf32>
        %swap3A_1134 = vector.shape_cast %mul3A_1129 : vector<16xf32> to vector<1x16xf32>
        tpu.vector_store %arg14[%swap3A_1130, %swap3A_1131], %swap3A_1134 {strides = array<i32>} : memref<40x144xf32, #tpu.memory_space<vmem>>, vector<1x16xf32>,
        %get3A_1135 = arith.index_cast %scan3A_929 : i32 to index
        %get3A_1136 = arith.constant 240 : index
        %get3A_1137 = tpu.vector_load %arg13[%get3A_1135, %get3A_1136] {strides = array<i32>} : memref<40x256xf32, #tpu.memory_space<vmem>>, vector<1x16xf32>,
        %get3A_1138 = vector.shape_cast %get3A_1137 : vector<1x16xf32> to vector<16xf32>
        %mul3A_1139 = arith.mulf %get3A_1138, %gather3A_1064 : vector<16xf32>
        %swap3A_1140 = arith.index_cast %scan3A_929 : i32 to index
        %swap3A_1141 = arith.constant 112 : index
        %swap3A_1142 = tpu.vector_load %arg14[%swap3A_1140, %swap3A_1141] {strides = array<i32>} : memref<40x144xf32, #tpu.memory_space<vmem>>, vector<1x16xf32>,
        %swap3A_1143 = vector.shape_cast %swap3A_1142 : vector<1x16xf32> to vector<16xf32>
        %swap3A_1144 = vector.shape_cast %mul3A_1139 : vector<16xf32> to vector<1x16xf32>
        tpu.vector_store %arg14[%swap3A_1140, %swap3A_1141], %swap3A_1144 {strides = array<i32>} : memref<40x144xf32, #tpu.memory_space<vmem>>, vector<1x16xf32>,
        %jit3A_1145 = arith.constant 0.000000e+00 : f32
        %broadcast_in_dim3A_1146 = vector.broadcast %jit3A_1145 : f32 to vector<16xf32>
        %select_n3A_1147 = arith.select %lt3A_27, %exp3A_1052, %broadcast_in_dim3A_1146 : vector<16xi1>, vector<16xf32>
        %swap3A_1148 = arith.index_cast %scan3A_929 : i32 to index
        %swap3A_1149 = arith.constant 128 : index
        %swap3A_1150 = tpu.vector_load %arg14[%swap3A_1148, %swap3A_1149] {strides = array<i32>} : memref<40x144xf32, #tpu.memory_space<vmem>>, vector<1x16xf32>,
        %swap3A_1151 = vector.shape_cast %swap3A_1150 : vector<1x16xf32> to vector<16xf32>
        %swap3A_1152 = vector.shape_cast %select_n3A_1147 : vector<16xf32> to vector<1x16xf32>
        tpu.vector_store %arg14[%swap3A_1148, %swap3A_1149], %swap3A_1152 {strides = array<i32>} : memref<40x144xf32, #tpu.memory_space<vmem>>, vector<1x16xf32>,
      }
      %scan3A_252 = arith.constant 40 : i32
      %dma_start3A_253 = arith.constant 1 : i32
      %dma_start3A_254 = arith.constant 0 : i32
      %dma_start3A_255 = tpu.memref_slice %arg9[%dma_start3A_253, %dma_start3A_254] : memref<2x40xi32, #tpu.memory_space<vmem>> -> memref<1x40xi32, #tpu.memory_space<vmem>>
      %dma_start3A_256 = tpu.memref_squeeze %dma_start3A_255 : memref<1x40xi32, #tpu.memory_space<vmem>> -> memref<40xi32, #tpu.memory_space<vmem>>
      %dma_start3A_257 = arith.constant 0 : i32
      %dma_start3A_258 = arith.constant 0 : i32
      %dma_start3A_259 = tpu.memref_slice %arg15[%dma_start3A_257, %dma_start3A_258] : memref<10240x144xf32, #tpu.memory_space<vmem_shared>> -> memref<10240x144xf32, #tpu.memory_space<vmem_shared>>
      tpu.enqueue_indirect_dma source(%arg14 : memref<40x144xf32, #tpu.memory_space<vmem>>) target(%dma_start3A_259 : memref<10240x144xf32, #tpu.memory_space<vmem_shared>>) offsets(%dma_start3A_256 : memref<40xi32, #tpu.memory_space<vmem>>) semaphore(%arg21 : memref<!tpu.dma_semaphore, #tpu.memory_space<semaphore_mem>>) {add = true}
    }
    %scan3A_53 = arith.constant 125 : i32
    %dma_wait3A = arith.constant 1 : i32
    %dma_wait3A_54 = arith.constant 0 : i32
    %dma_wait3A_55 = tpu.memref_slice %arg9[%dma_wait3A, %dma_wait3A_54] : memref<2x40xi32, #tpu.memory_space<vmem>> -> memref<1x40xi32, #tpu.memory_space<vmem>>
    %dma_wait3A_56 = tpu.memref_squeeze %dma_wait3A_55 : memref<1x40xi32, #tpu.memory_space<vmem>> -> memref<40xi32, #tpu.memory_space<vmem>>
    %dma_wait3A_57 = arith.constant 0 : i32
    %dma_wait3A_58 = arith.constant 0 : i32
    %dma_wait3A_59 = tpu.memref_slice %arg15[%dma_wait3A_57, %dma_wait3A_58] : memref<10240x144xf32, #tpu.memory_space<vmem_shared>> -> memref<10240x144xf32, #tpu.memory_space<vmem_shared>>
    tpu.wait_indirect_dma semaphore(%arg21 : memref<!tpu.dma_semaphore, #tpu.memory_space<semaphore_mem>>) src(%arg14 : memref<40x144xf32, #tpu.memory_space<vmem>>) dst(%dma_wait3A_59 : memref<10240x144xf32, #tpu.memory_space<vmem_shared>>)
    %dma_wait3A_60 = arith.constant 1 : i32
    %dma_wait3A_61 = arith.constant 0 : i32
    %dma_wait3A_62 = tpu.memref_slice %arg8[%dma_wait3A_60, %dma_wait3A_61] : memref<2x40xi32, #tpu.memory_space<vmem>> -> memref<1x40xi32, #tpu.memory_space<vmem>>
    %dma_wait3A_63 = tpu.memref_squeeze %dma_wait3A_62 : memref<1x40xi32, #tpu.memory_space<vmem>> -> memref<40xi32, #tpu.memory_space<vmem>>
    %dma_wait3A_64 = arith.constant 0 : i32
    %dma_wait3A_65 = arith.constant 0 : i32
    %dma_wait3A_66 = tpu.memref_slice %arg2[%dma_wait3A_64, %dma_wait3A_65] : memref<10000x128xf32, #tpu.memory_space<hbm>> -> memref<10000x128xf32, #tpu.memory_space<hbm>>
    tpu.wait_indirect_dma semaphore(%arg16 : memref<!tpu.dma_semaphore, #tpu.memory_space<semaphore_mem>>) src(%dma_wait3A_66 : memref<10000x128xf32, #tpu.memory_space<hbm>>) dst(%arg10 : memref<40x128xf32, #tpu.memory_space<vmem>>)
    %dma_wait3A_67 = arith.constant 0 : i32
    %dma_wait3A_68 = arith.constant 0 : i32
    %dma_wait3A_69 = tpu.memref_slice %arg8[%dma_wait3A_67, %dma_wait3A_68] : memref<2x40xi32, #tpu.memory_space<vmem>> -> memref<1x40xi32, #tpu.memory_space<vmem>>
    %dma_wait3A_70 = tpu.memref_squeeze %dma_wait3A_69 : memref<1x40xi32, #tpu.memory_space<vmem>> -> memref<40xi32, #tpu.memory_space<vmem>>
    %dma_wait3A_71 = arith.constant 0 : i32
    %dma_wait3A_72 = arith.constant 0 : i32
    %dma_wait3A_73 = tpu.memref_slice %arg3[%dma_wait3A_71, %dma_wait3A_72] : memref<10000x256xf32, #tpu.memory_space<hbm>> -> memref<10000x256xf32, #tpu.memory_space<hbm>>
    tpu.wait_indirect_dma semaphore(%arg18 : memref<!tpu.dma_semaphore, #tpu.memory_space<semaphore_mem>>) src(%dma_wait3A_73 : memref<10000x256xf32, #tpu.memory_space<hbm>>) dst(%arg12 : memref<40x256xf32, #tpu.memory_space<vmem>>)
    %barrier3A_74 = arith.constant 0 : index
    tpu.barrier barrier_id(%barrier3A_74)
    "tpu.region"() ({
      %run_scoped3A_75 = tpu.sem_alloc : memref<!tpu.dma_semaphore, #tpu.memory_space<semaphore_mem>>
      %dma_start3A_76 = arith.constant 0 : i32
      %dma_start3A_77 = tpu.memref_slice %arg7[%arg0, %mul3A_2, %dma_start3A_76] : memref<2x10240x144xf32, #tpu.memory_space<hbm>> -> memref<1x640x144xf32, #tpu.memory_space<hbm>>
      %dma_start3A_78 = tpu.memref_squeeze %dma_start3A_77 : memref<1x640x144xf32, #tpu.memory_space<hbm>> -> memref<640x144xf32, #tpu.memory_space<hbm>>
      %dma_start3A_79 = arith.constant 0 : i32
      %dma_start3A_80 = tpu.memref_slice %arg15[%mul3A_2, %dma_start3A_79] : memref<10240x144xf32, #tpu.memory_space<vmem_shared>> -> memref<640x144xf32, #tpu.memory_space<vmem_shared>>
      tpu.enqueue_dma source(%dma_start3A_80 : memref<640x144xf32, #tpu.memory_space<vmem_shared>>) target(%dma_start3A_78 : memref<640x144xf32, #tpu.memory_space<hbm>>) target_semaphore(%run_scoped3A_75 : memref<!tpu.dma_semaphore, #tpu.memory_space<semaphore_mem>>)
      %dma_wait3A_81 = arith.constant 0 : i32
      %dma_wait3A_82 = tpu.memref_slice %arg7[%arg0, %mul3A_2, %dma_wait3A_81] : memref<2x10240x144xf32, #tpu.memory_space<hbm>> -> memref<1x640x144xf32, #tpu.memory_space<hbm>>
      %dma_wait3A_83 = tpu.memref_squeeze %dma_wait3A_82 : memref<1x640x144xf32, #tpu.memory_space<hbm>> -> memref<640x144xf32, #tpu.memory_space<hbm>>
      %dma_wait3A_84 = arith.constant 0 : i32
      %dma_wait3A_85 = tpu.memref_slice %arg15[%mul3A_2, %dma_wait3A_84] : memref<10240x144xf32, #tpu.memory_space<vmem_shared>> -> memref<640x144xf32, #tpu.memory_space<vmem_shared>>
      tpu.wait_dma2 semaphore(%run_scoped3A_75 : memref<!tpu.dma_semaphore, #tpu.memory_space<semaphore_mem>>) src(%dma_wait3A_85 : memref<640x144xf32, #tpu.memory_space<vmem_shared>>) dst(%dma_wait3A_83 : memref<640x144xf32, #tpu.memory_space<hbm>>)
      tpu.yield
    }) : () -> ()
    return
  }
}

module attributes {stable_mosaic.version = 14 : i64} {
  func.func @_qkv_body(%arg0: i32, %arg1: memref<1000x128xf32, #tpu.memory_space<vmem>>, %arg2: memref<1x128xf32, #tpu.memory_space<vmem>>, %arg3: memref<1x128xf32, #tpu.memory_space<vmem>>, %arg4: memref<128x128xf32, #tpu.memory_space<vmem>>, %arg5: memref<128x256xf32, #tpu.memory_space<vmem>>, %arg6: memref<1000x128xf32, #tpu.memory_space<vmem>>, %arg7: memref<1000x256xf32, #tpu.memory_space<vmem>>) attributes {dimension_semantics = [#tpu.dimension_semantics<arbitrary>], iteration_bounds = array<i64: 10>, scalar_prefetch = 0 : i64, scratch_operands = 0 : i64, tpu.core_type = #tpu.core_type<tc>, window_params = [{transform_indices = @transform_0, window_bounds = array<i64: 1000, 128>}, {pipeline_mode = #tpu.pipeline_mode<synchronous>, transform_indices = @transform_1, window_bounds = array<i64: 1, 128>}, {pipeline_mode = #tpu.pipeline_mode<synchronous>, transform_indices = @transform_2, window_bounds = array<i64: 1, 128>}, {pipeline_mode = #tpu.pipeline_mode<synchronous>, transform_indices = @transform_3, window_bounds = array<i64: 128, 128>}, {pipeline_mode = #tpu.pipeline_mode<synchronous>, transform_indices = @transform_4, window_bounds = array<i64: 128, 256>}, {transform_indices = @transform_5, window_bounds = array<i64: 1000, 128>}, {transform_indices = @transform_6, window_bounds = array<i64: 1000, 256>}]} {
    %get3A = arith.constant 0 : index
    %get3A_0 = arith.constant 0 : index
    %get3A_1 = vector.load %arg1[%get3A, %get3A_0] : memref<1000x128xf32, #tpu.memory_space<vmem>>, vector<1000x128xf32>
    %reduce_sum3A = arith.constant dense<0.000000e+00> : vector<1000xf32>
    %reduce_sum3A_2 = vector.multi_reduction <add>, %get3A_1, %reduce_sum3A [1] : vector<1000x128xf32> to vector<1000xf32>
    %broadcast_in_dim3A = vector.shape_cast %reduce_sum3A_2 : vector<1000xf32> to vector<1000x1xf32>
    %div3A = arith.constant 1.280000e+02 : f32
    %div3A_3 = vector.broadcast %div3A : f32 to vector<1000x1xf32>
    %div3A_4 = arith.divf %broadcast_in_dim3A, %div3A_3 : vector<1000x1xf32>
    %jit3A = arith.constant 0 : i32
    %reduce_sum3A_5 = arith.constant dense<0.000000e+00> : vector<1000xf32>
    %reduce_sum3A_6 = vector.multi_reduction <add>, %get3A_1, %reduce_sum3A_5 [1] : vector<1000x128xf32> to vector<1000xf32>
    %broadcast_in_dim3A_7 = vector.shape_cast %reduce_sum3A_6 : vector<1000xf32> to vector<1000x1xf32>
    %div3A_8 = arith.constant 1.280000e+02 : f32
    %div3A_9 = vector.broadcast %div3A_8 : f32 to vector<1000x1xf32>
    %div3A_10 = arith.divf %broadcast_in_dim3A_7, %div3A_9 : vector<1000x1xf32>
    %sub3A = vector.broadcast %div3A_10 : vector<1000x1xf32> to vector<1000x128xf32>
    %sub3A_11 = arith.subf %get3A_1, %sub3A : vector<1000x128xf32>
    %square3A = arith.mulf %sub3A_11, %sub3A_11 : vector<1000x128xf32>
    %convert_element_type3A = arith.sitofp %jit3A : i32 to f32
    %sub3A_12 = arith.constant 1.280000e+02 : f32
    %sub3A_13 = arith.subf %sub3A_12, %convert_element_type3A : f32
    %reduce_sum3A_14 = arith.constant dense<0.000000e+00> : vector<1000xf32>
    %reduce_sum3A_15 = vector.multi_reduction <add>, %square3A, %reduce_sum3A_14 [1] : vector<1000x128xf32> to vector<1000xf32>
    %broadcast_in_dim3A_16 = vector.shape_cast %reduce_sum3A_15 : vector<1000xf32> to vector<1000x1xf32>
    %div3A_17 = vector.broadcast %sub3A_13 : f32 to vector<1000x1xf32>
    %div3A_18 = arith.divf %broadcast_in_dim3A_16, %div3A_17 : vector<1000x1xf32>
    %gt3A = arith.constant 0.000000e+00 : f32
    %gt3A_19 = arith.cmpf ogt, %sub3A_13, %gt3A : f32
    %jit3A_20 = arith.constant 0x7FC00000 : f32
    %broadcast_in_dim3A_21 = vector.broadcast %jit3A_20 : f32 to vector<1000x1xf32>
    %select_n3A = arith.select %gt3A_19, %div3A_18, %broadcast_in_dim3A_21 : vector<1000x1xf32>
    %sub3A_22 = vector.broadcast %div3A_4 : vector<1000x1xf32> to vector<1000x128xf32>
    %sub3A_23 = arith.subf %get3A_1, %sub3A_22 : vector<1000x128xf32>
    %add3A = arith.constant 9.99999997E-7 : f32
    %add3A_24 = vector.broadcast %add3A : f32 to vector<1000x1xf32>
    %add3A_25 = arith.addf %select_n3A, %add3A_24 : vector<1000x1xf32>
    %sqrt3A = math.sqrt %add3A_25 : vector<1000x1xf32>
    %div3A_26 = vector.broadcast %sqrt3A : vector<1000x1xf32> to vector<1000x128xf32>
    %div3A_27 = arith.divf %sub3A_23, %div3A_26 : vector<1000x128xf32>
    %get3A_28 = arith.constant 0 : index
    %get3A_29 = arith.constant 0 : index
    %get3A_30 = vector.load %arg2[%get3A_28, %get3A_29] : memref<1x128xf32, #tpu.memory_space<vmem>>, vector<1x128xf32>
    %mul3A = vector.broadcast %get3A_30 : vector<1x128xf32> to vector<1000x128xf32>
    %mul3A_31 = arith.mulf %div3A_27, %mul3A : vector<1000x128xf32>
    %get3A_32 = arith.constant 0 : index
    %get3A_33 = arith.constant 0 : index
    %get3A_34 = vector.load %arg3[%get3A_32, %get3A_33] : memref<1x128xf32, #tpu.memory_space<vmem>>, vector<1x128xf32>
    %add3A_35 = vector.broadcast %get3A_34 : vector<1x128xf32> to vector<1000x128xf32>
    %add3A_36 = arith.addf %mul3A_31, %add3A_35 : vector<1000x128xf32>
    %get3A_37 = arith.constant 0 : index
    %get3A_38 = arith.constant 0 : index
    %get3A_39 = vector.load %arg4[%get3A_37, %get3A_38] : memref<128x128xf32, #tpu.memory_space<vmem>>, vector<128x128xf32>
    %dot_general3A = arith.constant dense<0.000000e+00> : vector<1000x128xf32>
    %dot_general3A_40 = tpu.matmul %add3A_36, %get3A_39, %dot_general3A {dimension_numbers = #tpu.dot_dimension_numbers<[1], [0], [0], [1], [0, 0, 1, 1], [], []>, transpose_lhs_hint = false} : vector<1000x128xf32>, vector<128x128xf32>, vector<1000x128xf32> -> vector<1000x128xf32>
    %swap3A = arith.constant 0 : index
    %swap3A_41 = arith.constant 0 : index
    %swap3A_42 = vector.load %arg6[%swap3A, %swap3A_41] : memref<1000x128xf32, #tpu.memory_space<vmem>>, vector<1000x128xf32>
    tpu.vector_store %arg6[%swap3A, %swap3A_41], %dot_general3A_40 {strides = array<i32>} : memref<1000x128xf32, #tpu.memory_space<vmem>>, vector<1000x128xf32>,
    %get3A_43 = arith.constant 0 : index
    %get3A_44 = arith.constant 0 : index
    %get3A_45 = vector.load %arg5[%get3A_43, %get3A_44] : memref<128x256xf32, #tpu.memory_space<vmem>>, vector<128x256xf32>
    %dot_general3A_46 = arith.constant dense<0.000000e+00> : vector<1000x256xf32>
    %dot_general3A_47 = tpu.matmul %add3A_36, %get3A_45, %dot_general3A_46 {dimension_numbers = #tpu.dot_dimension_numbers<[1], [0], [0], [1], [0, 0, 1, 1], [], []>, transpose_lhs_hint = false} : vector<1000x128xf32>, vector<128x256xf32>, vector<1000x256xf32> -> vector<1000x256xf32>
    %swap3A_48 = arith.constant 0 : index
    %swap3A_49 = arith.constant 0 : index
    %swap3A_50 = vector.load %arg7[%swap3A_48, %swap3A_49] : memref<1000x256xf32, #tpu.memory_space<vmem>>, vector<1000x256xf32>
    tpu.vector_store %arg7[%swap3A_48, %swap3A_49], %dot_general3A_47 {strides = array<i32>} : memref<1000x256xf32, #tpu.memory_space<vmem>>, vector<1000x256xf32>,
    return
  }
  func.func @transform_0(%arg0: i32) -> (i32, i32) {
    %c0_i32 = arith.constant 0 : i32
    %c0_i32_0 = arith.constant 0 : i32
    return %arg0, %c0_i32 : i32, i32
  }
  func.func @transform_1(%arg0: i32) -> (i32, i32) {
    %c0_i32 = arith.constant 0 : i32
    %c0_i32_0 = arith.constant 0 : i32
    %c0_i32_1 = arith.constant 0 : i32
    return %c0_i32, %c0_i32_0 : i32, i32
  }
  func.func @transform_2(%arg0: i32) -> (i32, i32) {
    %c0_i32 = arith.constant 0 : i32
    %c0_i32_0 = arith.constant 0 : i32
    %c0_i32_1 = arith.constant 0 : i32
    return %c0_i32, %c0_i32_0 : i32, i32
  }
  func.func @transform_3(%arg0: i32) -> (i32, i32) {
    %c0_i32 = arith.constant 0 : i32
    %c0_i32_0 = arith.constant 0 : i32
    %c0_i32_1 = arith.constant 0 : i32
    return %c0_i32, %c0_i32_0 : i32, i32
  }
  func.func @transform_4(%arg0: i32) -> (i32, i32) {
    %c0_i32 = arith.constant 0 : i32
    %c0_i32_0 = arith.constant 0 : i32
    %c0_i32_1 = arith.constant 0 : i32
    return %c0_i32, %c0_i32_0 : i32, i32
  }
  func.func @transform_5(%arg0: i32) -> (i32, i32) {
    %c0_i32 = arith.constant 0 : i32
    %c0_i32_0 = arith.constant 0 : i32
    return %arg0, %c0_i32 : i32, i32
  }
  func.func @transform_6(%arg0: i32) -> (i32, i32) {
    %c0_i32 = arith.constant 0 : i32
    %c0_i32_0 = arith.constant 0 : i32
    return %arg0, %c0_i32 : i32, i32
  }
}

module attributes {stable_mosaic.version = 14 : i64} {
  func.func @_out_body(%arg0: i32, %arg1: memref<1000x128xf32, #tpu.memory_space<vmem>>, %arg2: memref<2x1000x144xf32, #tpu.memory_space<vmem>>, %arg3: memref<16x128xf32, #tpu.memory_space<vmem>>, %arg4: memref<128x128xf32, #tpu.memory_space<vmem>>, %arg5: memref<1x128xf32, #tpu.memory_space<vmem>>, %arg6: memref<1x128xf32, #tpu.memory_space<vmem>>, %arg7: memref<128x256xf32, #tpu.memory_space<vmem>>, %arg8: memref<1x256xf32, #tpu.memory_space<vmem>>, %arg9: memref<256x128xf32, #tpu.memory_space<vmem>>, %arg10: memref<1x128xf32, #tpu.memory_space<vmem>>, %arg11: memref<1000x128xf32, #tpu.memory_space<vmem>>) attributes {dimension_semantics = [#tpu.dimension_semantics<arbitrary>], iteration_bounds = array<i64: 10>, scalar_prefetch = 0 : i64, scratch_operands = 0 : i64, tpu.core_type = #tpu.core_type<tc>, window_params = [{transform_indices = @transform_0, window_bounds = array<i64: 1000, 128>}, {transform_indices = @transform_1, window_bounds = array<i64: 2, 1000, 144>}, {pipeline_mode = #tpu.pipeline_mode<synchronous>, transform_indices = @transform_2, window_bounds = array<i64: 16, 128>}, {pipeline_mode = #tpu.pipeline_mode<synchronous>, transform_indices = @transform_3, window_bounds = array<i64: 128, 128>}, {pipeline_mode = #tpu.pipeline_mode<synchronous>, transform_indices = @transform_4, window_bounds = array<i64: 1, 128>}, {pipeline_mode = #tpu.pipeline_mode<synchronous>, transform_indices = @transform_5, window_bounds = array<i64: 1, 128>}, {pipeline_mode = #tpu.pipeline_mode<synchronous>, transform_indices = @transform_6, window_bounds = array<i64: 128, 256>}, {pipeline_mode = #tpu.pipeline_mode<synchronous>, transform_indices = @transform_7, window_bounds = array<i64: 1, 256>}, {pipeline_mode = #tpu.pipeline_mode<synchronous>, transform_indices = @transform_8, window_bounds = array<i64: 256, 128>}, {pipeline_mode = #tpu.pipeline_mode<synchronous>, transform_indices = @transform_9, window_bounds = array<i64: 1, 128>}, {transform_indices = @transform_10, window_bounds = array<i64: 1000, 128>}]} {
    %get3A = arith.constant 0 : index
    %get3A_0 = arith.constant 0 : index
    %get3A_1 = arith.constant 0 : index
    %get3A_2 = vector.load %arg2[%get3A, %get3A_0, %get3A_1] : memref<2x1000x144xf32, #tpu.memory_space<vmem>>, vector<1x1000x144xf32>
    %get3A_3 = vector.shape_cast %get3A_2 : vector<1x1000x144xf32> to vector<1000x144xf32>
    %get3A_4 = arith.constant 1 : index
    %get3A_5 = arith.constant 0 : index
    %get3A_6 = arith.constant 0 : index
    %get3A_7 = vector.load %arg2[%get3A_4, %get3A_5, %get3A_6] : memref<2x1000x144xf32, #tpu.memory_space<vmem>>, vector<1x1000x144xf32>
    %get3A_8 = vector.shape_cast %get3A_7 : vector<1x1000x144xf32> to vector<1000x144xf32>
    %add3A = arith.addf %get3A_3, %get3A_8 : vector<1000x144xf32>
    %slice3A = vector.extract_strided_slice %add3A {offsets = [0, 0], sizes = [1000, 128], strides = [1, 1]} : vector<1000x144xf32> to vector<1000x128xf32>
    %slice3A_9 = vector.extract_strided_slice %add3A {offsets = [0, 128], sizes = [1000, 16], strides = [1, 1]} : vector<1000x144xf32> to vector<1000x16xf32>
    %get3A_10 = arith.constant 0 : index
    %get3A_11 = arith.constant 0 : index
    %get3A_12 = vector.load %arg3[%get3A_10, %get3A_11] : memref<16x128xf32, #tpu.memory_space<vmem>>, vector<16x128xf32>
    %dot_general3A = arith.constant dense<0.000000e+00> : vector<1000x128xf32>
    %dot_general3A_13 = tpu.matmul %slice3A_9, %get3A_12, %dot_general3A {dimension_numbers = #tpu.dot_dimension_numbers<[1], [0], [0], [1], [0, 0, 1, 1], [], []>, transpose_lhs_hint = false} : vector<1000x16xf32>, vector<16x128xf32>, vector<1000x128xf32> -> vector<1000x128xf32>
    %add3A_14 = arith.constant 9.99999971E-10 : f32
    %add3A_15 = vector.broadcast %add3A_14 : f32 to vector<1000x128xf32>
    %add3A_16 = arith.addf %dot_general3A_13, %add3A_15 : vector<1000x128xf32>
    %div3A = arith.divf %slice3A, %add3A_16 : vector<1000x128xf32>
    %get3A_17 = arith.constant 0 : index
    %get3A_18 = arith.constant 0 : index
    %get3A_19 = vector.load %arg4[%get3A_17, %get3A_18] : memref<128x128xf32, #tpu.memory_space<vmem>>, vector<128x128xf32>
    %dot_general3A_20 = arith.constant dense<0.000000e+00> : vector<1000x128xf32>
    %dot_general3A_21 = tpu.matmul %div3A, %get3A_19, %dot_general3A_20 {dimension_numbers = #tpu.dot_dimension_numbers<[1], [0], [0], [1], [0, 0, 1, 1], [], []>, transpose_lhs_hint = false} : vector<1000x128xf32>, vector<128x128xf32>, vector<1000x128xf32> -> vector<1000x128xf32>
    %get3A_22 = arith.constant 0 : index
    %get3A_23 = arith.constant 0 : index
    %get3A_24 = vector.load %arg1[%get3A_22, %get3A_23] : memref<1000x128xf32, #tpu.memory_space<vmem>>, vector<1000x128xf32>
    %add3A_25 = arith.addf %get3A_24, %dot_general3A_21 : vector<1000x128xf32>
    %reduce_sum3A = arith.constant dense<0.000000e+00> : vector<1000xf32>
    %reduce_sum3A_26 = vector.multi_reduction <add>, %add3A_25, %reduce_sum3A [1] : vector<1000x128xf32> to vector<1000xf32>
    %broadcast_in_dim3A = vector.shape_cast %reduce_sum3A_26 : vector<1000xf32> to vector<1000x1xf32>
    %div3A_27 = arith.constant 1.280000e+02 : f32
    %div3A_28 = vector.broadcast %div3A_27 : f32 to vector<1000x1xf32>
    %div3A_29 = arith.divf %broadcast_in_dim3A, %div3A_28 : vector<1000x1xf32>
    %jit3A = arith.constant 0 : i32
    %reduce_sum3A_30 = arith.constant dense<0.000000e+00> : vector<1000xf32>
    %reduce_sum3A_31 = vector.multi_reduction <add>, %add3A_25, %reduce_sum3A_30 [1] : vector<1000x128xf32> to vector<1000xf32>
    %broadcast_in_dim3A_32 = vector.shape_cast %reduce_sum3A_31 : vector<1000xf32> to vector<1000x1xf32>
    %div3A_33 = arith.constant 1.280000e+02 : f32
    %div3A_34 = vector.broadcast %div3A_33 : f32 to vector<1000x1xf32>
    %div3A_35 = arith.divf %broadcast_in_dim3A_32, %div3A_34 : vector<1000x1xf32>
    %sub3A = vector.broadcast %div3A_35 : vector<1000x1xf32> to vector<1000x128xf32>
    %sub3A_36 = arith.subf %add3A_25, %sub3A : vector<1000x128xf32>
    %square3A = arith.mulf %sub3A_36, %sub3A_36 : vector<1000x128xf32>
    %convert_element_type3A = arith.sitofp %jit3A : i32 to f32
    %sub3A_37 = arith.constant 1.280000e+02 : f32
    %sub3A_38 = arith.subf %sub3A_37, %convert_element_type3A : f32
    %reduce_sum3A_39 = arith.constant dense<0.000000e+00> : vector<1000xf32>
    %reduce_sum3A_40 = vector.multi_reduction <add>, %square3A, %reduce_sum3A_39 [1] : vector<1000x128xf32> to vector<1000xf32>
    %broadcast_in_dim3A_41 = vector.shape_cast %reduce_sum3A_40 : vector<1000xf32> to vector<1000x1xf32>
    %div3A_42 = vector.broadcast %sub3A_38 : f32 to vector<1000x1xf32>
    %div3A_43 = arith.divf %broadcast_in_dim3A_41, %div3A_42 : vector<1000x1xf32>
    %gt3A = arith.constant 0.000000e+00 : f32
    %gt3A_44 = arith.cmpf ogt, %sub3A_38, %gt3A : f32
    %jit3A_45 = arith.constant 0x7FC00000 : f32
    %broadcast_in_dim3A_46 = vector.broadcast %jit3A_45 : f32 to vector<1000x1xf32>
    %select_n3A = arith.select %gt3A_44, %div3A_43, %broadcast_in_dim3A_46 : vector<1000x1xf32>
    %sub3A_47 = vector.broadcast %div3A_29 : vector<1000x1xf32> to vector<1000x128xf32>
    %sub3A_48 = arith.subf %add3A_25, %sub3A_47 : vector<1000x128xf32>
    %add3A_49 = arith.constant 9.99999997E-7 : f32
    %add3A_50 = vector.broadcast %add3A_49 : f32 to vector<1000x1xf32>
    %add3A_51 = arith.addf %select_n3A, %add3A_50 : vector<1000x1xf32>
    %sqrt3A = math.sqrt %add3A_51 : vector<1000x1xf32>
    %div3A_52 = vector.broadcast %sqrt3A : vector<1000x1xf32> to vector<1000x128xf32>
    %div3A_53 = arith.divf %sub3A_48, %div3A_52 : vector<1000x128xf32>
    %get3A_54 = arith.constant 0 : index
    %get3A_55 = arith.constant 0 : index
    %get3A_56 = vector.load %arg5[%get3A_54, %get3A_55] : memref<1x128xf32, #tpu.memory_space<vmem>>, vector<1x128xf32>
    %mul3A = vector.broadcast %get3A_56 : vector<1x128xf32> to vector<1000x128xf32>
    %mul3A_57 = arith.mulf %div3A_53, %mul3A : vector<1000x128xf32>
    %get3A_58 = arith.constant 0 : index
    %get3A_59 = arith.constant 0 : index
    %get3A_60 = vector.load %arg6[%get3A_58, %get3A_59] : memref<1x128xf32, #tpu.memory_space<vmem>>, vector<1x128xf32>
    %add3A_61 = vector.broadcast %get3A_60 : vector<1x128xf32> to vector<1000x128xf32>
    %add3A_62 = arith.addf %mul3A_57, %add3A_61 : vector<1000x128xf32>
    %get3A_63 = arith.constant 0 : index
    %get3A_64 = arith.constant 0 : index
    %get3A_65 = vector.load %arg7[%get3A_63, %get3A_64] : memref<128x256xf32, #tpu.memory_space<vmem>>, vector<128x256xf32>
    %dot_general3A_66 = arith.constant dense<0.000000e+00> : vector<1000x256xf32>
    %dot_general3A_67 = tpu.matmul %add3A_62, %get3A_65, %dot_general3A_66 {dimension_numbers = #tpu.dot_dimension_numbers<[1], [0], [0], [1], [0, 0, 1, 1], [], []>, transpose_lhs_hint = false} : vector<1000x128xf32>, vector<128x256xf32>, vector<1000x256xf32> -> vector<1000x256xf32>
    %get3A_68 = arith.constant 0 : index
    %get3A_69 = arith.constant 0 : index
    %get3A_70 = vector.load %arg8[%get3A_68, %get3A_69] : memref<1x256xf32, #tpu.memory_space<vmem>>, vector<1x256xf32>
    %add3A_71 = vector.broadcast %get3A_70 : vector<1x256xf32> to vector<1000x256xf32>
    %add3A_72 = arith.addf %dot_general3A_67, %add3A_71 : vector<1000x256xf32>
    %integer_pow3A = arith.mulf %add3A_72, %add3A_72 : vector<1000x256xf32>
    %integer_pow3A_73 = arith.mulf %add3A_72, %integer_pow3A : vector<1000x256xf32>
    %mul3A_74 = arith.constant 4.471500e-02 : f32
    %mul3A_75 = vector.broadcast %mul3A_74 : f32 to vector<1000x256xf32>
    %mul3A_76 = arith.mulf %mul3A_75, %integer_pow3A_73 : vector<1000x256xf32>
    %add3A_77 = arith.addf %add3A_72, %mul3A_76 : vector<1000x256xf32>
    %mul3A_78 = arith.constant 0.797884583 : f32
    %mul3A_79 = vector.broadcast %mul3A_78 : f32 to vector<1000x256xf32>
    %mul3A_80 = arith.mulf %mul3A_79, %add3A_77 : vector<1000x256xf32>
    %tanh3A = math.tanh %mul3A_80 : vector<1000x256xf32>
    %add3A_81 = arith.constant 1.000000e+00 : f32
    %add3A_82 = vector.broadcast %add3A_81 : f32 to vector<1000x256xf32>
    %add3A_83 = arith.addf %add3A_82, %tanh3A : vector<1000x256xf32>
    %mul3A_84 = arith.constant 5.000000e-01 : f32
    %mul3A_85 = vector.broadcast %mul3A_84 : f32 to vector<1000x256xf32>
    %mul3A_86 = arith.mulf %mul3A_85, %add3A_83 : vector<1000x256xf32>
    %mul3A_87 = arith.mulf %add3A_72, %mul3A_86 : vector<1000x256xf32>
    %get3A_88 = arith.constant 0 : index
    %get3A_89 = arith.constant 0 : index
    %get3A_90 = vector.load %arg9[%get3A_88, %get3A_89] : memref<256x128xf32, #tpu.memory_space<vmem>>, vector<256x128xf32>
    %dot_general3A_91 = arith.constant dense<0.000000e+00> : vector<1000x128xf32>
    %dot_general3A_92 = tpu.matmul %mul3A_87, %get3A_90, %dot_general3A_91 {dimension_numbers = #tpu.dot_dimension_numbers<[1], [0], [0], [1], [0, 0, 1, 1], [], []>, transpose_lhs_hint = false} : vector<1000x256xf32>, vector<256x128xf32>, vector<1000x128xf32> -> vector<1000x128xf32>
    %get3A_93 = arith.constant 0 : index
    %get3A_94 = arith.constant 0 : index
    %get3A_95 = vector.load %arg10[%get3A_93, %get3A_94] : memref<1x128xf32, #tpu.memory_space<vmem>>, vector<1x128xf32>
    %add3A_96 = vector.broadcast %get3A_95 : vector<1x128xf32> to vector<1000x128xf32>
    %add3A_97 = arith.addf %dot_general3A_92, %add3A_96 : vector<1000x128xf32>
    %add3A_98 = arith.addf %add3A_25, %add3A_97 : vector<1000x128xf32>
    %swap3A = arith.constant 0 : index
    %swap3A_99 = arith.constant 0 : index
    %swap3A_100 = vector.load %arg11[%swap3A, %swap3A_99] : memref<1000x128xf32, #tpu.memory_space<vmem>>, vector<1000x128xf32>
    tpu.vector_store %arg11[%swap3A, %swap3A_99], %add3A_98 {strides = array<i32>} : memref<1000x128xf32, #tpu.memory_space<vmem>>, vector<1000x128xf32>,
    return
  }
  func.func @transform_0(%arg0: i32) -> (i32, i32) {
    %c0_i32 = arith.constant 0 : i32
    %c0_i32_0 = arith.constant 0 : i32
    return %arg0, %c0_i32 : i32, i32
  }
  func.func @transform_1(%arg0: i32) -> (i32, i32, i32) {
    %c0_i32 = arith.constant 0 : i32
    %c0_i32_0 = arith.constant 0 : i32
    %c0_i32_1 = arith.constant 0 : i32
    return %c0_i32, %arg0, %c0_i32_0 : i32, i32, i32
  }
  func.func @transform_2(%arg0: i32) -> (i32, i32) {
    %c0_i32 = arith.constant 0 : i32
    %c0_i32_0 = arith.constant 0 : i32
    %c0_i32_1 = arith.constant 0 : i32
    return %c0_i32, %c0_i32_0 : i32, i32
  }
  func.func @transform_3(%arg0: i32) -> (i32, i32) {
    %c0_i32 = arith.constant 0 : i32
    %c0_i32_0 = arith.constant 0 : i32
    %c0_i32_1 = arith.constant 0 : i32
    return %c0_i32, %c0_i32_0 : i32, i32
  }
  func.func @transform_4(%arg0: i32) -> (i32, i32) {
    %c0_i32 = arith.constant 0 : i32
    %c0_i32_0 = arith.constant 0 : i32
    %c0_i32_1 = arith.constant 0 : i32
    return %c0_i32, %c0_i32_0 : i32, i32
  }
  func.func @transform_5(%arg0: i32) -> (i32, i32) {
    %c0_i32 = arith.constant 0 : i32
    %c0_i32_0 = arith.constant 0 : i32
    %c0_i32_1 = arith.constant 0 : i32
    return %c0_i32, %c0_i32_0 : i32, i32
  }
  func.func @transform_6(%arg0: i32) -> (i32, i32) {
    %c0_i32 = arith.constant 0 : i32
    %c0_i32_0 = arith.constant 0 : i32
    %c0_i32_1 = arith.constant 0 : i32
    return %c0_i32, %c0_i32_0 : i32, i32
  }
  func.func @transform_7(%arg0: i32) -> (i32, i32) {
    %c0_i32 = arith.constant 0 : i32
    %c0_i32_0 = arith.constant 0 : i32
    %c0_i32_1 = arith.constant 0 : i32
    return %c0_i32, %c0_i32_0 : i32, i32
  }
  func.func @transform_8(%arg0: i32) -> (i32, i32) {
    %c0_i32 = arith.constant 0 : i32
    %c0_i32_0 = arith.constant 0 : i32
    %c0_i32_1 = arith.constant 0 : i32
    return %c0_i32, %c0_i32_0 : i32, i32
  }
  func.func @transform_9(%arg0: i32) -> (i32, i32) {
    %c0_i32 = arith.constant 0 : i32
    %c0_i32_0 = arith.constant 0 : i32
    %c0_i32_1 = arith.constant 0 : i32
    return %c0_i32, %c0_i32_0 : i32, i32
  }
  func.func @transform_10(%arg0: i32) -> (i32, i32) {
    %c0_i32 = arith.constant 0 : i32
    %c0_i32_0 = arith.constant 0 : i32
    return %arg0, %c0_i32 : i32, i32
  }
}

</mosaic_0001>

<sc_bundles>
// kernel: kernel.5.cloned.1.call-start
scs
__scs_entry_jumppad:
0x0: {  	(pc) =	sbr.rel $0x88, $3  }
0x1: {  	(tag) =	ssettag $0x0;
	lr =	simm.s32 $0x1  }
0x2: {  	[smem:$0x3F93] =	sst lr;
	_ =	strace $0xD0000000  }
0x3: {  	_ = 	snop  }
0x4: {  	_ = 	snop  }
0x5: {  	_ = 	snop  }
0x6: {  	_ = 	snop  }
0x7: {  	_ = 	snop  }
__scs_overlays_trampoline_lowered:
0x8: {  	[smem:$0x3FA2] =	sst s0  }
0x9: {  	[smem:$0x3FA3] =	sst s1  }
0xa: {  	[smem:$0x3FA4] =	sst s2  }
0xb: {  	[smem:$0x3FA5] =	sst s3  }
0xc: {  	[smem:$0x3FA6] =	sst s4  }
0xd: {  	[smem:$0x3FA7] =	sst s5  }
0xe: {  	[smem:$0x3FA8] =	sst s6  }
0xf: {  	[smem:$0x3FA9] =	sst s7  }
0x10: {  	[smem:$0x3FAA] =	sst s8  }
0x11: {  	[smem:$0x3FAB] =	sst s9;
	s0 =	simm.s32 @!p0 $0x0  }
0x12: {  	s1 =	sld [smem:$0x3F91];
	s0 =	simm.s32 @p0 $0x1  }
0x13: {  	[smem:$0x3FAC] =	sst s0;
	s0 =	simm.s32 @!p1 $0x0  }
0x14: {  	s2 =	sld [smem:$0x3F90];
	s0 =	simm.s32 @p1 $0x1  }
0x15: {  	[smem:$0x3FAD] =	sst s0;
	s0 =	simm.s32 @!p2 $0x0  }
0x16: {  	s3 =	sld [smem:$0x3FDB];
	s0 =	simm.s32 @p2 $0x1  }
0x17: {  	s4 =	simm.s32 $0x1BF5;
	[smem:$0x3FAF] =	sst s0  }
0x18: {  	s0 =	sld [smem:$0x3F92];
	_ =	swait.ge [sflag:s4], $0x0  }
0x19: {  	s7 =	sld [smem:$0x3F93]  }
0x1a: {  	s8 =	sadd.s32 $0xFFFFE003, lr  }
0x1b: {  	s9 =	sadd.s32 $0xFFFFFEF7, lr;
	s5 =	simm.s32 $0xFFFFFFFF;
	p2 =	slt.u32 s8, $0xFFFFF086  }
0x1c: {  	p1 =	slt.u32 s9, $0xF7A;
	s5 =	simm.s32 @!p2 $0x0  }
0x1d: {  	s5 =	simm.s32 @p1 $0x1;
	p0 =	seq.s32 s7, s2  }
0x1e: {  	s7 =	smul.u32 @!p0 $0xF7A, s2;
	p2 =	seq.s32 @!p0 s5, $0x0  }
0x1f: {  	s9 =	smul.u32 $0xF7A, s1;
	s8 =	simm.s32 @!p0 $0x1BF5;
	p2 =	por !p2, p0  }
0x20: {  	[sflag:s8] =	ssyncset.s32 @!p0 $0xFFFFF086;
	s6 =	sadd.s32 @!p0 s3, s7;
	s7 =	simm.s32 @!p0 $0x108  }
0x21: {  	s3 =	sadd.s32 s3, s9;
	s6 =	sadd.s32 @!p0 $0x88, s6;
	s7 =	simm.s32 @p2 $0x1082  }
0x22: {  	[simem:s7], [sflag:s8] =	dma.local @!p0 [hbm:s6], $0xF7A  }
0x23: {  	s9 =	sor.u32 $0xD0000000, s2;
	s6 =	simm.s32 $0x108;
	_ =	swait.ge @!p0 [sflag:s8], $0x0  }
0x24: {  	s3 =	sadd.s32 $0x88, s3;
	s6 =	simm.s32 @!p1 $0x1082;
	[sflag:s4] =	ssyncset.s32 $0xFFFFF086  }
0x25: {  	[simem:s6], [sflag:s4] =	dma.local [hbm:s3], $0xF7A  }
0x26: {  	[smem:$0x3F93] =	sst s1;
	(tag) =	ssettag s2;
	_ =	strace s9  }
0x27: {  	s1 =	sld [smem:$0x3FA3]  }
0x28: {  	s2 =	sld [smem:$0x3FA4]  }
0x29: {  	s4 =	sld [smem:$0x3FA6]  }
0x2a: {  	p0 =	seq.s32 s5, $0x0;
	s5 =	sld [smem:$0x3FA7]  }
0x2b: {  	s6 =	sld [smem:$0x3FA8]  }
0x2c: {  	s7 =	sld [smem:$0x3FA9]  }
0x2d: {  	s3 =	simm.s32 $0x108;
	s8 =	sld [smem:$0x3FAA]  }
0x2e: {  	s3 =	simm.s32 @!p0 $0x1082;
	s9 =	sld [smem:$0x3FAB]  }
0x2f: {  	lr =	sadd.s32 s0, s3;
	s0 =	sld [smem:$0x3FA2]  }
0x30: {  	s3 =	sld [smem:$0x3FA5]  }
0x31: {  	[smem:$0x3FAE] =	sst s10  }
0x32: {  	s10 =	sld [smem:$0x3FAC];
	_ =	sdelay $0x3  }
0x33: {  	p0 =	seq.s32 s10, $0x1;
	s10 =	sld [smem:$0x3FAE];
	_ =	sdelay $0x3  }
0x34: {  	[smem:$0x3FAE] =	sst s10  }
0x35: {  	s10 =	sld [smem:$0x3FAD];
	_ =	sdelay $0x3  }
0x36: {  	p1 =	seq.s32 s10, $0x1;
	s10 =	sld [smem:$0x3FAE];
	_ =	sdelay $0x3  }
0x37: {  	[smem:$0x3FAE] =	sst s10  }
0x38: {  	s10 =	sld [smem:$0x3FAF]  }
0x39: {  	_ = 	snop;
	(pc) =	sbr.ind lr, $3  }
0x3a: {  	_ = 	snop  }
0x3b: {  	_ = 	snop  }
0x3c: {  	p2 =	seq.s32 s10, $0x1;
	s10 =	sld [smem:$0x3FAE]  }
0x3d: {  	_ =	shalt  }
0x3e: {  	_ =	shalt  }
0x3f: {  	_ =	shalt  }
0x40: {  	_ =	shalt  }
0x41: {  	_ =	shalt  }
0x42: {  	_ =	shalt  }
0x43: {  	_ =	shalt  }
0x44: {  	_ =	shalt  }
0x45: {  	_ =	shalt  }
0x46: {  	_ =	shalt  }
0x47: {  	_ =	shalt  }
0x48: {  	_ =	shalt  }
0x49: {  	_ =	shalt  }
0x4a: {  	_ =	shalt  }
0x4b: {  	_ =	shalt  }
0x4c: {  	_ =	shalt  }
0x4d: {  	_ =	shalt  }
0x4e: {  	_ =	shalt  }
0x4f: {  	_ =	shalt  }
0x50: {  	_ =	shalt  }
0x51: {  	_ =	shalt  }
0x52: {  	_ =	shalt  }
0x53: {  	_ =	shalt  }
0x54: {  	_ =	shalt  }
0x55: {  	_ =	shalt  }
0x56: {  	_ =	shalt  }
0x57: {  	_ =	shalt  }
0x58: {  	_ =	shalt  }
0x59: {  	_ =	shalt  }
0x5a: {  	_ =	shalt  }
0x5b: {  	_ =	shalt  }
0x5c: {  	_ =	shalt  }
0x5d: {  	_ =	shalt  }
0x5e: {  	_ =	shalt  }
0x5f: {  	_ =	shalt  }
0x60: {  	_ =	shalt  }
0x61: {  	_ =	shalt  }
0x62: {  	_ =	shalt  }
0x63: {  	_ =	shalt  }
0x64: {  	_ =	shalt  }
0x65: {  	_ =	shalt  }
0x66: {  	_ =	shalt  }
0x67: {  	_ =	shalt  }
0x68: {  	_ =	shalt  }
0x69: {  	_ =	shalt  }
0x6a: {  	_ =	shalt  }
0x6b: {  	_ =	shalt  }
0x6c: {  	_ =	shalt  }
0x6d: {  	_ =	shalt  }
0x6e: {  	_ =	shalt  }
0x6f: {  	_ =	shalt  }
0x70: {  	_ =	shalt  }
0x71: {  	_ =	shalt  }
0x72: {  	_ =	shalt  }
0x73: {  	_ =	shalt  }
0x74: {  	_ =	shalt  }
0x75: {  	_ =	shalt  }
0x76: {  	_ =	shalt  }
0x77: {  	_ =	shalt  }
0x78: {  	_ =	shalt  }
0x79: {  	_ =	shalt  }
0x7a: {  	_ =	shalt  }
0x7b: {  	_ =	shalt  }
0x7c: {  	_ =	shalt  }
0x7d: {  	_ =	shalt  }
0x7e: {  	_ =	shalt  }
0x7f: {  	_ =	shalt  }
0x80: {  	_ =	shalt  }
0x81: {  	_ =	shalt  }
0x82: {  	_ =	shalt  }
0x83: {  	_ =	shalt  }
0x84: {  	_ =	shalt  }
0x85: {  	_ =	shalt  }
0x86: {  	_ =	shalt  }
0x87: {  	_ =	shalt  }
.Lfunc_end0:
.L_simem_size_0:
called_computation_lowered:
.L_overlay_start_0:
0x88: {  	s2 =	sld [smem:$0x3FD9]  }
0x89: {  	s3 =	sld [smem:$0x3FFE];
	_ =	sdelay $0x1  }
0x8a: {  	s1 =	srdreg.scid  }
0x8b: {  	s0 =	sand.u32 $0x1, s1  }
0x8c: {  	s17 =	sshll.u32 s0, $0xA;
	s2 =	sadd.s32 s3, s2  }
0x8d: {  	s2 =	sadd.s32 s2, s17  }
0x8e: {  	[smem:$0x3FBA] =	sst s2  }
0x8f: {  	_ = 	snop  }
0x90: {  	s2 =	sld [smem:$0x3FD0];
	(tm) =	ssettm $0x1  }
0x91: {  	s18 =	sld [smem:$0x3FFB];
	_ =	sdelay $0x3  }
0x92: {  	_ =	strace s18  }
0x93: {  	s3 =	sld [smem:$0x3FFC];
	_ =	sdelay $0x3  }
0x94: {  	_ =	strace s3  }
0x95: {  	s3 =	sld [smem:$0x3FFD];
	_ =	sdelay $0x3  }
0x96: {  	_ =	strace s3  }
0x97: {  	_ =	strace $0x8FFFFFFF  }
0x98: {  	s19 =	sld [smem:$0x3FDB];
	_ =	sdelay $0x1  }
0x99: {  	s4 =	simm.s32 $_scs_section_size  }
0x9a: {  	s5 =	simm.s32 $_size__tile_overlayer_lowered;
	s6 =	simm.s32 $_tile_overlayer_lowered  }
0x9b: {  	s22 =	simm.s32 $0x1BFF;
	s21 =	sshll.u32 s6, $0x1;
	s3 =	sadd.s32 s4, s19  }
0x9c: {  	s7 =	simm.s32 $0x0;
	s20 =	sshll.u32 s5, $0x1;
	s5 =	sadd.s32 s21, s3  }
0x9d: {  	[timem:s7], [sflag:s22] =	dma.local [hbm:s5], s20  }
0x9e: {  	_ =	swait.ge [sflag:s22], s20  }
0x9f: {  	s4 =	ssub.s32 $0x0, s20;
	[sflag:s22] =	ssyncset.done $0x0  }
0xa0: {  	[sflag:s22] =	ssyncadd.s32 s4;
	_ =	sdelay $0x1  }
0xa1: {  	s23 =	simm.s32 $0x1B8B  }
0xa2: {  	_ =	swait.ge [sflag:s23], $0x1  }
0xa3: {  	[sflag:s23] =	ssyncset.done $0x0  }
0xa4: {  	s25 =	simm.s32 $0x1B8E;
	s24 =	sld [smem:$0x3FFE];
	[sflag:s23] =	ssyncadd.s32 $0xFFFFFFFF  }
0xa5: {  	s26 =	simm.s32 $execute0_lowered;
	[smem:$0x3FD2] =	sst s25  }
0xa6: {  	s5 =	sshll.u32 s26, $0x1;
	_ =	strace $0x80000046;
	[dreg:$0x1] =	wrdreg $0xFFFFFFFF  }
0xa7: {  	s28 =	simm.s32 $_size_execute0_lowered;
	s3 =	sadd.s32 s3, s5;
	[dreg:$0x0] =	wrdreg $0x0  }
0xa8: {  	s5 =	sshll.u32 s28, $0x1;
	[dreg:$0x2] =	wrdreg s3  }
0xa9: {  	[dreg:$0x3] =	wrdreg s5  }
0xaa: {  	[dreg:$0x4] =	wrdreg $0xC0  }
0xab: {  	_ =	task [dreg:s7], $0x5FFFF  }
0xac: {  	[dreg:$0x1] =	wrdreg $0xFFFFFFFF  }
0xad: {  	[dreg:$0x0] =	wrdreg $0x60  }
0xae: {  	[dreg:$0x2] =	wrdreg s2  }
0xaf: {  	[dreg:$0x3] =	wrdreg s24  }
0xb0: {  	[dreg:$0x4] =	wrdreg $0x8F200  }
0xb1: {  	[dreg:$0x5] =	wrdreg $0x9  }
0xb2: {  	_ =	task.clear_ibuf [dreg:s7], $0x6FFFF;
	_ =	strace $0x90000046  }
0xb3: {  	s29 =	simm.s32 $0x9;
	_ =	strace $0x80000048  }
0xb4: {  	_ =	swait.ge [sflag:s29], $0x1  }
0xb5: {  	[sflag:s29] =	ssyncadd.s32 $0xFFFFFFFF  }
0xb6: {  	_ =	strace $0x90000048  }
0xb7: {  	_ =	sfence  }
0xb8: {  	s30 =	sld [smem:$0x0];
	_ =	sdelay $0x2  }
0xb9: {  	s31 =	sshll.u32 s1, $0xD;
	s1 =	sshrl.u32 s1, $0x2  }
0xba: {  	s3 =	sand.u32 $0x4000, s31;
	s1 =	sadd.s32 s1, s30  }
0xbb: {  	s0 =	sor.u32 s3, s0;
	s1 =	sshll.u32 s1, $0x11  }
0xbc: {  	s0 =	sor.u32 s1, s0  }
0xbd: {  	s0 =	sadd.s32 $0x8F2B, s0  }
0xbe: {  	[sflag:s0] =	ssyncadd.remote.s32 $0x1  }
0xbf: {  	_ =	sfence.sel $0xFFFF  }
0xc0: {  	[dreg:$0x0] =	wrdreg $0xFFFFFFFF;
	(pc) =	sbr.abs _section_cstart, $3  }
0xc1: {  	[dreg:$0x1] =	wrdreg $0xFFFFFFFF  }
0xc2: {  	_ =	task.clear_ibuf [dreg:s7], $0x2FFFF;
	_ =	strace $0x9FFFFFFF  }
0xc3: {  	(tm) =	ssettm $0x7FFFFFFF  }
tec
execute0_lowered:
.L_overlay_start_1:
0x0: {  	(tag) =	ssettag $0x1  }
0x1: {  	s0 =	rddreg [dreg:$0x0]  }
0x2: {  	v0 =	vimm.s32 $0xEFCDAB89;
	v1 =	vimm.s32 $0x67452301;
	s1 =	rddreg [dreg:$0x1]  }
0x3: {  	s2 =	rddreg [dreg:$0x2];
	v2 =	vimm.s32 $0xDCFE98BA;
	v3 =	vimm.s32 $0x54761032;
	s4 =	simm.s32 $0x0;
	s13 =	stileid.u32;
	vm0 =	vcmask $0x1F1C  }
0x4: {  	s6 =	srdreg.scid;
	vm1 =	vcmask $0xF0C;
	vm2 =	vcmask $0xF08;
	v4 =	vimm.s32 $0xFEDCBA98;
	s17 =	simm.s32 $0x7;
	s18 =	simm.s32 $0x28  }
0x5: {  	vm3 =	vcmask $0x3F3C;
	v5 =	vimm.s32 $0x76543210;
	s19 =	simm.s32 $0xA0;
	s20 =	simm.s32 $0x28A0;
	s28 =	simm.s32 $0x50A0  }
0x6: {  	s29 =	simm.s32 $0x78A0;
	s30 =	simm.s32 $0x6;
	v6 =	vimm.s32 $0x2;
	s31 =	simm.s32 $0x2;
	v0 =	vunpack.c.l.s4.s8 v0;
	v1 =	vunpack.c.l.s4.s8 v1  }
0x7: {  	v2 =	vunpack.c.l.s4.s8 v2;
	[smem:$0x7FF] =	sst s4;
	s3 =	smul.u32 $0x16800, s13;
	s5 =	sadd.s32 $0x2000, s1;
	vm0 =	vmor vm1, vm0;
	vm1 =	vcmask $0x2F2C  }
0x8: {  	v3 =	vunpack.c.l.s4.s8 v3;
	s8 =	sand.u32 $0x1, s6;
	s6 =	sadd.s32 $0x5A000, s1;
	s7 =	sadd.s32 $0x50200, s1;
	vm0 =	vmor vm0, vm1;
	vm1 =	vcmask $0x1F18  }
0x9: {  	s11 =	sshll.u32 s13, $0x1;
	s23 =	sshll.u32 s13, $0x6;
	_ =	strace $0x80000047;
	v0 =	vunpack.c.0.s8.s32 v0;
	v1 =	vunpack.c.0.s8.s32 v1;
	vm1 =	vmor vm2, vm1  }
0xa: {  	s10 =	smul.u32 $0x168000, s8;
	s12 =	ssub.s32 $0x2, s8;
	s8 =	sor.u32 s8, s11;
	vm2 =	vcmask $0x2F28;
	vm0 =	vmor vm0, vm3;
	vm3 =	vcmask $0x300  }
0xb: {  	s9 =	sshrl.u32 s3, $0x3;
	s21 =	sshrl.u32 s12, $0x1;
	s8 =	smul.u32 $0x2710, s8;
	v0 =	vcombine.low v1, v0;
	v1 =	vunpack.c.0.s8.s32 v2;
	v2 =	vunpack.c.0.s8.s32 v3  }
0xc: {  	s9 =	sadd.s32 s9, s1;
	s10 =	sadd.s32 s3, s10;
	vm1 =	vmor vm1, vm2;
	s22 =	ssub.s32 s12, s21;
	vm2 =	vcmask $0x3F38;
	v3 =	vimm.s32 $0x32107654  }
0xd: {  	s3 =	sadd.s32 s3, s2;
	s21 =	simm.s32 $0x50;
	s10 =	sshrl.u32 s10, $0x3;
	vm1 =	vmor vm1, vm2;
	v1 =	vcombine.low v2, v1;
	v2 =	vimm.s32 $0xBA98FEDC  }
0xe: {  	s9 =	sadd.s32 $0x63E00, s9;
	s24 =	sshrl.u32 s8, $0x3;
	vm2 =	vcmask $0x1310;
	s12 =	sadd.s32 $0x28, s8;
	v3 =	vunpack.c.l.s4.s8 v3;
	v2 =	vunpack.c.l.s4.s8 v2  }
0xf: {  	v7 =	vimm.s32 $0x3;
	v4 =	vunpack.c.l.s4.s8 v4;
	s13 =	sadd.s32 $0x50, s8;
	s26 =	smax.u32 s22, $0x1;
	s22 =	simm.s32 $0x78;
	vm2 =	vmor vm3, vm2  }
0x10: {  	s1 =	sadd.s32 s10, s1;
	[dreg:$0x4] =	wrdreg s9;
	s9 =	sor.u32 $0x1C07, s23;
	vm3 =	vcmask $0x2320;
	v3 =	vunpack.c.0.s8.s32 v3;
	v2 =	vunpack.c.0.s8.s32 v2  }
0x11: {  	v5 =	vunpack.c.l.s4.s8 v5;
	s25 =	sadd.s32 s6, s24;
	s11 =	sadd.s32 s7, s24;
	[dreg:$0x8] =	wrdreg s26;
	v0 =	vand.u32 $0xF, v0;
	vm2 =	vmor vm2, vm3  }
0x12: {  	s10 =	sshrl.u32 s3, $0x3;
	s23 =	simm.s32 $0x1;
	[dreg:$0x5] =	wrdreg s25;
	vm3 =	vcmask $0x3330;
	v2 =	vcombine.low v3, v2;
	v3 =	vunpack.c.0.s8.s32 v4  }
0x13: {  	s24 =	simm.s32 $0x3;
	s26 =	simm.s32 $0x14A0;
	[dreg:$0x6] =	wrdreg s11;
	vm2 =	vmor vm2, vm3;
	vm3 =	vmmov $0xf;
	v4 =	vunpack.c.0.s8.s32 v5  }
0x14: {  	s3 =	simm.s32 $0x0;
	s1 =	sadd.s32 $0x90E00, s1;
	[dreg:$0x9] =	wrdreg s10;
	v1 =	vand.u32 $0xF, v1;
	v5 =	vimm.s32 $0x1;
	v3 =	vand.u32 $0xF, v3  }
0x15: {  	s25 =	simm.s32 $0x5;
	[dreg:$0x7] =	wrdreg s1;
	s1 =	simm.s32 $0x4;
	v2 =	vand.u32 $0xF, v2;
	v3 =	vcombine.low v3, v4;
	v4 =	vimm.s32 $0x0  }
.LBB2_1:
0x16: {  	s8 =	rddreg [dreg:$0x4]  }
0x17: {  	[spmem:s10], [sflag:s9] =	dma.local [hbm:s8], $0x2D00  }
0x18: {  	_ =	swait.ge [sflag:s17], $0x2D00  }
0x19: {  	[sflag:s17] =	ssyncset.done $0x0  }
0x1a: {  	[sflag:s17] =	ssyncadd.s32 $0xFFFFD300  }
0x1b: {  	[bflag:$0x0] =	sbarrier.arrive $0xFFFF  }
0x1c: {  	s14 =	rddreg [dreg:$0x5]  }
0x1d: {  	[tilespmem:s4], [sflag:$0x7] =	stream.linear.gather [hbm4b:s14+s4], $0x28, $0x38;
	[tilespmem:$0x1F720] =	vst v63  }
0x1e: {  	_ =	swait.ge [sflag:s17], $0x28  }
0x1f: {  	[sflag:s17] =	ssyncset.done $0x0  }
0x20: {  	s15 =	rddreg [dreg:$0x6];
	[sflag:s17] =	ssyncadd.s32 $0xFFFFFFD8  }
0x21: {  	[tilespmem:s18], [sflag:$0x7] =	stream.linear.gather [hbm4b:s15+s4], $0x28, $0x38;
	[tilespmem:$0x1F720] =	vst v63  }
0x22: {  	_ =	swait.ge [sflag:s17], $0x28  }
0x23: {  	[sflag:s17] =	ssyncset.done $0x0  }
0x24: {  	[sflag:s17] =	ssyncadd.s32 $0xFFFFFFD8  }
0x25: {  	[tilespmem:s19], [sflag:$0x1] =	stream.indirect.gather [hbm4b:s0+s18], $0x80, s18, s18, $0xb8;
	[tilespmem:$0x1F720] =	vst v63  }
0x26: {  	s16 =	smov.u32 s9;
	s8 =	simm.s32 $0x0  }
0x27: {  	[tilespmem:s20], [sflag:$0x3] =	stream.indirect.gather [hbm4b:s5+s18], $0x100, s4, s18, $0xb8;
	[tilespmem:$0x1F720] =	vst v63  }
.LBB2_2:
0x28: {  	s9 =	smul.u32 $0x50, s8;
	p0 =	seq.s32 s8, $0x0  }
0x29: {  	s10 =	simm.s32 @!p0 $0x6  }
0x2a: {  	s9 =	sadd.s32 s9, s12;
	_ =	swait.ge @!p0 [sflag:s10], $0x1680  }
0x2b: {  	[sflag:s10] =	ssyncset.done @!p0 $0x0;
	s9 =	sshrl.u32 s9, $0x3  }
0x2c: {  	[sflag:s10] =	ssyncadd.s32 @!p0 $0xFFFFE980;
	s15 =	sadd.s32 s6, s9  }
0x2d: {  	[tilespmem:s21], [sflag:$0x5] =	stream.linear.gather [hbm4b:s15+s4], $0x28, $0x38;
	[tilespmem:$0x1F720] =	vst v63  }
0x2e: {  	s9 =	sadd.s32 s7, s9  }
0x2f: {  	[tilespmem:s22], [sflag:$0x5] =	stream.linear.gather [hbm4b:s9+s4], $0x28, $0x38;
	[tilespmem:$0x1F720] =	vst v63  }
0x30: {  	_ =	swait.ge [sflag:s23], $0x1400  }
0x31: {  	[sflag:s23] =	ssyncset.done $0x0  }
0x32: {  	[sflag:s23] =	ssyncadd.s32 $0xFFFFEC00  }
0x33: {  	_ =	swait.ge [sflag:s24], $0x2800  }
0x34: {  	[sflag:s24] =	ssyncset.done $0x0  }
0x35: {  	[sflag:s24] =	ssyncadd.s32 $0xFFFFD800  }
0x36: {  	_ =	swait.ge [sflag:s25], $0x28  }
0x37: {  	[sflag:s25] =	ssyncset.done $0x0  }
0x38: {  	[sflag:s25] =	ssyncadd.s32 $0xFFFFFFD8  }
0x39: {  	_ =	swait.ge [sflag:s25], $0x28  }
0x3a: {  	[sflag:s25] =	ssyncset.done $0x0  }
0x3b: {  	s11 =	simm.s32 $0xFFFFFFFC;
	s14 =	simm.s32 $0x1A0;
	[sflag:s25] =	ssyncadd.s32 $0xFFFFFFD8  }
0x3c: {  	[tilespmem:s26], [sflag:$0x2] =	stream.indirect.gather [hbm4b:s0+s18], $0x80, s22, s18, $0xb8;
	[tilespmem:$0x1F720] =	vst v63  }
0x3d: {  	s10 =	sshll.u32 s8, $0x1;
	s15 =	simm.s32 $0x2AA0;
	s9 =	simm.s32 $0x79C0  }
0x3e: {  	[tilespmem:s28], [sflag:$0x4] =	stream.indirect.gather [hbm4b:s5+s18], $0x100, s21, s18, $0xb8;
	[tilespmem:$0x1F720] =	vst v63  }
.LBB2_3:
0x3f: {  	v8 =	vld [tilespmem:s14+$0xFFFFFF00]  }
0x40: {  	v9 =	vld [tilespmem:s15+$0xFFFFFE00]  }
0x41: {  	v10 =	vld [tilespmem:s14+$0xFFFFFF10]  }
0x42: {  	v11 =	vld [tilespmem:s14+$0xFFFFFF20]  }
0x43: {  	v12 =	vld [tilespmem:s15+$0xFFFFFE20]  }
0x44: {  	v13 =	vld [tilespmem:s14+$0xFFFFFF30]  }
0x45: {  	v14 =	vld [tilespmem:s14+$0xFFFFFF40]  }
0x46: {  	v15 =	vld [tilespmem:s15+$0xFFFFFE40]  }
0x47: {  	v16 =	vld [tilespmem:s14+$0xFFFFFF50]  }
0x48: {  	v17 =	vld [tilespmem:s15+$0xFFFFFE50]  }
0x49: {  	v18 =	vld [tilespmem:s14+$0xFFFFFF60]  }
0x4a: {  	v19 =	vld [tilespmem:s15+$0xFFFFFE60]  }
0x4b: {  	v20 =	vld [tilespmem:s14+$0xFFFFFF70]  }
0x4c: {  	v21 =	vld [tilespmem:s15+$0xFFFFFE70]  }
0x4d: {  	v22 =	vld [tilespmem:s15+$0xFFFFFE30]  }
0x4e: {  	v23 =	vld [tilespmem:s15+$0xFFFFFE10]  }
0x4f: {  	v8 =	vmul.f32 v9, v8  }
0x50: {  	v36 =	vmul.f32 v15, v14;
	v37 =	vmul.f32 v17, v16  }
0x51: {  	v38 =	vmul.f32 v19, v18;
	v39 =	vmul.f32 v21, v20  }
0x52: {  	v11 =	vmul.f32 v12, v11;
	v40 =	vmul.f32 v22, v13  }
0x53: {  	v10 =	vmul.f32 v23, v10;
	v9 =	vadd.f32 v37, v36;
	v41 =	vadd.f32 v39, v38  }
0x54: {  	v11 =	vadd.f32 v40, v11  }
0x55: {  	v8 =	vadd.f32 v10, v8;
	v42 =	vperm.xlane v9, v0;
	v43 =	vperm.xlane v41, v0  }
0x56: {  	v44 =	vperm.xlane v11, v0  }
0x57: {  	v45 =	vperm.xlane v8, v0;
	v9 =	vadd.f32 v42, v9;
	v46 =	vadd.f32 v43, v41  }
0x58: {  	v11 =	vadd.f32 v44, v11  }
0x59: {  	v8 =	vadd.f32 v45, v8;
	v47 =	vperm.xlane v9, v1;
	v13 =	vperm.xlane v46, v1  }
0x5a: {  	v14 =	vperm.xlane v11, v1  }
0x5b: {  	v15 =	vperm.xlane v8, v1;
	v9 =	vadd.f32 v47, v9;
	v10 =	vadd.f32 v13, v46  }
0x5c: {  	v11 =	vadd.f32 v14, v11  }
0x5d: {  	v8 =	vadd.f32 v15, v8;
	v9 =	vsel vm0, v10, v9  }
0x5e: {  	v9 =	vsel vm1, v9, v11  }
0x5f: {  	v8 =	vsel vm2, v8, v9  }
0x60: {  	v9 =	vperm.xlane v8, v2;
	_ =	sdelay $0x1  }
0x61: {  	v8 =	vadd.f32 v8, v9;
	_ =	sdelay $0x1  }
0x62: {  	v9 =	vperm.xlane v8, v3;
	_ =	sdelay $0x1  }
0x63: {  	v8 =	vadd.f32 v8, v9;
	_ =	sdelay $0x1  }
0x64: {  	v8 =	vmul.f32 $1.767766920e-01, v8;
	_ =	sdelay $0x1  }
0x65: {  	v8 =	vmul.f32 $1.442695020e+00, v8;
	_ =	sdelay $0x1  }
0x66: {  	(erf) = vpow2.f32 v8;
	_ =	sdelay $0x6  }
0x67: {  	v8 =	vld [tilespmem:s15+$0xFFFFFE80];
	_ =	sdelay $0x1  }
0x68: {  	v48 =	vpop (erf)  }
0x69: {  	v49 =	vperm.xlane v48, v4;
	_ =	sdelay $0x1  }
0x6a: {  	v8 =	vmul.f32 v8, v49;
	_ =	sdelay $0x1  }
0x6b: {  	[tilespmem:s9+$0xFFFFFEE0] =	vst v8  }
0x6c: {  	v8 =	vld [tilespmem:s15+$0xFFFFFE90];
	_ =	sdelay $0x4  }
0x6d: {  	v8 =	vmul.f32 v8, v49;
	_ =	sdelay $0x1  }
0x6e: {  	[tilespmem:s9+$0xFFFFFEF0] =	vst v8  }
0x6f: {  	v8 =	vld [tilespmem:s15+$0xFFFFFEA0];
	_ =	sdelay $0x2  }
0x70: {  	v50 =	vperm.xlane v48, v5;
	_ =	sdelay $0x1  }
0x71: {  	v8 =	vmul.f32 v8, v50;
	_ =	sdelay $0x1  }
0x72: {  	[tilespmem:s9+$0xFFFFFF00] =	vst v8  }
0x73: {  	v8 =	vld [tilespmem:s15+$0xFFFFFEB0];
	_ =	sdelay $0x4  }
0x74: {  	v8 =	vmul.f32 v8, v50;
	_ =	sdelay $0x1  }
0x75: {  	[tilespmem:s9+$0xFFFFFF10] =	vst v8  }
0x76: {  	v8 =	vld [tilespmem:s15+$0xFFFFFEC0];
	_ =	sdelay $0x2  }
0x77: {  	v51 =	vperm.xlane v48, v6;
	_ =	sdelay $0x1  }
0x78: {  	v8 =	vmul.f32 v8, v51;
	_ =	sdelay $0x1  }
0x79: {  	[tilespmem:s9+$0xFFFFFF20] =	vst v8  }
0x7a: {  	v8 =	vld [tilespmem:s15+$0xFFFFFED0];
	_ =	sdelay $0x4  }
0x7b: {  	v8 =	vmul.f32 v8, v51;
	_ =	sdelay $0x1  }
0x7c: {  	[tilespmem:s9+$0xFFFFFF30] =	vst v8  }
0x7d: {  	v8 =	vld [tilespmem:s15+$0xFFFFFEE0];
	_ =	sdelay $0x2  }
0x7e: {  	v52 =	vperm.xlane v48, v7;
	_ =	sdelay $0x1  }
0x7f: {  	v8 =	vmul.f32 v8, v52;
	_ =	sdelay $0x1  }
0x80: {  	[tilespmem:s9+$0xFFFFFF40] =	vst v8  }
0x81: {  	v8 =	vld [tilespmem:s15+$0xFFFFFEF0];
	_ =	sdelay $0x4  }
0x82: {  	v8 =	vmul.f32 v8, v52;
	_ =	sdelay $0x1  }
0x83: {  	[tilespmem:s9+$0xFFFFFF50] =	vst v8;
	v8 =	vnsel vm3, $0x0, v48  }
0x84: {  	[tilespmem:s9+$0xFFFFFF60] =	vst v8  }
0x85: {  	v8 =	vld [tilespmem:s14+$0xFFFFFF80]  }
0x86: {  	v53 =	vld [tilespmem:s15+$0xFFFFFF00]  }
0x87: {  	v54 =	vld [tilespmem:s14+$0xFFFFFF90]  }
0x88: {  	v55 =	vld [tilespmem:s14+$0xFFFFFFA0]  }
0x89: {  	v56 =	vld [tilespmem:s15+$0xFFFFFF20]  }
0x8a: {  	v57 =	vld [tilespmem:s14+$0xFFFFFFB0]  }
0x8b: {  	v58 =	vld [tilespmem:s14+$0xFFFFFFC0]  }
0x8c: {  	v59 =	vld [tilespmem:s15+$0xFFFFFF40]  }
0x8d: {  	v60 =	vld [tilespmem:s14+$0xFFFFFFD0]  }
0x8e: {  	v61 =	vld [tilespmem:s15+$0xFFFFFF50]  }
0x8f: {  	v62 =	vld [tilespmem:s14+$0xFFFFFFE0]  }
0x90: {  	v63 =	vld [tilespmem:s15+$0xFFFFFF60]  }
0x91: {  	v24 =	vld [tilespmem:s14+$0xFFFFFFF0]  }
0x92: {  	v25 =	vld [tilespmem:s15+$0xFFFFFF70]  }
0x93: {  	v26 =	vld [tilespmem:s15+$0xFFFFFF30]  }
0x94: {  	v27 =	vld [tilespmem:s15+$0xFFFFFF10]  }
0x95: {  	v8 =	vmul.f32 v53, v8  }
0x96: {  	v28 =	vmul.f32 v59, v58;
	v29 =	vmul.f32 v61, v60  }
0x97: {  	v30 =	vmul.f32 v63, v62;
	v31 =	vmul.f32 v25, v24  }
0x98: {  	v11 =	vmul.f32 v56, v55;
	v32 =	vmul.f32 v26, v57  }
0x99: {  	v10 =	vmul.f32 v27, v54;
	v9 =	vadd.f32 v29, v28;
	v33 =	vadd.f32 v31, v30  }
0x9a: {  	v11 =	vadd.f32 v32, v11  }
0x9b: {  	v8 =	vadd.f32 v10, v8;
	v34 =	vperm.xlane v9, v0;
	v35 =	vperm.xlane v33, v0  }
0x9c: {  	v36 =	vperm.xlane v11, v0  }
0x9d: {  	v37 =	vperm.xlane v8, v0;
	v9 =	vadd.f32 v34, v9;
	v38 =	vadd.f32 v35, v33  }
0x9e: {  	v11 =	vadd.f32 v36, v11  }
0x9f: {  	v8 =	vadd.f32 v37, v8;
	v39 =	vperm.xlane v9, v1;
	v13 =	vperm.xlane v38, v1  }
0xa0: {  	v14 =	vperm.xlane v11, v1  }
0xa1: {  	v15 =	vperm.xlane v8, v1;
	v9 =	vadd.f32 v39, v9;
	v10 =	vadd.f32 v13, v38  }
0xa2: {  	v11 =	vadd.f32 v14, v11  }
0xa3: {  	v8 =	vadd.f32 v15, v8;
	v9 =	vsel vm0, v10, v9  }
0xa4: {  	v9 =	vsel vm1, v9, v11  }
0xa5: {  	v8 =	vsel vm2, v8, v9  }
0xa6: {  	v9 =	vperm.xlane v8, v2;
	_ =	sdelay $0x1  }
0xa7: {  	v8 =	vadd.f32 v8, v9;
	_ =	sdelay $0x1  }
0xa8: {  	v9 =	vperm.xlane v8, v3;
	_ =	sdelay $0x1  }
0xa9: {  	v8 =	vadd.f32 v8, v9;
	_ =	sdelay $0x1  }
0xaa: {  	v8 =	vmul.f32 $1.767766920e-01, v8;
	_ =	sdelay $0x1  }
0xab: {  	v8 =	vmul.f32 $1.442695020e+00, v8;
	_ =	sdelay $0x1  }
0xac: {  	(erf) = vpow2.f32 v8;
	_ =	sdelay $0x6  }
0xad: {  	v8 =	vld [tilespmem:s15+$0xFFFFFF80];
	_ =	sdelay $0x1  }
0xae: {  	v40 =	vpop (erf)  }
0xaf: {  	v41 =	vperm.xlane v40, v4;
	_ =	sdelay $0x1  }
0xb0: {  	v8 =	vmul.f32 v8, v41;
	_ =	sdelay $0x1  }
0xb1: {  	[tilespmem:s9+$0xFFFFFF70] =	vst v8  }
0xb2: {  	v8 =	vld [tilespmem:s15+$0xFFFFFF90];
	_ =	sdelay $0x4  }
0xb3: {  	v8 =	vmul.f32 v8, v41;
	_ =	sdelay $0x1  }
0xb4: {  	[tilespmem:s9+$0xFFFFFF80] =	vst v8  }
0xb5: {  	v8 =	vld [tilespmem:s15+$0xFFFFFFA0];
	_ =	sdelay $0x2  }
0xb6: {  	v42 =	vperm.xlane v40, v5;
	_ =	sdelay $0x1  }
0xb7: {  	v8 =	vmul.f32 v8, v42;
	_ =	sdelay $0x1  }
0xb8: {  	[tilespmem:s9+$0xFFFFFF90] =	vst v8  }
0xb9: {  	v8 =	vld [tilespmem:s15+$0xFFFFFFB0];
	_ =	sdelay $0x4  }
0xba: {  	v8 =	vmul.f32 v8, v42;
	_ =	sdelay $0x1  }
0xbb: {  	[tilespmem:s9+$0xFFFFFFA0] =	vst v8  }
0xbc: {  	v8 =	vld [tilespmem:s15+$0xFFFFFFC0];
	_ =	sdelay $0x2  }
0xbd: {  	v43 =	vperm.xlane v40, v6;
	_ =	sdelay $0x1  }
0xbe: {  	v8 =	vmul.f32 v8, v43;
	_ =	sdelay $0x1  }
0xbf: {  	[tilespmem:s9+$0xFFFFFFB0] =	vst v8  }
0xc0: {  	v8 =	vld [tilespmem:s15+$0xFFFFFFD0];
	_ =	sdelay $0x4  }
0xc1: {  	v8 =	vmul.f32 v8, v43;
	_ =	sdelay $0x1  }
0xc2: {  	[tilespmem:s9+$0xFFFFFFC0] =	vst v8  }
0xc3: {  	v8 =	vld [tilespmem:s15+$0xFFFFFFE0];
	_ =	sdelay $0x2  }
0xc4: {  	v44 =	vperm.xlane v40, v7;
	_ =	sdelay $0x1  }
0xc5: {  	v8 =	vmul.f32 v8, v44;
	_ =	sdelay $0x1  }
0xc6: {  	[tilespmem:s9+$0xFFFFFFD0] =	vst v8  }
0xc7: {  	v8 =	vld [tilespmem:s15+$0xFFFFFFF0];
	_ =	sdelay $0x4  }
0xc8: {  	v8 =	vmul.f32 v8, v44;
	_ =	sdelay $0x1  }
0xc9: {  	[tilespmem:s9+$0xFFFFFFE0] =	vst v8;
	v8 =	vnsel vm3, $0x0, v40  }
0xca: {  	[tilespmem:s9+$0xFFFFFFF0] =	vst v8  }
0xcb: {  	v8 =	vld [tilespmem:s14+$0x0]  }
0xcc: {  	v45 =	vld [tilespmem:s15+$0x0]  }
0xcd: {  	v46 =	vld [tilespmem:s14+$0x10]  }
0xce: {  	v47 =	vld [tilespmem:s14+$0x20]  }
0xcf: {  	v48 =	vld [tilespmem:s15+$0x20]  }
0xd0: {  	v49 =	vld [tilespmem:s14+$0x30]  }
0xd1: {  	v50 =	vld [tilespmem:s14+$0x40]  }
0xd2: {  	v51 =	vld [tilespmem:s15+$0x40]  }
0xd3: {  	v52 =	vld [tilespmem:s14+$0x50]  }
0xd4: {  	v53 =	vld [tilespmem:s15+$0x50]  }
0xd5: {  	v54 =	vld [tilespmem:s14+$0x60]  }
0xd6: {  	v55 =	vld [tilespmem:s15+$0x60]  }
0xd7: {  	v56 =	vld [tilespmem:s14+$0x70]  }
0xd8: {  	v57 =	vld [tilespmem:s15+$0x70]  }
0xd9: {  	v58 =	vld [tilespmem:s15+$0x30]  }
0xda: {  	v59 =	vld [tilespmem:s15+$0x10]  }
0xdb: {  	v8 =	vmul.f32 v45, v8  }
0xdc: {  	v60 =	vmul.f32 v51, v50;
	v61 =	vmul.f32 v53, v52  }
0xdd: {  	v62 =	vmul.f32 v55, v54;
	v63 =	vmul.f32 v57, v56  }
0xde: {  	v11 =	vmul.f32 v48, v47;
	v19 =	vmul.f32 v58, v49  }
0xdf: {  	v10 =	vmul.f32 v59, v46;
	v9 =	vadd.f32 v61, v60;
	v20 =	vadd.f32 v63, v62  }
0xe0: {  	v11 =	vadd.f32 v19, v11  }
0xe1: {  	v8 =	vadd.f32 v10, v8;
	v21 =	vperm.xlane v9, v0;
	v22 =	vperm.xlane v20, v0  }
0xe2: {  	v23 =	vperm.xlane v11, v0  }
0xe3: {  	v24 =	vperm.xlane v8, v0;
	v9 =	vadd.f32 v21, v9;
	v25 =	vadd.f32 v22, v20  }
0xe4: {  	v11 =	vadd.f32 v23, v11  }
0xe5: {  	v8 =	vadd.f32 v24, v8;
	v26 =	vperm.xlane v9, v1;
	v13 =	vperm.xlane v25, v1  }
0xe6: {  	v14 =	vperm.xlane v11, v1  }
0xe7: {  	v15 =	vperm.xlane v8, v1;
	v9 =	vadd.f32 v26, v9;
	v10 =	vadd.f32 v13, v25  }
0xe8: {  	v11 =	vadd.f32 v14, v11  }
0xe9: {  	v8 =	vadd.f32 v15, v8;
	v9 =	vsel vm0, v10, v9  }
0xea: {  	v9 =	vsel vm1, v9, v11  }
0xeb: {  	v8 =	vsel vm2, v8, v9  }
0xec: {  	v9 =	vperm.xlane v8, v2;
	_ =	sdelay $0x1  }
0xed: {  	v8 =	vadd.f32 v8, v9;
	_ =	sdelay $0x1  }
0xee: {  	v9 =	vperm.xlane v8, v3;
	_ =	sdelay $0x1  }
0xef: {  	v8 =	vadd.f32 v8, v9;
	_ =	sdelay $0x1  }
0xf0: {  	v8 =	vmul.f32 $1.767766920e-01, v8;
	_ =	sdelay $0x1  }
0xf1: {  	v8 =	vmul.f32 $1.442695020e+00, v8;
	_ =	sdelay $0x1  }
0xf2: {  	(erf) = vpow2.f32 v8;
	_ =	sdelay $0x6  }
0xf3: {  	v8 =	vld [tilespmem:s15+$0x80];
	_ =	sdelay $0x1  }
0xf4: {  	v27 =	vpop (erf)  }
0xf5: {  	v28 =	vperm.xlane v27, v4;
	_ =	sdelay $0x1  }
0xf6: {  	v8 =	vmul.f32 v8, v28;
	_ =	sdelay $0x1  }
0xf7: {  	[tilespmem:s9+$0x0] =	vst v8  }
0xf8: {  	v8 =	vld [tilespmem:s15+$0x90];
	_ =	sdelay $0x4  }
0xf9: {  	v8 =	vmul.f32 v8, v28;
	_ =	sdelay $0x1  }
0xfa: {  	[tilespmem:s9+$0x10] =	vst v8  }
0xfb: {  	v8 =	vld [tilespmem:s15+$0xA0];
	_ =	sdelay $0x2  }
0xfc: {  	v29 =	vperm.xlane v27, v5;
	_ =	sdelay $0x1  }
0xfd: {  	v8 =	vmul.f32 v8, v29;
	_ =	sdelay $0x1  }
0xfe: {  	[tilespmem:s9+$0x20] =	vst v8  }
0xff: {  	v8 =	vld [tilespmem:s15+$0xB0];
	_ =	sdelay $0x4  }
0x100: {  	v8 =	vmul.f32 v8, v29;
	_ =	sdelay $0x1  }
0x101: {  	[tilespmem:s9+$0x30] =	vst v8  }
0x102: {  	v8 =	vld [tilespmem:s15+$0xC0];
	_ =	sdelay $0x2  }
0x103: {  	v30 =	vperm.xlane v27, v6;
	_ =	sdelay $0x1  }
0x104: {  	v8 =	vmul.f32 v8, v30;
	_ =	sdelay $0x1  }
0x105: {  	[tilespmem:s9+$0x40] =	vst v8  }
0x106: {  	v8 =	vld [tilespmem:s15+$0xD0];
	_ =	sdelay $0x4  }
0x107: {  	v8 =	vmul.f32 v8, v30;
	_ =	sdelay $0x1  }
0x108: {  	[tilespmem:s9+$0x50] =	vst v8  }
0x109: {  	v8 =	vld [tilespmem:s15+$0xE0];
	_ =	sdelay $0x2  }
0x10a: {  	v31 =	vperm.xlane v27, v7;
	_ =	sdelay $0x1  }
0x10b: {  	v8 =	vmul.f32 v8, v31;
	_ =	sdelay $0x1  }
0x10c: {  	[tilespmem:s9+$0x60] =	vst v8  }
0x10d: {  	v8 =	vld [tilespmem:s15+$0xF0];
	_ =	sdelay $0x4  }
0x10e: {  	v8 =	vmul.f32 v8, v31;
	_ =	sdelay $0x1  }
0x10f: {  	[tilespmem:s9+$0x70] =	vst v8;
	v8 =	vnsel vm3, $0x0, v27  }
0x110: {  	[tilespmem:s9+$0x80] =	vst v8  }
0x111: {  	v8 =	vld [tilespmem:s14+$0x80]  }
0x112: {  	v32 =	vld [tilespmem:s15+$0x100]  }
0x113: {  	v33 =	vld [tilespmem:s14+$0x90]  }
0x114: {  	v34 =	vld [tilespmem:s14+$0xA0]  }
0x115: {  	v35 =	vld [tilespmem:s15+$0x120]  }
0x116: {  	v36 =	vld [tilespmem:s14+$0xB0]  }
0x117: {  	v37 =	vld [tilespmem:s14+$0xC0]  }
0x118: {  	v38 =	vld [tilespmem:s15+$0x140]  }
0x119: {  	v39 =	vld [tilespmem:s14+$0xD0]  }
0x11a: {  	v40 =	vld [tilespmem:s15+$0x150]  }
0x11b: {  	v41 =	vld [tilespmem:s14+$0xE0]  }
0x11c: {  	v42 =	vld [tilespmem:s15+$0x160]  }
0x11d: {  	v43 =	vld [tilespmem:s14+$0xF0]  }
0x11e: {  	v44 =	vld [tilespmem:s15+$0x170]  }
0x11f: {  	v45 =	vld [tilespmem:s15+$0x130]  }
0x120: {  	v46 =	vld [tilespmem:s15+$0x110]  }
0x121: {  	v8 =	vmul.f32 v32, v8  }
0x122: {  	v47 =	vmul.f32 v38, v37;
	v48 =	vmul.f32 v40, v39  }
0x123: {  	v49 =	vmul.f32 v42, v41;
	v50 =	vmul.f32 v44, v43  }
0x124: {  	v11 =	vmul.f32 v35, v34;
	v51 =	vmul.f32 v45, v36  }
0x125: {  	v10 =	vmul.f32 v46, v33;
	v9 =	vadd.f32 v48, v47;
	v52 =	vadd.f32 v50, v49  }
0x126: {  	v11 =	vadd.f32 v51, v11  }
0x127: {  	v8 =	vadd.f32 v10, v8;
	v53 =	vperm.xlane v9, v0;
	v54 =	vperm.xlane v52, v0  }
0x128: {  	v55 =	vperm.xlane v11, v0  }
0x129: {  	v56 =	vperm.xlane v8, v0;
	v9 =	vadd.f32 v53, v9;
	v57 =	vadd.f32 v54, v52  }
0x12a: {  	v11 =	vadd.f32 v55, v11  }
0x12b: {  	v8 =	vadd.f32 v56, v8;
	v58 =	vperm.xlane v9, v1;
	v13 =	vperm.xlane v57, v1  }
0x12c: {  	v14 =	vperm.xlane v11, v1  }
0x12d: {  	v15 =	vperm.xlane v8, v1;
	v9 =	vadd.f32 v58, v9;
	v10 =	vadd.f32 v13, v57  }
0x12e: {  	v11 =	vadd.f32 v14, v11  }
0x12f: {  	v8 =	vadd.f32 v15, v8;
	v9 =	vsel vm0, v10, v9  }
0x130: {  	v9 =	vsel vm1, v9, v11  }
0x131: {  	v8 =	vsel vm2, v8, v9  }
0x132: {  	v9 =	vperm.xlane v8, v2;
	_ =	sdelay $0x1  }
0x133: {  	v8 =	vadd.f32 v8, v9;
	_ =	sdelay $0x1  }
0x134: {  	v9 =	vperm.xlane v8, v3;
	_ =	sdelay $0x1  }
0x135: {  	v8 =	vadd.f32 v8, v9;
	_ =	sdelay $0x1  }
0x136: {  	v8 =	vmul.f32 $1.767766920e-01, v8;
	_ =	sdelay $0x1  }
0x137: {  	v8 =	vmul.f32 $1.442695020e+00, v8;
	_ =	sdelay $0x1  }
0x138: {  	(erf) = vpow2.f32 v8;
	_ =	sdelay $0x6  }
0x139: {  	v8 =	vld [tilespmem:s15+$0x180];
	_ =	sdelay $0x1  }
0x13a: {  	v59 =	vpop (erf)  }
0x13b: {  	v60 =	vperm.xlane v59, v4;
	_ =	sdelay $0x1  }
0x13c: {  	v8 =	vmul.f32 v8, v60;
	_ =	sdelay $0x1  }
0x13d: {  	[tilespmem:s9+$0x90] =	vst v8  }
0x13e: {  	v8 =	vld [tilespmem:s15+$0x190];
	_ =	sdelay $0x4  }
0x13f: {  	v8 =	vmul.f32 v8, v60;
	_ =	sdelay $0x1  }
0x140: {  	[tilespmem:s9+$0xA0] =	vst v8  }
0x141: {  	v8 =	vld [tilespmem:s15+$0x1A0];
	_ =	sdelay $0x2  }
0x142: {  	v61 =	vperm.xlane v59, v5;
	_ =	sdelay $0x1  }
0x143: {  	v8 =	vmul.f32 v8, v61;
	_ =	sdelay $0x1  }
0x144: {  	[tilespmem:s9+$0xB0] =	vst v8  }
0x145: {  	v8 =	vld [tilespmem:s15+$0x1B0];
	_ =	sdelay $0x4  }
0x146: {  	v8 =	vmul.f32 v8, v61;
	_ =	sdelay $0x1  }
0x147: {  	[tilespmem:s9+$0xC0] =	vst v8  }
0x148: {  	v8 =	vld [tilespmem:s15+$0x1C0];
	_ =	sdelay $0x2  }
0x149: {  	v62 =	vperm.xlane v59, v6;
	_ =	sdelay $0x1  }
0x14a: {  	v8 =	vmul.f32 v8, v62;
	_ =	sdelay $0x1  }
0x14b: {  	[tilespmem:s9+$0xD0] =	vst v8  }
0x14c: {  	v8 =	vld [tilespmem:s15+$0x1D0];
	_ =	sdelay $0x4  }
0x14d: {  	v8 =	vmul.f32 v8, v62;
	_ =	sdelay $0x1  }
0x14e: {  	[tilespmem:s9+$0xE0] =	vst v8  }
0x14f: {  	v8 =	vld [tilespmem:s15+$0x1E0];
	_ =	sdelay $0x2  }
0x150: {  	v63 =	vperm.xlane v59, v7;
	_ =	sdelay $0x1  }
0x151: {  	v8 =	vmul.f32 v8, v63;
	_ =	sdelay $0x1  }
0x152: {  	[tilespmem:s9+$0xF0] =	vst v8  }
0x153: {  	v8 =	vld [tilespmem:s15+$0x1F0];
	_ =	sdelay $0x1  }
0x154: {  	s11 =	sadd.s32 $0x4, s11  }
0x155: {  	p0 =	slt.u32 s11, $0x24  }
.Ltmp0:
0x156: {  	_ = 	snop;
	(pc) =	sbr.rel @p0 .LBB2_3-.Ltmp0, $3  }
0x157: {  	v8 =	vmul.f32 v8, v63;
	_ =	sdelay $0x1  }
0x158: {  	[tilespmem:s9+$0x100] =	vst v8;
	v8 =	vnsel vm3, $0x0, v59  }
0x159: {  	s14 =	sadd.s32 $0x200, s14;
	s15 =	sadd.s32 $0x400, s15;
	[tilespmem:s9+$0x110] =	vst v8;
	s9 =	sadd.s32 $0x240, s9  }
0x15a: {  	s9 =	smin.u32 s10, $0xF7  }
0x15b: {  	s9 =	smul.u32 $0x28, s9  }
0x15c: {  	[spmem:s2] =	stream.indirect.scatter.add.f32 [tilespmem:s29], [sflag:$0x6], $0x90, s18, s18, $0xb8;
	[tilespmem:$0x1F720] =	vst v63  }
0x15d: {  	_ =	swait.ge [sflag:s30], $0x1680;
	s9 =	sadd.s32 s9, s13  }
0x15e: {  	[sflag:s30] =	ssyncset.done $0x0;
	s9 =	sshrl.u32 s9, $0x3  }
0x15f: {  	[sflag:s30] =	ssyncadd.s32 $0xFFFFE980;
	s15 =	sadd.s32 s6, s9  }
0x160: {  	[tilespmem:s4], [sflag:$0x5] =	stream.linear.gather [hbm4b:s15+s4], $0x28, $0x38;
	[tilespmem:$0x1F720] =	vst v63  }
0x161: {  	s9 =	sadd.s32 s7, s9  }
0x162: {  	[tilespmem:s18], [sflag:$0x5] =	stream.linear.gather [hbm4b:s9+s4], $0x28, $0x38;
	[tilespmem:$0x1F720] =	vst v63  }
0x163: {  	_ =	swait.ge [sflag:s31], $0x1400  }
0x164: {  	[sflag:s31] =	ssyncset.done $0x0  }
0x165: {  	[sflag:s31] =	ssyncadd.s32 $0xFFFFEC00  }
0x166: {  	_ =	swait.ge [sflag:s1], $0x2800  }
0x167: {  	[sflag:s1] =	ssyncset.done $0x0  }
0x168: {  	[sflag:s1] =	ssyncadd.s32 $0xFFFFD800  }
0x169: {  	_ =	swait.ge [sflag:s25], $0x28  }
0x16a: {  	[sflag:s25] =	ssyncset.done $0x0  }
0x16b: {  	[sflag:s25] =	ssyncadd.s32 $0xFFFFFFD8  }
0x16c: {  	_ =	swait.ge [sflag:s25], $0x28  }
0x16d: {  	[sflag:s25] =	ssyncset.done $0x0  }
0x16e: {  	s10 =	simm.s32 $0xFFFFFFFC;
	[sflag:s25] =	ssyncadd.s32 $0xFFFFFFD8  }
0x16f: {  	[tilespmem:s19], [sflag:$0x1] =	stream.indirect.gather [hbm4b:s0+s18], $0x80, s18, s18, $0xb8;
	[tilespmem:$0x1F720] =	vst v63  }
0x170: {  	s11 =	simm.s32 $0x15A0;
	s14 =	simm.s32 $0x52A0;
	s9 =	simm.s32 $0x79C0  }
0x171: {  	[tilespmem:s20], [sflag:$0x3] =	stream.indirect.gather [hbm4b:s5+s18], $0x100, s4, s18, $0xb8;
	[tilespmem:$0x1F720] =	vst v63  }
.LBB2_5:
0x172: {  	v8 =	vld [tilespmem:s11+$0xFFFFFF00]  }
0x173: {  	v9 =	vld [tilespmem:s14+$0xFFFFFE00]  }
0x174: {  	v10 =	vld [tilespmem:s11+$0xFFFFFF10]  }
0x175: {  	v11 =	vld [tilespmem:s11+$0xFFFFFF20]  }
0x176: {  	v12 =	vld [tilespmem:s14+$0xFFFFFE20]  }
0x177: {  	v13 =	vld [tilespmem:s11+$0xFFFFFF30]  }
0x178: {  	v14 =	vld [tilespmem:s11+$0xFFFFFF40]  }
0x179: {  	v15 =	vld [tilespmem:s14+$0xFFFFFE40]  }
0x17a: {  	v16 =	vld [tilespmem:s11+$0xFFFFFF50]  }
0x17b: {  	v17 =	vld [tilespmem:s14+$0xFFFFFE50]  }
0x17c: {  	v18 =	vld [tilespmem:s11+$0xFFFFFF60]  }
0x17d: {  	v19 =	vld [tilespmem:s14+$0xFFFFFE60]  }
0x17e: {  	v20 =	vld [tilespmem:s11+$0xFFFFFF70]  }
0x17f: {  	v21 =	vld [tilespmem:s14+$0xFFFFFE70]  }
0x180: {  	v22 =	vld [tilespmem:s14+$0xFFFFFE30]  }
0x181: {  	v23 =	vld [tilespmem:s14+$0xFFFFFE10]  }
0x182: {  	v8 =	vmul.f32 v9, v8  }
0x183: {  	v36 =	vmul.f32 v15, v14;
	v37 =	vmul.f32 v17, v16  }
0x184: {  	v38 =	vmul.f32 v19, v18;
	v39 =	vmul.f32 v21, v20  }
0x185: {  	v11 =	vmul.f32 v12, v11;
	v40 =	vmul.f32 v22, v13  }
0x186: {  	v10 =	vmul.f32 v23, v10;
	v9 =	vadd.f32 v37, v36;
	v41 =	vadd.f32 v39, v38  }
0x187: {  	v11 =	vadd.f32 v40, v11  }
0x188: {  	v8 =	vadd.f32 v10, v8;
	v42 =	vperm.xlane v9, v0;
	v43 =	vperm.xlane v41, v0  }
0x189: {  	v44 =	vperm.xlane v11, v0  }
0x18a: {  	v45 =	vperm.xlane v8, v0;
	v9 =	vadd.f32 v42, v9;
	v46 =	vadd.f32 v43, v41  }
0x18b: {  	v11 =	vadd.f32 v44, v11  }
0x18c: {  	v8 =	vadd.f32 v45, v8;
	v47 =	vperm.xlane v9, v1;
	v13 =	vperm.xlane v46, v1  }
0x18d: {  	v14 =	vperm.xlane v11, v1  }
0x18e: {  	v15 =	vperm.xlane v8, v1;
	v9 =	vadd.f32 v47, v9;
	v10 =	vadd.f32 v13, v46  }
0x18f: {  	v11 =	vadd.f32 v14, v11  }
0x190: {  	v8 =	vadd.f32 v15, v8;
	v9 =	vsel vm0, v10, v9  }
0x191: {  	v9 =	vsel vm1, v9, v11  }
0x192: {  	v8 =	vsel vm2, v8, v9  }
0x193: {  	v9 =	vperm.xlane v8, v2;
	_ =	sdelay $0x1  }
0x194: {  	v8 =	vadd.f32 v8, v9;
	_ =	sdelay $0x1  }
0x195: {  	v9 =	vperm.xlane v8, v3;
	_ =	sdelay $0x1  }
0x196: {  	v8 =	vadd.f32 v8, v9;
	_ =	sdelay $0x1  }
0x197: {  	v8 =	vmul.f32 $1.767766920e-01, v8;
	_ =	sdelay $0x1  }
0x198: {  	v8 =	vmul.f32 $1.442695020e+00, v8;
	_ =	sdelay $0x1  }
0x199: {  	(erf) = vpow2.f32 v8;
	_ =	sdelay $0x6  }
0x19a: {  	v8 =	vld [tilespmem:s14+$0xFFFFFE80];
	_ =	sdelay $0x1  }
0x19b: {  	v48 =	vpop (erf)  }
0x19c: {  	v49 =	vperm.xlane v48, v4;
	_ =	sdelay $0x1  }
0x19d: {  	v8 =	vmul.f32 v8, v49;
	_ =	sdelay $0x1  }
0x19e: {  	[tilespmem:s9+$0xFFFFFEE0] =	vst v8  }
0x19f: {  	v8 =	vld [tilespmem:s14+$0xFFFFFE90];
	_ =	sdelay $0x4  }
0x1a0: {  	v8 =	vmul.f32 v8, v49;
	_ =	sdelay $0x1  }
0x1a1: {  	[tilespmem:s9+$0xFFFFFEF0] =	vst v8  }
0x1a2: {  	v8 =	vld [tilespmem:s14+$0xFFFFFEA0];
	_ =	sdelay $0x2  }
0x1a3: {  	v50 =	vperm.xlane v48, v5;
	_ =	sdelay $0x1  }
0x1a4: {  	v8 =	vmul.f32 v8, v50;
	_ =	sdelay $0x1  }
0x1a5: {  	[tilespmem:s9+$0xFFFFFF00] =	vst v8  }
0x1a6: {  	v8 =	vld [tilespmem:s14+$0xFFFFFEB0];
	_ =	sdelay $0x4  }
0x1a7: {  	v8 =	vmul.f32 v8, v50;
	_ =	sdelay $0x1  }
0x1a8: {  	[tilespmem:s9+$0xFFFFFF10] =	vst v8  }
0x1a9: {  	v8 =	vld [tilespmem:s14+$0xFFFFFEC0];
	_ =	sdelay $0x2  }
0x1aa: {  	v51 =	vperm.xlane v48, v6;
	_ =	sdelay $0x1  }
0x1ab: {  	v8 =	vmul.f32 v8, v51;
	_ =	sdelay $0x1  }
0x1ac: {  	[tilespmem:s9+$0xFFFFFF20] =	vst v8  }
0x1ad: {  	v8 =	vld [tilespmem:s14+$0xFFFFFED0];
	_ =	sdelay $0x4  }
0x1ae: {  	v8 =	vmul.f32 v8, v51;
	_ =	sdelay $0x1  }
0x1af: {  	[tilespmem:s9+$0xFFFFFF30] =	vst v8  }
0x1b0: {  	v8 =	vld [tilespmem:s14+$0xFFFFFEE0];
	_ =	sdelay $0x2  }
0x1b1: {  	v52 =	vperm.xlane v48, v7;
	_ =	sdelay $0x1  }
0x1b2: {  	v8 =	vmul.f32 v8, v52;
	_ =	sdelay $0x1  }
0x1b3: {  	[tilespmem:s9+$0xFFFFFF40] =	vst v8  }
0x1b4: {  	v8 =	vld [tilespmem:s14+$0xFFFFFEF0];
	_ =	sdelay $0x4  }
0x1b5: {  	v8 =	vmul.f32 v8, v52;
	_ =	sdelay $0x1  }
0x1b6: {  	[tilespmem:s9+$0xFFFFFF50] =	vst v8;
	v8 =	vnsel vm3, $0x0, v48  }
0x1b7: {  	[tilespmem:s9+$0xFFFFFF60] =	vst v8  }
0x1b8: {  	v8 =	vld [tilespmem:s11+$0xFFFFFF80]  }
0x1b9: {  	v53 =	vld [tilespmem:s14+$0xFFFFFF00]  }
0x1ba: {  	v54 =	vld [tilespmem:s11+$0xFFFFFF90]  }
0x1bb: {  	v55 =	vld [tilespmem:s11+$0xFFFFFFA0]  }
0x1bc: {  	v56 =	vld [tilespmem:s14+$0xFFFFFF20]  }
0x1bd: {  	v57 =	vld [tilespmem:s11+$0xFFFFFFB0]  }
0x1be: {  	v58 =	vld [tilespmem:s11+$0xFFFFFFC0]  }
0x1bf: {  	v59 =	vld [tilespmem:s14+$0xFFFFFF40]  }
0x1c0: {  	v60 =	vld [tilespmem:s11+$0xFFFFFFD0]  }
0x1c1: {  	v61 =	vld [tilespmem:s14+$0xFFFFFF50]  }
0x1c2: {  	v62 =	vld [tilespmem:s11+$0xFFFFFFE0]  }
0x1c3: {  	v63 =	vld [tilespmem:s14+$0xFFFFFF60]  }
0x1c4: {  	v24 =	vld [tilespmem:s11+$0xFFFFFFF0]  }
0x1c5: {  	v25 =	vld [tilespmem:s14+$0xFFFFFF70]  }
0x1c6: {  	v26 =	vld [tilespmem:s14+$0xFFFFFF30]  }
0x1c7: {  	v27 =	vld [tilespmem:s14+$0xFFFFFF10]  }
0x1c8: {  	v8 =	vmul.f32 v53, v8  }
0x1c9: {  	v28 =	vmul.f32 v59, v58;
	v29 =	vmul.f32 v61, v60  }
0x1ca: {  	v30 =	vmul.f32 v63, v62;
	v31 =	vmul.f32 v25, v24  }
0x1cb: {  	v11 =	vmul.f32 v56, v55;
	v32 =	vmul.f32 v26, v57  }
0x1cc: {  	v10 =	vmul.f32 v27, v54;
	v9 =	vadd.f32 v29, v28;
	v33 =	vadd.f32 v31, v30  }
0x1cd: {  	v11 =	vadd.f32 v32, v11  }
0x1ce: {  	v8 =	vadd.f32 v10, v8;
	v34 =	vperm.xlane v9, v0;
	v35 =	vperm.xlane v33, v0  }
0x1cf: {  	v36 =	vperm.xlane v11, v0  }
0x1d0: {  	v37 =	vperm.xlane v8, v0;
	v9 =	vadd.f32 v34, v9;
	v38 =	vadd.f32 v35, v33  }
0x1d1: {  	v11 =	vadd.f32 v36, v11  }
0x1d2: {  	v8 =	vadd.f32 v37, v8;
	v39 =	vperm.xlane v9, v1;
	v13 =	vperm.xlane v38, v1  }
0x1d3: {  	v14 =	vperm.xlane v11, v1  }
0x1d4: {  	v15 =	vperm.xlane v8, v1;
	v9 =	vadd.f32 v39, v9;
	v10 =	vadd.f32 v13, v38  }
0x1d5: {  	v11 =	vadd.f32 v14, v11  }
0x1d6: {  	v8 =	vadd.f32 v15, v8;
	v9 =	vsel vm0, v10, v9  }
0x1d7: {  	v9 =	vsel vm1, v9, v11  }
0x1d8: {  	v8 =	vsel vm2, v8, v9  }
0x1d9: {  	v9 =	vperm.xlane v8, v2;
	_ =	sdelay $0x1  }
0x1da: {  	v8 =	vadd.f32 v8, v9;
	_ =	sdelay $0x1  }
0x1db: {  	v9 =	vperm.xlane v8, v3;
	_ =	sdelay $0x1  }
0x1dc: {  	v8 =	vadd.f32 v8, v9;
	_ =	sdelay $0x1  }
0x1dd: {  	v8 =	vmul.f32 $1.767766920e-01, v8;
	_ =	sdelay $0x1  }
0x1de: {  	v8 =	vmul.f32 $1.442695020e+00, v8;
	_ =	sdelay $0x1  }
0x1df: {  	(erf) = vpow2.f32 v8;
	_ =	sdelay $0x6  }
0x1e0: {  	v8 =	vld [tilespmem:s14+$0xFFFFFF80];
	_ =	sdelay $0x1  }
0x1e1: {  	v40 =	vpop (erf)  }
0x1e2: {  	v41 =	vperm.xlane v40, v4;
	_ =	sdelay $0x1  }
0x1e3: {  	v8 =	vmul.f32 v8, v41;
	_ =	sdelay $0x1  }
0x1e4: {  	[tilespmem:s9+$0xFFFFFF70] =	vst v8  }
0x1e5: {  	v8 =	vld [tilespmem:s14+$0xFFFFFF90];
	_ =	sdelay $0x4  }
0x1e6: {  	v8 =	vmul.f32 v8, v41;
	_ =	sdelay $0x1  }
0x1e7: {  	[tilespmem:s9+$0xFFFFFF80] =	vst v8  }
0x1e8: {  	v8 =	vld [tilespmem:s14+$0xFFFFFFA0];
	_ =	sdelay $0x2  }
0x1e9: {  	v42 =	vperm.xlane v40, v5;
	_ =	sdelay $0x1  }
0x1ea: {  	v8 =	vmul.f32 v8, v42;
	_ =	sdelay $0x1  }
0x1eb: {  	[tilespmem:s9+$0xFFFFFF90] =	vst v8  }
0x1ec: {  	v8 =	vld [tilespmem:s14+$0xFFFFFFB0];
	_ =	sdelay $0x4  }
0x1ed: {  	v8 =	vmul.f32 v8, v42;
	_ =	sdelay $0x1  }
0x1ee: {  	[tilespmem:s9+$0xFFFFFFA0] =	vst v8  }
0x1ef: {  	v8 =	vld [tilespmem:s14+$0xFFFFFFC0];
	_ =	sdelay $0x2  }
0x1f0: {  	v43 =	vperm.xlane v40, v6;
	_ =	sdelay $0x1  }
0x1f1: {  	v8 =	vmul.f32 v8, v43;
	_ =	sdelay $0x1  }
0x1f2: {  	[tilespmem:s9+$0xFFFFFFB0] =	vst v8  }
0x1f3: {  	v8 =	vld [tilespmem:s14+$0xFFFFFFD0];
	_ =	sdelay $0x4  }
0x1f4: {  	v8 =	vmul.f32 v8, v43;
	_ =	sdelay $0x1  }
0x1f5: {  	[tilespmem:s9+$0xFFFFFFC0] =	vst v8  }
0x1f6: {  	v8 =	vld [tilespmem:s14+$0xFFFFFFE0];
	_ =	sdelay $0x2  }
0x1f7: {  	v44 =	vperm.xlane v40, v7;
	_ =	sdelay $0x1  }
0x1f8: {  	v8 =	vmul.f32 v8, v44;
	_ =	sdelay $0x1  }
0x1f9: {  	[tilespmem:s9+$0xFFFFFFD0] =	vst v8  }
0x1fa: {  	v8 =	vld [tilespmem:s14+$0xFFFFFFF0];
	_ =	sdelay $0x4  }
0x1fb: {  	v8 =	vmul.f32 v8, v44;
	_ =	sdelay $0x1  }
0x1fc: {  	[tilespmem:s9+$0xFFFFFFE0] =	vst v8;
	v8 =	vnsel vm3, $0x0, v40  }
0x1fd: {  	[tilespmem:s9+$0xFFFFFFF0] =	vst v8  }
0x1fe: {  	v8 =	vld [tilespmem:s11+$0x0]  }
0x1ff: {  	v45 =	vld [tilespmem:s14+$0x0]  }
0x200: {  	v46 =	vld [tilespmem:s11+$0x10]  }
0x201: {  	v47 =	vld [tilespmem:s11+$0x20]  }
0x202: {  	v48 =	vld [tilespmem:s14+$0x20]  }
0x203: {  	v49 =	vld [tilespmem:s11+$0x30]  }
0x204: {  	v50 =	vld [tilespmem:s11+$0x40]  }
0x205: {  	v51 =	vld [tilespmem:s14+$0x40]  }
0x206: {  	v52 =	vld [tilespmem:s11+$0x50]  }
0x207: {  	v53 =	vld [tilespmem:s14+$0x50]  }
0x208: {  	v54 =	vld [tilespmem:s11+$0x60]  }
0x209: {  	v55 =	vld [tilespmem:s14+$0x60]  }
0x20a: {  	v56 =	vld [tilespmem:s11+$0x70]  }
0x20b: {  	v57 =	vld [tilespmem:s14+$0x70]  }
0x20c: {  	v58 =	vld [tilespmem:s14+$0x30]  }
0x20d: {  	v59 =	vld [tilespmem:s14+$0x10]  }
0x20e: {  	v8 =	vmul.f32 v45, v8  }
0x20f: {  	v60 =	vmul.f32 v51, v50;
	v61 =	vmul.f32 v53, v52  }
0x210: {  	v62 =	vmul.f32 v55, v54;
	v63 =	vmul.f32 v57, v56  }
0x211: {  	v11 =	vmul.f32 v48, v47;
	v19 =	vmul.f32 v58, v49  }
0x212: {  	v10 =	vmul.f32 v59, v46;
	v9 =	vadd.f32 v61, v60;
	v20 =	vadd.f32 v63, v62  }
0x213: {  	v11 =	vadd.f32 v19, v11  }
0x214: {  	v8 =	vadd.f32 v10, v8;
	v21 =	vperm.xlane v9, v0;
	v22 =	vperm.xlane v20, v0  }
0x215: {  	v23 =	vperm.xlane v11, v0  }
0x216: {  	v24 =	vperm.xlane v8, v0;
	v9 =	vadd.f32 v21, v9;
	v25 =	vadd.f32 v22, v20  }
0x217: {  	v11 =	vadd.f32 v23, v11  }
0x218: {  	v8 =	vadd.f32 v24, v8;
	v26 =	vperm.xlane v9, v1;
	v13 =	vperm.xlane v25, v1  }
0x219: {  	v14 =	vperm.xlane v11, v1  }
0x21a: {  	v15 =	vperm.xlane v8, v1;
	v9 =	vadd.f32 v26, v9;
	v10 =	vadd.f32 v13, v25  }
0x21b: {  	v11 =	vadd.f32 v14, v11  }
0x21c: {  	v8 =	vadd.f32 v15, v8;
	v9 =	vsel vm0, v10, v9  }
0x21d: {  	v9 =	vsel vm1, v9, v11  }
0x21e: {  	v8 =	vsel vm2, v8, v9  }
0x21f: {  	v9 =	vperm.xlane v8, v2;
	_ =	sdelay $0x1  }
0x220: {  	v8 =	vadd.f32 v8, v9;
	_ =	sdelay $0x1  }
0x221: {  	v9 =	vperm.xlane v8, v3;
	_ =	sdelay $0x1  }
0x222: {  	v8 =	vadd.f32 v8, v9;
	_ =	sdelay $0x1  }
0x223: {  	v8 =	vmul.f32 $1.767766920e-01, v8;
	_ =	sdelay $0x1  }
0x224: {  	v8 =	vmul.f32 $1.442695020e+00, v8;
	_ =	sdelay $0x1  }
0x225: {  	(erf) = vpow2.f32 v8;
	_ =	sdelay $0x6  }
0x226: {  	v8 =	vld [tilespmem:s14+$0x80];
	_ =	sdelay $0x1  }
0x227: {  	v27 =	vpop (erf)  }
0x228: {  	v28 =	vperm.xlane v27, v4;
	_ =	sdelay $0x1  }
0x229: {  	v8 =	vmul.f32 v8, v28;
	_ =	sdelay $0x1  }
0x22a: {  	[tilespmem:s9+$0x0] =	vst v8  }
0x22b: {  	v8 =	vld [tilespmem:s14+$0x90];
	_ =	sdelay $0x4  }
0x22c: {  	v8 =	vmul.f32 v8, v28;
	_ =	sdelay $0x1  }
0x22d: {  	[tilespmem:s9+$0x10] =	vst v8  }
0x22e: {  	v8 =	vld [tilespmem:s14+$0xA0];
	_ =	sdelay $0x2  }
0x22f: {  	v29 =	vperm.xlane v27, v5;
	_ =	sdelay $0x1  }
0x230: {  	v8 =	vmul.f32 v8, v29;
	_ =	sdelay $0x1  }
0x231: {  	[tilespmem:s9+$0x20] =	vst v8  }
0x232: {  	v8 =	vld [tilespmem:s14+$0xB0];
	_ =	sdelay $0x4  }
0x233: {  	v8 =	vmul.f32 v8, v29;
	_ =	sdelay $0x1  }
0x234: {  	[tilespmem:s9+$0x30] =	vst v8  }
0x235: {  	v8 =	vld [tilespmem:s14+$0xC0];
	_ =	sdelay $0x2  }
0x236: {  	v30 =	vperm.xlane v27, v6;
	_ =	sdelay $0x1  }
0x237: {  	v8 =	vmul.f32 v8, v30;
	_ =	sdelay $0x1  }
0x238: {  	[tilespmem:s9+$0x40] =	vst v8  }
0x239: {  	v8 =	vld [tilespmem:s14+$0xD0];
	_ =	sdelay $0x4  }
0x23a: {  	v8 =	vmul.f32 v8, v30;
	_ =	sdelay $0x1  }
0x23b: {  	[tilespmem:s9+$0x50] =	vst v8  }
0x23c: {  	v8 =	vld [tilespmem:s14+$0xE0];
	_ =	sdelay $0x2  }
0x23d: {  	v31 =	vperm.xlane v27, v7;
	_ =	sdelay $0x1  }
0x23e: {  	v8 =	vmul.f32 v8, v31;
	_ =	sdelay $0x1  }
0x23f: {  	[tilespmem:s9+$0x60] =	vst v8  }
0x240: {  	v8 =	vld [tilespmem:s14+$0xF0];
	_ =	sdelay $0x4  }
0x241: {  	v8 =	vmul.f32 v8, v31;
	_ =	sdelay $0x1  }
0x242: {  	[tilespmem:s9+$0x70] =	vst v8;
	v8 =	vnsel vm3, $0x0, v27  }
0x243: {  	[tilespmem:s9+$0x80] =	vst v8  }
0x244: {  	v8 =	vld [tilespmem:s11+$0x80]  }
0x245: {  	v32 =	vld [tilespmem:s14+$0x100]  }
0x246: {  	v33 =	vld [tilespmem:s11+$0x90]  }
0x247: {  	v34 =	vld [tilespmem:s11+$0xA0]  }
0x248: {  	v35 =	vld [tilespmem:s14+$0x120]  }
0x249: {  	v36 =	vld [tilespmem:s11+$0xB0]  }
0x24a: {  	v37 =	vld [tilespmem:s11+$0xC0]  }
0x24b: {  	v38 =	vld [tilespmem:s14+$0x140]  }
0x24c: {  	v39 =	vld [tilespmem:s11+$0xD0]  }
0x24d: {  	v40 =	vld [tilespmem:s14+$0x150]  }
0x24e: {  	v41 =	vld [tilespmem:s11+$0xE0]  }
0x24f: {  	v42 =	vld [tilespmem:s14+$0x160]  }
0x250: {  	v43 =	vld [tilespmem:s11+$0xF0]  }
0x251: {  	v44 =	vld [tilespmem:s14+$0x170]  }
0x252: {  	v45 =	vld [tilespmem:s14+$0x130]  }
0x253: {  	v46 =	vld [tilespmem:s14+$0x110]  }
0x254: {  	v8 =	vmul.f32 v32, v8  }
0x255: {  	v47 =	vmul.f32 v38, v37;
	v48 =	vmul.f32 v40, v39  }
0x256: {  	v49 =	vmul.f32 v42, v41;
	v50 =	vmul.f32 v44, v43  }
0x257: {  	v11 =	vmul.f32 v35, v34;
	v51 =	vmul.f32 v45, v36  }
0x258: {  	v10 =	vmul.f32 v46, v33;
	v9 =	vadd.f32 v48, v47;
	v52 =	vadd.f32 v50, v49  }
0x259: {  	v11 =	vadd.f32 v51, v11  }
0x25a: {  	v8 =	vadd.f32 v10, v8;
	v53 =	vperm.xlane v9, v0;
	v54 =	vperm.xlane v52, v0  }
0x25b: {  	v55 =	vperm.xlane v11, v0  }
0x25c: {  	v56 =	vperm.xlane v8, v0;
	v9 =	vadd.f32 v53, v9;
	v57 =	vadd.f32 v54, v52  }
0x25d: {  	v11 =	vadd.f32 v55, v11  }
0x25e: {  	v8 =	vadd.f32 v56, v8;
	v58 =	vperm.xlane v9, v1;
	v13 =	vperm.xlane v57, v1  }
0x25f: {  	v14 =	vperm.xlane v11, v1  }
0x260: {  	v15 =	vperm.xlane v8, v1;
	v9 =	vadd.f32 v58, v9;
	v10 =	vadd.f32 v13, v57  }
0x261: {  	v11 =	vadd.f32 v14, v11  }
0x262: {  	v8 =	vadd.f32 v15, v8;
	v9 =	vsel vm0, v10, v9  }
0x263: {  	v9 =	vsel vm1, v9, v11  }
0x264: {  	v8 =	vsel vm2, v8, v9  }
0x265: {  	v9 =	vperm.xlane v8, v2;
	_ =	sdelay $0x1  }
0x266: {  	v8 =	vadd.f32 v8, v9;
	_ =	sdelay $0x1  }
0x267: {  	v9 =	vperm.xlane v8, v3;
	_ =	sdelay $0x1  }
0x268: {  	v8 =	vadd.f32 v8, v9;
	_ =	sdelay $0x1  }
0x269: {  	v8 =	vmul.f32 $1.767766920e-01, v8;
	_ =	sdelay $0x1  }
0x26a: {  	v8 =	vmul.f32 $1.442695020e+00, v8;
	_ =	sdelay $0x1  }
0x26b: {  	(erf) = vpow2.f32 v8;
	_ =	sdelay $0x6  }
0x26c: {  	v8 =	vld [tilespmem:s14+$0x180];
	_ =	sdelay $0x1  }
0x26d: {  	v59 =	vpop (erf)  }
0x26e: {  	v60 =	vperm.xlane v59, v4;
	_ =	sdelay $0x1  }
0x26f: {  	v8 =	vmul.f32 v8, v60;
	_ =	sdelay $0x1  }
0x270: {  	[tilespmem:s9+$0x90] =	vst v8  }
0x271: {  	v8 =	vld [tilespmem:s14+$0x190];
	_ =	sdelay $0x4  }
0x272: {  	v8 =	vmul.f32 v8, v60;
	_ =	sdelay $0x1  }
0x273: {  	[tilespmem:s9+$0xA0] =	vst v8  }
0x274: {  	v8 =	vld [tilespmem:s14+$0x1A0];
	_ =	sdelay $0x2  }
0x275: {  	v61 =	vperm.xlane v59, v5;
	_ =	sdelay $0x1  }
0x276: {  	v8 =	vmul.f32 v8, v61;
	_ =	sdelay $0x1  }
0x277: {  	[tilespmem:s9+$0xB0] =	vst v8  }
0x278: {  	v8 =	vld [tilespmem:s14+$0x1B0];
	_ =	sdelay $0x4  }
0x279: {  	v8 =	vmul.f32 v8, v61;
	_ =	sdelay $0x1  }
0x27a: {  	[tilespmem:s9+$0xC0] =	vst v8  }
0x27b: {  	v8 =	vld [tilespmem:s14+$0x1C0];
	_ =	sdelay $0x2  }
0x27c: {  	v62 =	vperm.xlane v59, v6;
	_ =	sdelay $0x1  }
0x27d: {  	v8 =	vmul.f32 v8, v62;
	_ =	sdelay $0x1  }
0x27e: {  	[tilespmem:s9+$0xD0] =	vst v8  }
0x27f: {  	v8 =	vld [tilespmem:s14+$0x1D0];
	_ =	sdelay $0x4  }
0x280: {  	v8 =	vmul.f32 v8, v62;
	_ =	sdelay $0x1  }
0x281: {  	[tilespmem:s9+$0xE0] =	vst v8  }
0x282: {  	v8 =	vld [tilespmem:s14+$0x1E0];
	_ =	sdelay $0x2  }
0x283: {  	v63 =	vperm.xlane v59, v7;
	_ =	sdelay $0x1  }
0x284: {  	v8 =	vmul.f32 v8, v63;
	_ =	sdelay $0x1  }
0x285: {  	[tilespmem:s9+$0xF0] =	vst v8  }
0x286: {  	v8 =	vld [tilespmem:s14+$0x1F0];
	_ =	sdelay $0x1  }
0x287: {  	s10 =	sadd.s32 $0x4, s10  }
0x288: {  	p0 =	slt.u32 s10, $0x24  }
.Ltmp1:
0x289: {  	_ = 	snop;
	(pc) =	sbr.rel @p0 .LBB2_5-.Ltmp1, $3  }
0x28a: {  	v8 =	vmul.f32 v8, v63;
	_ =	sdelay $0x1  }
0x28b: {  	[tilespmem:s9+$0x100] =	vst v8;
	v8 =	vnsel vm3, $0x0, v59  }
0x28c: {  	s11 =	sadd.s32 $0x200, s11;
	s14 =	sadd.s32 $0x400, s14;
	[tilespmem:s9+$0x110] =	vst v8;
	s9 =	sadd.s32 $0x240, s9  }
0x28d: {  	s8 =	sadd.s32 $0x1, s8  }
0x28e: {  	p0 =	sne.s32 s8, $0x7D  }
.Ltmp2:
0x28f: {  	_ = 	snop;
	(pc) =	sbr.rel @p0 .LBB2_2-.Ltmp2, $2  }
0x290: {  	_ =	sdelay $0x2  }
0x291: {  	[spmem:s2] =	stream.indirect.scatter.add.f32 [tilespmem:s29], [sflag:$0x6], $0x90, s22, s18, $0xb8;
	[tilespmem:$0x1F720] =	vst v63  }
0x292: {  	_ =	swait.ge [sflag:s30], $0x1680  }
0x293: {  	[sflag:s30] =	ssyncset.done $0x0  }
0x294: {  	[sflag:s30] =	ssyncadd.s32 $0xFFFFE980  }
0x295: {  	_ =	swait.ge [sflag:s23], $0x1400  }
0x296: {  	[sflag:s23] =	ssyncset.done $0x0  }
0x297: {  	[sflag:s23] =	ssyncadd.s32 $0xFFFFEC00  }
0x298: {  	_ =	swait.ge [sflag:s24], $0x2800  }
0x299: {  	[sflag:s24] =	ssyncset.done $0x0  }
0x29a: {  	[sflag:s24] =	ssyncadd.s32 $0xFFFFD800  }
0x29b: {  	[bflag:$0x0] =	sbarrier.arrive $0xFFFF  }
0x29c: {  	s8 =	rddreg [dreg:$0x7]  }
0x29d: {  	s10 =	rddreg [dreg:$0x9]  }
0x29e: {  	[hbm:s8], [sflag:s16] =	dma.local [spmem:s10], $0x2D00  }
0x29f: {  	_ =	swait.ge [sflag:s17], $0x2D00  }
0x2a0: {  	s9 =	smov.u32 s16;
	s3 =	sadd.s32 $0x1, s3;
	s16 =	rddreg [dreg:$0x8]  }
0x2a1: {  	p0 =	sne.s32 s3, s16  }
.Ltmp3:
0x2a2: {  	_ = 	snop;
	(pc) =	sbr.rel @p0 .LBB2_1-.Ltmp3, $3  }
0x2a3: {  	_ =	sdelay $0x1  }
0x2a4: {  	[sflag:s17] =	ssyncset.done $0x0  }
0x2a5: {  	[sflag:s17] =	ssyncadd.s32 $0xFFFFD300  }
0x2a6: {  	_ =	sfence.sel $0x180000  }
0x2a7: {  	[bflag:$0x0] =	sbarrier.arrive $0xFFFF  }
0x2a8: {  	_ =	strace $0x90000047  }
0x2a9: {  	s0 =	stileid.u32;
	[bflag:$0x2] =	sbarrier.arrive $0xFFFF  }
0x2aa: {  	p0 =	sne.s32 s0, $0x0;
	s0 =	rddreg [dreg:$0x3]  }
0x2ab: {  	s0 =	sadd.s32 @!p0 $0x100000, s0  }
0x2ac: {  	[sflag:s0] =	ssyncadd.tile.s32 @!p0 $0x1;
	_ =	shalt  }
.Lfunc_end2:
_tile_overlayer_lowered:
.L_overlay_start_2:
0x2ad: {  	(tag) =	ssettag $0x2  }
0x2ae: {  	s0 =	rddreg [dreg:$0x0];
	s2 =	stileid.u32  }
0x2af: {  	s1 =	rddreg [dreg:$0x1];
	p0 =	sne.s32 s2, $0x0  }
0x2b0: {  	s3 =	rddreg [dreg:$0x2];
	[bflag:$0x3] =	sbarrier.arrive $0xFFFF;
	s2 =	simm.s32 @!p0 $0x1C07  }
0x2b1: {  	[timem:s3], [sflag:s2] =	dma.local @!p0 [hbm:s0], s1  }
0x2b2: {  	s0 =	simm.s32 @!p0 $0x7  }
0x2b3: {  	_ =	swait.ge @!p0 [sflag:s0], s1  }
0x2b4: {  	s1 =	ssub.s32 @!p0 $0x0, s1;
	[sflag:s0] =	ssyncset.done @!p0 $0x0  }
0x2b5: {  	[sflag:s0] =	ssyncadd.s32 @!p0 s1  }
0x2b6: {  	[bflag:$0x3] =	sbarrier.arrive $0xFFFF  }
0x2b7: {  	_ =	shalt  }

</sc_bundles>
